<compile_context>
chip_gen: v7x
topology: tpu7x:2x2x1
jax: 0.10.2.dev20260603
libtpu: 0.0.44.dev20260713+nightly
codegen_flags: <defaults>
</compile_context>

<pallas_src>
import functools

import jax
import jax.numpy as jnp
from jax import lax
from jax.experimental import pallas as pl
from jax.experimental.pallas import tpu as pltpu
from jax.experimental.pallas import tpu_sc as plsc

B, N, C = 64, 243, 512
HEADS = 8
HD = C // HEADS
CLUSTER = 81
KNN = 7
NPAD = 256
KPAD = 96
RSEL = 128
SQRT_C = float(C) ** 0.5
NEG_INF = float("-inf")
def _rowize(v, iota_r, iota_c):
    sel = iota_r == iota_c
    return jnp.sum(jnp.where(sel, jnp.broadcast_to(v, (NPAD, NPAD)), 0.0),
                   axis=0, keepdims=True)


def _colize(v, iota_r, iota_c):
    sel = iota_r == iota_c
    return jnp.sum(jnp.where(sel, jnp.broadcast_to(v, (NPAD, NPAD)), 0.0),
                   axis=1, keepdims=True)


def _score_body(x_ref, idx_ref):
    for t in range(BB):
        _score_one(x_ref[t], idx_ref, t)


def _score_one(xb, idx_ref, t):
    iota_r = lax.broadcasted_iota(jnp.int32, (NPAD, NPAD), 0)
    iota_c = lax.broadcasted_iota(jnp.int32, (NPAD, NPAD), 1)
    rowvalid = iota_r < N
    inf = jnp.float32(jnp.inf)

    n2 = jnp.sum(xb * xb, axis=1, keepdims=True)
    n2r = _rowize(n2, iota_r, iota_c)
    g = lax.dot_general(xb, xb, (((1,), (1,)), ((), ())),
                        preferred_element_type=jnp.float32)
    d2 = n2 + n2r - 2.0 * g
    d2c = jnp.maximum(d2, 0.0)

    work = jnp.where(rowvalid, d2c, inf)
    acc = jnp.zeros((1, NPAD), jnp.float32)
    left = jnp.full((1, NPAD), KNN, jnp.int32)
    for _ in range(KNN):
        m = jnp.min(work, axis=0, keepdims=True)
        hit = work == m
        cnt = jnp.sum(hit.astype(jnp.int32), axis=0, keepdims=True)
        take = jnp.minimum(cnt, left)
        left = left - take
        dnear = jnp.sqrt(m) / SQRT_C
        acc = acc + take.astype(jnp.float32) * (dnear * dnear)
        work = jnp.where(hit, inf, work)
    densr = jnp.exp(-(acc / KNN))
    densr = densr + lax.broadcasted_iota(
        jnp.int32, (1, NPAD), 1).astype(jnp.float32) * jnp.float32(1e-6)
    densc = _colize(densr, iota_r, iota_c)

    colvalid = iota_c < N
    d2max = jnp.max(jnp.where(rowvalid & colvalid, d2c, -inf))
    mask = (densc > densr) & rowvalid
    parent_d2 = jnp.min(jnp.where(mask, d2c, d2max), axis=0, keepdims=True)
    parent = jnp.sqrt(parent_d2) / SQRT_C

    scorer = parent * densr
    scorer = jnp.where(lax.broadcasted_iota(jnp.int32, (1, NPAD), 1) < N,
                       scorer, -inf)
    score = _colize(scorer, iota_r, iota_c)

    beat = (scorer > score) | ((scorer == score) & (iota_c < iota_r))
    rank = jnp.sum(beat.astype(jnp.int32), axis=1, keepdims=True)

    iota_rr = lax.broadcasted_iota(jnp.int32, (NPAD, RSEL), 1)
    ival = lax.broadcasted_iota(jnp.int32, (NPAD, RSEL), 0)
    out = jnp.sum(jnp.where(rank == iota_rr, ival, 0), axis=0, keepdims=True)
    idx_ref[t] = out.reshape(1, RSEL)


def _score_call(x):
    return pl.pallas_call(
        _score_body,
        grid=(B // BB,),
        in_specs=[pl.BlockSpec((BB, NPAD, C), lambda b: (b, 0, 0))],
        out_specs=pl.BlockSpec((BB, 1, RSEL), lambda b: (b, 0, 0)),
        out_shape=jax.ShapeDtypeStruct((B, 1, RSEL), jnp.int32),
    )(x)


_NC = 2
_NS = 16
_NW = _NC * _NS
_B_PER_W = B // _NW
_PER_W = _B_PER_W * KPAD


def _gather_body(x_hbm, idx_hbm, out_hbm, idx_v, rows_v, sem):
    wid = lax.axis_index("s") * _NC + lax.axis_index("c")
    b0 = wid * _B_PER_W
    pltpu.sync_copy(idx_hbm.at[pl.ds(b0, _B_PER_W)], idx_v)
    cps = [
        pltpu.async_copy(x_hbm.at[b0 + j].at[idx_v.at[j]],
                         rows_v.at[pl.ds(j * KPAD, KPAD)], sem)
        for j in range(_B_PER_W)
    ]
    for cp in cps:
        cp.wait()
    pltpu.sync_copy(rows_v, out_hbm.at[pl.ds(b0 * KPAD, _PER_W)])


@functools.cache
def _gather_call():
    return pl.kernel(
        _gather_body,
        out_type=jax.ShapeDtypeStruct((B * KPAD, C), jnp.float32),
        mesh=plsc.VectorSubcoreMesh(core_axis_name="c", subcore_axis_name="s"),
        scratch_types=[
            pltpu.VMEM((_B_PER_W, KPAD), jnp.int32),
            pltpu.VMEM((_PER_W, C), jnp.float32),
            pltpu.SemaphoreType.DMA,
        ],
    )


BB = 4


def _attn_body(x_ref, cen_ref, pos_ref, wq_ref, wk_ref, wv_ref, wp_ref,
               bp_ref, o_ref):
    pos = pos_ref[0]
    scale = jnp.float32(HD ** -0.5)
    kmask = lax.broadcasted_iota(jnp.int32, (NPAD, KPAD), 1) < CLUSTER
    for t in range(BB):
        xb = x_ref[t]
        cen = cen_ref[t * KPAD:(t + 1) * KPAD, :] + pos
        xb16 = xb.astype(jnp.bfloat16)
        cen16 = cen.astype(jnp.bfloat16)
        q = jnp.dot(xb16, wq_ref[...], preferred_element_type=jnp.float32)
        k = jnp.dot(cen16, wk_ref[...], preferred_element_type=jnp.float32)
        v = jnp.dot(cen16, wv_ref[...],
                    preferred_element_type=jnp.float32).astype(jnp.bfloat16)
        outs = []
        for h in range(HEADS):
            qh = q[:, h * HD:(h + 1) * HD].astype(jnp.bfloat16)
            kh = k[:, h * HD:(h + 1) * HD].astype(jnp.bfloat16)
            vh = v[:, h * HD:(h + 1) * HD]
            s = lax.dot_general(qh, kh, (((1,), (1,)), ((), ())),
                                preferred_element_type=jnp.float32) * scale
            e = jnp.where(kmask, jnp.exp(s), 0.0)
            r = 1.0 / jnp.sum(e, axis=1, keepdims=True)
            av = jnp.dot(e.astype(jnp.bfloat16), vh,
                         preferred_element_type=jnp.float32)
            outs.append(av * r)
        o = jnp.concatenate(outs, axis=1).astype(jnp.bfloat16)
        res = jnp.dot(o, wp_ref[...], preferred_element_type=jnp.float32)
        o_ref[t] = (res + bp_ref[...] + xb)[:N]


def _attn_call(x, centers_flat, pos_pad, Wq, Wk, Wv, Wp, bp2):
    wspec = pl.BlockSpec((C, C), lambda b: (0, 0))
    return pl.pallas_call(
        _attn_body,
        grid=(B // BB,),
        in_specs=[
            pl.BlockSpec((BB, NPAD, C), lambda b: (b, 0, 0)),
            pl.BlockSpec((BB * KPAD, C), lambda b: (b, 0)),
            pl.BlockSpec((1, KPAD, C), lambda b: (0, 0, 0)),
            wspec, wspec, wspec, wspec,
            pl.BlockSpec((1, C), lambda b: (0, 0)),
        ],
        out_specs=pl.BlockSpec((BB, N, C), lambda b: (b, 0, 0)),
        out_shape=jax.ShapeDtypeStruct((B, N, C), jnp.float32),
    )(x, centers_flat, pos_pad, Wq, Wk, Wv, Wp, bp2)


def kernel(x, Wq, Wk, Wv, Wp, bp, pos_embed):
    idx3 = _score_call(x)
    idx2 = idx3[:, 0, :KPAD]
    centers_flat = _gather_call()(x, idx2)
    pos_pad = jnp.pad(pos_embed, ((0, 0), (0, KPAD - CLUSTER), (0, 0)))
    return _attn_call(x, centers_flat, pos_pad,
                      Wq.astype(jnp.bfloat16), Wk.astype(jnp.bfloat16),
                      Wv.astype(jnp.bfloat16), Wp.astype(jnp.bfloat16),
                      bp.reshape(1, C))

# --- scband reference (transcript-rebuilt; emitter-appended) ---
"""Pipeline reference for scband-glcblock-57844619542927 (READ-ONLY COPY).

The authoritative reference and input builder live on the scoring server;
editing this copy changes nothing except your own understanding.
"""

import jax, jax.numpy as jnp
import numpy as np

B, N, C = 64, 243, 512
HEADS = 8
CLUSTER = 81
KNN = 7


def _cdist(x):
    n2 = jnp.sum(x * x, axis=-1)
    d2 = n2[:, :, None] + n2[:, None, :] - 2.0 * jnp.einsum('bnc,bmc->bnm', x, x)
    return jnp.sqrt(jnp.maximum(d2, 0.0))


def cluster_dpc_knn(x, cluster_num, k):
    b, n, c = x.shape
    dist = _cdist(x) / (c ** 0.5)
    neg_nearest, _ = jax.lax.top_k(-dist, k)
    dist_nearest = -neg_nearest
    density = jnp.exp(-(dist_nearest ** 2).mean(axis=-1))
    # deterministic tiny jitter replacing torch.rand * 1e-6 tie-breaker
    density = density + jnp.arange(n, dtype=x.dtype)[None, :] * 1e-6
    mask = (density[:, None, :] > density[:, :, None]).astype(x.dtype)
    dist_max = dist.reshape(b, -1).max(axis=-1)[:, None, None]
    parent_dist = (dist * mask + dist_max * (1.0 - mask)).min(axis=-1)
    score = parent_dist * density
    _, index_down = jax.lax.top_k(score, cluster_num)
    dm = jnp.take_along_axis(dist, index_down[:, :, None], axis=1)  # [b, cluster, n]
    idx_cluster = jnp.argmin(dm, axis=1)  # [b, n]
    b_idx = jnp.arange(b)[:, None]
    idx_cluster = idx_cluster.at[b_idx, index_down].set(jnp.arange(cluster_num)[None, :])
    return index_down, idx_cluster


def cross_attention(q_in, kv_in, Wq, Wk, Wv, Wp, bp, num_heads):
    b, n, c = q_in.shape
    n1 = kv_in.shape[1]
    hd = c // num_heads
    scale = hd ** -0.5
    q = (q_in @ Wq).reshape(b, n, num_heads, hd).transpose(0, 2, 1, 3)
    k = (kv_in @ Wk).reshape(b, n1, num_heads, hd).transpose(0, 2, 1, 3)
    v = (kv_in @ Wv).reshape(b, n1, num_heads, hd).transpose(0, 2, 1, 3)
    attn = jax.nn.softmax(jnp.einsum('bhnd,bhmd->bhnm', q, k) * scale, axis=-1)
    out = jnp.einsum('bhnm,bhmd->bhnd', attn, v).transpose(0, 2, 1, 3).reshape(b, n, c)
    return out @ Wp + bp


def setup_inputs(seed: int = 0) -> dict:
    key = jax.random.key(seed)
    ks = jax.random.split(key, 8)
    s = 1.0 / np.sqrt(C)
    return {
        'x': jax.random.normal(ks[0], (B, N, C), dtype=jnp.float32),
        'Wq': jax.random.normal(ks[1], (C, C), dtype=jnp.float32) * s,
        'Wk': jax.random.normal(ks[2], (C, C), dtype=jnp.float32) * s,
        'Wv': jax.random.normal(ks[3], (C, C), dtype=jnp.float32) * s,
        'Wp': jax.random.normal(ks[4], (C, C), dtype=jnp.float32) * s,
        'bp': jnp.zeros((C,), dtype=jnp.float32),
        'pos_embed': jax.random.normal(ks[5], (1, CLUSTER, C), dtype=jnp.float32) * 0.02,
    }


def reference(x, Wq, Wk, Wv, Wp, bp, pos_embed):
    # DPC-KNN token clustering (torch.no_grad in original -> stop_gradient)
    index_down, idx_cluster = cluster_dpc_knn(jax.lax.stop_gradient(x), CLUSTER, KNN)
    # gather cluster-center tokens (index_points) and add learned token pos embed
    centers = jnp.take_along_axis(x, index_down[:, :, None], axis=1) + pos_embed
    # cross attention: full sequence queries attend to pruned cluster tokens
    out = cross_attention(x, centers, Wq, Wk, Wv, Wp, bp, HEADS)
    return x + out

if __name__ == "__main__":
    import jax
    _d = setup_inputs()
    print(jax.jit(kernel)(*tuple(_d.values())))

</pallas_src>

<mosaic_0001>
#map = affine_map<(d0, d1) -> (0, 0, 0)>
#map1 = affine_map<(d0, d1) -> (0, 0)>
module attributes {stable_mosaic.version = 14 : i64} {
  func.func @_gather_body(%arg0: i32, %arg1: i32, %arg2: memref<64x243x512xf32, #tpu.memory_space<hbm>>, %arg3: memref<64x96xi32, #tpu.memory_space<hbm>>, %arg4: memref<6144x512xf32, #tpu.memory_space<hbm>>, %arg5: memref<2x96xi32, #tpu.memory_space<vmem>>, %arg6: memref<192x512xf32, #tpu.memory_space<vmem>>, %arg7: memref<!tpu.dma_semaphore, #tpu.memory_space<semaphore_mem>>) attributes {dimension_semantics = [#tpu.dimension_semantics<core_parallel>, #tpu.dimension_semantics<subcore_parallel>], iteration_bounds = array<i64: 2, 16>, scalar_prefetch = 0 : i64, scratch_operands = 3 : i64, tpu.core_type = #tpu.core_type<sc_vector_subcore>, window_params = [{transform_indices = #map}, {transform_indices = #map1}, {transform_indices = #map1}]} {
    %mul3A = arith.constant 2 : i32
    %mul3A_0 = arith.muli %arg1, %mul3A : i32
    %add3A = arith.addi %mul3A_0, %arg0 : i32
    %mul3A_1 = arith.constant 2 : i32
    %mul3A_2 = arith.muli %add3A, %mul3A_1 : i32
    "tpu.region"() ({
      %run_scoped3A = tpu.sem_alloc : memref<!tpu.dma_semaphore, #tpu.memory_space<semaphore_mem>>
      %dma_start3A_63 = arith.constant 0 : i32
      %dma_start3A_64 = tpu.memref_slice %arg3[%mul3A_2, %dma_start3A_63] : memref<64x96xi32, #tpu.memory_space<hbm>> -> memref<2x96xi32, #tpu.memory_space<hbm>>
      %dma_start3A_65 = arith.constant 0 : i32
      %dma_start3A_66 = tpu.memref_slice %arg3[%mul3A_2, %dma_start3A_65] : memref<64x96xi32, #tpu.memory_space<hbm>> -> memref<2x96xi32, #tpu.memory_space<hbm>>
      tpu.enqueue_dma source(%dma_start3A_66 : memref<2x96xi32, #tpu.memory_space<hbm>>) target(%arg5 : memref<2x96xi32, #tpu.memory_space<vmem>>) target_semaphore(%run_scoped3A : memref<!tpu.dma_semaphore, #tpu.memory_space<semaphore_mem>>)
      %dma_wait3A_67 = arith.constant 0 : i32
      %dma_wait3A_68 = tpu.memref_slice %arg3[%mul3A_2, %dma_wait3A_67] : memref<64x96xi32, #tpu.memory_space<hbm>> -> memref<2x96xi32, #tpu.memory_space<hbm>>
      %dma_wait3A_69 = arith.constant 0 : i32
      %dma_wait3A_70 = tpu.memref_slice %arg3[%mul3A_2, %dma_wait3A_69] : memref<64x96xi32, #tpu.memory_space<hbm>> -> memref<2x96xi32, #tpu.memory_space<hbm>>
      tpu.wait_dma2 semaphore(%run_scoped3A : memref<!tpu.dma_semaphore, #tpu.memory_space<semaphore_mem>>) src(%dma_wait3A_70 : memref<2x96xi32, #tpu.memory_space<hbm>>) dst(%arg5 : memref<2x96xi32, #tpu.memory_space<vmem>>)
      tpu.yield
    }) : () -> ()
    %add3A_3 = arith.constant 0 : i32
    %add3A_4 = arith.addi %mul3A_2, %add3A_3 : i32
    %dma_start3A = arith.constant 0 : i32
    %dma_start3A_5 = arith.constant 0 : i32
    %dma_start3A_6 = arith.constant 0 : i32
    %dma_start3A_7 = tpu.memref_slice %arg6[%dma_start3A_5, %dma_start3A_6] : memref<192x512xf32, #tpu.memory_space<vmem>> -> memref<96x512xf32, #tpu.memory_space<vmem>>
    %dma_start3A_8 = arith.constant 0 : i32
    %dma_start3A_9 = tpu.memref_slice %arg5[%dma_start3A, %dma_start3A_8] : memref<2x96xi32, #tpu.memory_space<vmem>> -> memref<1x96xi32, #tpu.memory_space<vmem>>
    %dma_start3A_10 = tpu.memref_squeeze %dma_start3A_9 : memref<1x96xi32, #tpu.memory_space<vmem>> -> memref<96xi32, #tpu.memory_space<vmem>>
    %dma_start3A_11 = arith.constant 0 : i32
    %dma_start3A_12 = arith.constant 0 : i32
    %dma_start3A_13 = tpu.memref_slice %arg2[%add3A_4, %dma_start3A_11, %dma_start3A_12] : memref<64x243x512xf32, #tpu.memory_space<hbm>> -> memref<1x243x512xf32, #tpu.memory_space<hbm>>
    %dma_start3A_14 = tpu.memref_squeeze %dma_start3A_13 : memref<1x243x512xf32, #tpu.memory_space<hbm>> -> memref<243x512xf32, #tpu.memory_space<hbm>>
    %dma_start3A_15 = arith.constant 0 : i32
    %dma_start3A_16 = arith.constant 0 : i32
    %dma_start3A_17 = tpu.memref_slice %dma_start3A_14[%dma_start3A_15, %dma_start3A_16] : memref<243x512xf32, #tpu.memory_space<hbm>> -> memref<243x512xf32, #tpu.memory_space<hbm>>
    tpu.enqueue_indirect_dma source(%dma_start3A_17 : memref<243x512xf32, #tpu.memory_space<hbm>>) target(%dma_start3A_7 : memref<96x512xf32, #tpu.memory_space<vmem>>) offsets(%dma_start3A_10 : memref<96xi32, #tpu.memory_space<vmem>>) semaphore(%arg7 : memref<!tpu.dma_semaphore, #tpu.memory_space<semaphore_mem>>)
    %add3A_18 = arith.constant 1 : i32
    %add3A_19 = arith.addi %mul3A_2, %add3A_18 : i32
    %dma_start3A_20 = arith.constant 1 : i32
    %dma_start3A_21 = arith.constant 96 : i32
    %dma_start3A_22 = arith.constant 0 : i32
    %dma_start3A_23 = tpu.memref_slice %arg6[%dma_start3A_21, %dma_start3A_22] : memref<192x512xf32, #tpu.memory_space<vmem>> -> memref<96x512xf32, #tpu.memory_space<vmem>>
    %dma_start3A_24 = arith.constant 0 : i32
    %dma_start3A_25 = tpu.memref_slice %arg5[%dma_start3A_20, %dma_start3A_24] : memref<2x96xi32, #tpu.memory_space<vmem>> -> memref<1x96xi32, #tpu.memory_space<vmem>>
    %dma_start3A_26 = tpu.memref_squeeze %dma_start3A_25 : memref<1x96xi32, #tpu.memory_space<vmem>> -> memref<96xi32, #tpu.memory_space<vmem>>
    %dma_start3A_27 = arith.constant 0 : i32
    %dma_start3A_28 = arith.constant 0 : i32
    %dma_start3A_29 = tpu.memref_slice %arg2[%add3A_19, %dma_start3A_27, %dma_start3A_28] : memref<64x243x512xf32, #tpu.memory_space<hbm>> -> memref<1x243x512xf32, #tpu.memory_space<hbm>>
    %dma_start3A_30 = tpu.memref_squeeze %dma_start3A_29 : memref<1x243x512xf32, #tpu.memory_space<hbm>> -> memref<243x512xf32, #tpu.memory_space<hbm>>
    %dma_start3A_31 = arith.constant 0 : i32
    %dma_start3A_32 = arith.constant 0 : i32
    %dma_start3A_33 = tpu.memref_slice %dma_start3A_30[%dma_start3A_31, %dma_start3A_32] : memref<243x512xf32, #tpu.memory_space<hbm>> -> memref<243x512xf32, #tpu.memory_space<hbm>>
    tpu.enqueue_indirect_dma source(%dma_start3A_33 : memref<243x512xf32, #tpu.memory_space<hbm>>) target(%dma_start3A_23 : memref<96x512xf32, #tpu.memory_space<vmem>>) offsets(%dma_start3A_26 : memref<96xi32, #tpu.memory_space<vmem>>) semaphore(%arg7 : memref<!tpu.dma_semaphore, #tpu.memory_space<semaphore_mem>>)
    %dma_wait3A = arith.constant 0 : i32
    %dma_wait3A_34 = arith.constant 0 : i32
    %dma_wait3A_35 = arith.constant 0 : i32
    %dma_wait3A_36 = tpu.memref_slice %arg6[%dma_wait3A_34, %dma_wait3A_35] : memref<192x512xf32, #tpu.memory_space<vmem>> -> memref<96x512xf32, #tpu.memory_space<vmem>>
    %dma_wait3A_37 = arith.constant 0 : i32
    %dma_wait3A_38 = tpu.memref_slice %arg5[%dma_wait3A, %dma_wait3A_37] : memref<2x96xi32, #tpu.memory_space<vmem>> -> memref<1x96xi32, #tpu.memory_space<vmem>>
    %dma_wait3A_39 = tpu.memref_squeeze %dma_wait3A_38 : memref<1x96xi32, #tpu.memory_space<vmem>> -> memref<96xi32, #tpu.memory_space<vmem>>
    %dma_wait3A_40 = arith.constant 0 : i32
    %dma_wait3A_41 = arith.constant 0 : i32
    %dma_wait3A_42 = tpu.memref_slice %arg2[%add3A_4, %dma_wait3A_40, %dma_wait3A_41] : memref<64x243x512xf32, #tpu.memory_space<hbm>> -> memref<1x243x512xf32, #tpu.memory_space<hbm>>
    %dma_wait3A_43 = tpu.memref_squeeze %dma_wait3A_42 : memref<1x243x512xf32, #tpu.memory_space<hbm>> -> memref<243x512xf32, #tpu.memory_space<hbm>>
    %dma_wait3A_44 = arith.constant 0 : i32
    %dma_wait3A_45 = arith.constant 0 : i32
    %dma_wait3A_46 = tpu.memref_slice %dma_wait3A_43[%dma_wait3A_44, %dma_wait3A_45] : memref<243x512xf32, #tpu.memory_space<hbm>> -> memref<243x512xf32, #tpu.memory_space<hbm>>
    tpu.wait_indirect_dma semaphore(%arg7 : memref<!tpu.dma_semaphore, #tpu.memory_space<semaphore_mem>>) src(%dma_wait3A_46 : memref<243x512xf32, #tpu.memory_space<hbm>>) dst(%dma_wait3A_36 : memref<96x512xf32, #tpu.memory_space<vmem>>)
    %dma_wait3A_47 = arith.constant 1 : i32
    %dma_wait3A_48 = arith.constant 96 : i32
    %dma_wait3A_49 = arith.constant 0 : i32
    %dma_wait3A_50 = tpu.memref_slice %arg6[%dma_wait3A_48, %dma_wait3A_49] : memref<192x512xf32, #tpu.memory_space<vmem>> -> memref<96x512xf32, #tpu.memory_space<vmem>>
    %dma_wait3A_51 = arith.constant 0 : i32
    %dma_wait3A_52 = tpu.memref_slice %arg5[%dma_wait3A_47, %dma_wait3A_51] : memref<2x96xi32, #tpu.memory_space<vmem>> -> memref<1x96xi32, #tpu.memory_space<vmem>>
    %dma_wait3A_53 = tpu.memref_squeeze %dma_wait3A_52 : memref<1x96xi32, #tpu.memory_space<vmem>> -> memref<96xi32, #tpu.memory_space<vmem>>
    %dma_wait3A_54 = arith.constant 0 : i32
    %dma_wait3A_55 = arith.constant 0 : i32
    %dma_wait3A_56 = tpu.memref_slice %arg2[%add3A_19, %dma_wait3A_54, %dma_wait3A_55] : memref<64x243x512xf32, #tpu.memory_space<hbm>> -> memref<1x243x512xf32, #tpu.memory_space<hbm>>
    %dma_wait3A_57 = tpu.memref_squeeze %dma_wait3A_56 : memref<1x243x512xf32, #tpu.memory_space<hbm>> -> memref<243x512xf32, #tpu.memory_space<hbm>>
    %dma_wait3A_58 = arith.constant 0 : i32
    %dma_wait3A_59 = arith.constant 0 : i32
    %dma_wait3A_60 = tpu.memref_slice %dma_wait3A_57[%dma_wait3A_58, %dma_wait3A_59] : memref<243x512xf32, #tpu.memory_space<hbm>> -> memref<243x512xf32, #tpu.memory_space<hbm>>
    tpu.wait_indirect_dma semaphore(%arg7 : memref<!tpu.dma_semaphore, #tpu.memory_space<semaphore_mem>>) src(%dma_wait3A_60 : memref<243x512xf32, #tpu.memory_space<hbm>>) dst(%dma_wait3A_50 : memref<96x512xf32, #tpu.memory_space<vmem>>)
    %mul3A_61 = arith.constant 96 : i32
    %mul3A_62 = arith.muli %mul3A_2, %mul3A_61 : i32
    "tpu.region"() ({
      %run_scoped3A = tpu.sem_alloc : memref<!tpu.dma_semaphore, #tpu.memory_space<semaphore_mem>>
      %dma_start3A_63 = arith.constant 0 : i32
      %dma_start3A_64 = tpu.memref_slice %arg4[%mul3A_62, %dma_start3A_63] : memref<6144x512xf32, #tpu.memory_space<hbm>> -> memref<192x512xf32, #tpu.memory_space<hbm>>
      %dma_start3A_65 = arith.constant 0 : i32
      %dma_start3A_66 = tpu.memref_slice %arg4[%mul3A_62, %dma_start3A_65] : memref<6144x512xf32, #tpu.memory_space<hbm>> -> memref<192x512xf32, #tpu.memory_space<hbm>>
      tpu.enqueue_dma source(%arg6 : memref<192x512xf32, #tpu.memory_space<vmem>>) target(%dma_start3A_66 : memref<192x512xf32, #tpu.memory_space<hbm>>) target_semaphore(%run_scoped3A : memref<!tpu.dma_semaphore, #tpu.memory_space<semaphore_mem>>)
      %dma_wait3A_67 = arith.constant 0 : i32
      %dma_wait3A_68 = tpu.memref_slice %arg4[%mul3A_62, %dma_wait3A_67] : memref<6144x512xf32, #tpu.memory_space<hbm>> -> memref<192x512xf32, #tpu.memory_space<hbm>>
      %dma_wait3A_69 = arith.constant 0 : i32
      %dma_wait3A_70 = tpu.memref_slice %arg4[%mul3A_62, %dma_wait3A_69] : memref<6144x512xf32, #tpu.memory_space<hbm>> -> memref<192x512xf32, #tpu.memory_space<hbm>>
      tpu.wait_dma2 semaphore(%run_scoped3A : memref<!tpu.dma_semaphore, #tpu.memory_space<semaphore_mem>>) src(%arg6 : memref<192x512xf32, #tpu.memory_space<vmem>>) dst(%dma_wait3A_70 : memref<192x512xf32, #tpu.memory_space<hbm>>)
      tpu.yield
    }) : () -> ()
    return
  }
}

module attributes {stable_mosaic.version = 14 : i64} {
  func.func @_attn_body(%arg0: i32, %arg1: memref<4x256x512xf32, #tpu.memory_space<vmem>>, %arg2: memref<384x512xf32, #tpu.memory_space<vmem>>, %arg3: memref<1x96x512xf32, #tpu.memory_space<vmem>>, %arg4: memref<512x512xbf16, #tpu.memory_space<vmem>>, %arg5: memref<512x512xbf16, #tpu.memory_space<vmem>>, %arg6: memref<512x512xbf16, #tpu.memory_space<vmem>>, %arg7: memref<512x512xbf16, #tpu.memory_space<vmem>>, %arg8: memref<1x512xf32, #tpu.memory_space<vmem>>, %arg9: memref<4x243x512xf32, #tpu.memory_space<vmem>>) attributes {dimension_semantics = [#tpu.dimension_semantics<arbitrary>], iteration_bounds = array<i64: 16>, scalar_prefetch = 0 : i64, scratch_operands = 0 : i64, tpu.core_type = #tpu.core_type<tc>, window_params = [{transform_indices = @transform_0, window_bounds = array<i64: 4, 256, 512>}, {transform_indices = @transform_1, window_bounds = array<i64: 384, 512>}, {pipeline_mode = #tpu.pipeline_mode<synchronous>, transform_indices = @transform_2, window_bounds = array<i64: 1, 96, 512>}, {pipeline_mode = #tpu.pipeline_mode<synchronous>, transform_indices = @transform_3, window_bounds = array<i64: 512, 512>}, {pipeline_mode = #tpu.pipeline_mode<synchronous>, transform_indices = @transform_4, window_bounds = array<i64: 512, 512>}, {pipeline_mode = #tpu.pipeline_mode<synchronous>, transform_indices = @transform_5, window_bounds = array<i64: 512, 512>}, {pipeline_mode = #tpu.pipeline_mode<synchronous>, transform_indices = @transform_6, window_bounds = array<i64: 512, 512>}, {pipeline_mode = #tpu.pipeline_mode<synchronous>, transform_indices = @transform_7, window_bounds = array<i64: 1, 512>}, {transform_indices = @transform_8, window_bounds = array<i64: 4, 243, 512>}]} {
    %get3A = arith.constant 0 : index
    %get3A_0 = arith.constant 0 : index
    %get3A_1 = arith.constant 0 : index
    %get3A_2 = vector.load %arg3[%get3A, %get3A_0, %get3A_1] : memref<1x96x512xf32, #tpu.memory_space<vmem>>, vector<1x96x512xf32>
    %get3A_3 = vector.shape_cast %get3A_2 : vector<1x96x512xf32> to vector<96x512xf32>
    %iota3A = tpu.iota {dimensions = array<i32: 1>} : vector<256x96xi32>
    %lt3A = arith.constant 81 : i32
    %lt3A_4 = vector.broadcast %lt3A : i32 to vector<256x96xi32>
    %lt3A_5 = arith.cmpi slt, %iota3A, %lt3A_4 : vector<256x96xi32>
    %get3A_6 = arith.constant 0 : index
    %get3A_7 = arith.constant 0 : index
    %get3A_8 = arith.constant 0 : index
    %get3A_9 = vector.load %arg1[%get3A_6, %get3A_7, %get3A_8] : memref<4x256x512xf32, #tpu.memory_space<vmem>>, vector<1x256x512xf32>
    %get3A_10 = vector.shape_cast %get3A_9 : vector<1x256x512xf32> to vector<256x512xf32>
    %get3A_11 = arith.constant 0 : index
    %get3A_12 = arith.constant 0 : index
    %get3A_13 = vector.load %arg2[%get3A_11, %get3A_12] : memref<384x512xf32, #tpu.memory_space<vmem>>, vector<96x512xf32>
    %add3A = arith.addf %get3A_13, %get3A_3 : vector<96x512xf32>
    %convert_element_type3A = arith.truncf %get3A_10 : vector<256x512xf32> to vector<256x512xbf16>
    %convert_element_type3A_14 = arith.truncf %add3A : vector<96x512xf32> to vector<96x512xbf16>
    %get3A_15 = arith.constant 0 : index
    %get3A_16 = arith.constant 0 : index
    %get3A_17 = vector.load %arg4[%get3A_15, %get3A_16] : memref<512x512xbf16, #tpu.memory_space<vmem>>, vector<512x512xbf16>
    %dot_general3A = arith.constant dense<0.000000e+00> : vector<256x512xf32>
    %dot_general3A_18 = tpu.matmul %convert_element_type3A, %get3A_17, %dot_general3A {dimension_numbers = #tpu.dot_dimension_numbers<[1], [0], [0], [1], [0, 0, 1, 1], [], []>, transpose_lhs_hint = false} : vector<256x512xbf16>, vector<512x512xbf16>, vector<256x512xf32> -> vector<256x512xf32>
    %get3A_19 = arith.constant 0 : index
    %get3A_20 = arith.constant 0 : index
    %get3A_21 = vector.load %arg5[%get3A_19, %get3A_20] : memref<512x512xbf16, #tpu.memory_space<vmem>>, vector<512x512xbf16>
    %dot_general3A_22 = arith.constant dense<0.000000e+00> : vector<96x512xf32>
    %dot_general3A_23 = tpu.matmul %convert_element_type3A_14, %get3A_21, %dot_general3A_22 {dimension_numbers = #tpu.dot_dimension_numbers<[1], [0], [0], [1], [0, 0, 1, 1], [], []>, transpose_lhs_hint = false} : vector<96x512xbf16>, vector<512x512xbf16>, vector<96x512xf32> -> vector<96x512xf32>
    %get3A_24 = arith.constant 0 : index
    %get3A_25 = arith.constant 0 : index
    %get3A_26 = vector.load %arg6[%get3A_24, %get3A_25] : memref<512x512xbf16, #tpu.memory_space<vmem>>, vector<512x512xbf16>
    %dot_general3A_27 = arith.constant dense<0.000000e+00> : vector<96x512xf32>
    %dot_general3A_28 = tpu.matmul %convert_element_type3A_14, %get3A_26, %dot_general3A_27 {dimension_numbers = #tpu.dot_dimension_numbers<[1], [0], [0], [1], [0, 0, 1, 1], [], []>, transpose_lhs_hint = false} : vector<96x512xbf16>, vector<512x512xbf16>, vector<96x512xf32> -> vector<96x512xf32>
    %convert_element_type3A_29 = arith.truncf %dot_general3A_28 : vector<96x512xf32> to vector<96x512xbf16>
    %slice3A = vector.extract_strided_slice %dot_general3A_18 {offsets = [0, 0], sizes = [256, 64], strides = [1, 1]} : vector<256x512xf32> to vector<256x64xf32>
    %convert_element_type3A_30 = arith.truncf %slice3A : vector<256x64xf32> to vector<256x64xbf16>
    %slice3A_31 = vector.extract_strided_slice %dot_general3A_23 {offsets = [0, 0], sizes = [96, 64], strides = [1, 1]} : vector<96x512xf32> to vector<96x64xf32>
    %convert_element_type3A_32 = arith.truncf %slice3A_31 : vector<96x64xf32> to vector<96x64xbf16>
    %slice3A_33 = vector.extract_strided_slice %convert_element_type3A_29 {offsets = [0, 0], sizes = [96, 64], strides = [1, 1]} : vector<96x512xbf16> to vector<96x64xbf16>
    %dot_general3A_34 = arith.constant dense<0.000000e+00> : vector<256x96xf32>
    %dot_general3A_35 = tpu.matmul %convert_element_type3A_30, %convert_element_type3A_32, %dot_general3A_34 {dimension_numbers = #tpu.dot_dimension_numbers<[1], [1], [0], [0], [0, 0, 1, 0], [], []>, transpose_lhs_hint = false} : vector<256x64xbf16>, vector<96x64xbf16>, vector<256x96xf32> -> vector<256x96xf32>
    %mul3A = arith.constant 1.250000e-01 : f32
    %mul3A_36 = vector.broadcast %mul3A : f32 to vector<256x96xf32>
    %mul3A_37 = arith.mulf %dot_general3A_35, %mul3A_36 : vector<256x96xf32>
    %exp3A = math.exp %mul3A_37 : vector<256x96xf32>
    %jit3A = arith.constant 0.000000e+00 : f32
    %broadcast_in_dim3A = vector.broadcast %jit3A : f32 to vector<256x96xf32>
    %select_n3A = arith.select %lt3A_5, %exp3A, %broadcast_in_dim3A : vector<256x96xi1>, vector<256x96xf32>
    %reduce_sum3A = arith.constant dense<0.000000e+00> : vector<256xf32>
    %reduce_sum3A_38 = vector.multi_reduction <add>, %select_n3A, %reduce_sum3A [1] : vector<256x96xf32> to vector<256xf32>
    %broadcast_in_dim3A_39 = vector.shape_cast %reduce_sum3A_38 : vector<256xf32> to vector<256x1xf32>
    %div3A = arith.constant 1.000000e+00 : f32
    %div3A_40 = vector.broadcast %div3A : f32 to vector<256x1xf32>
    %div3A_41 = arith.divf %div3A_40, %broadcast_in_dim3A_39 : vector<256x1xf32>
    %convert_element_type3A_42 = arith.truncf %select_n3A : vector<256x96xf32> to vector<256x96xbf16>
    %dot_general3A_43 = arith.constant dense<0.000000e+00> : vector<256x64xf32>
    %dot_general3A_44 = tpu.matmul %convert_element_type3A_42, %slice3A_33, %dot_general3A_43 {dimension_numbers = #tpu.dot_dimension_numbers<[1], [0], [0], [1], [0, 0, 1, 1], [], []>, transpose_lhs_hint = false} : vector<256x96xbf16>, vector<96x64xbf16>, vector<256x64xf32> -> vector<256x64xf32>
    %mul3A_45 = vector.broadcast %div3A_41 : vector<256x1xf32> to vector<256x64xf32>
    %mul3A_46 = arith.mulf %dot_general3A_44, %mul3A_45 : vector<256x64xf32>
    %slice3A_47 = vector.extract_strided_slice %dot_general3A_18 {offsets = [0, 64], sizes = [256, 64], strides = [1, 1]} : vector<256x512xf32> to vector<256x64xf32>
    %convert_element_type3A_48 = arith.truncf %slice3A_47 : vector<256x64xf32> to vector<256x64xbf16>
    %slice3A_49 = vector.extract_strided_slice %dot_general3A_23 {offsets = [0, 64], sizes = [96, 64], strides = [1, 1]} : vector<96x512xf32> to vector<96x64xf32>
    %convert_element_type3A_50 = arith.truncf %slice3A_49 : vector<96x64xf32> to vector<96x64xbf16>
    %slice3A_51 = vector.extract_strided_slice %convert_element_type3A_29 {offsets = [0, 64], sizes = [96, 64], strides = [1, 1]} : vector<96x512xbf16> to vector<96x64xbf16>
    %dot_general3A_52 = arith.constant dense<0.000000e+00> : vector<256x96xf32>
    %dot_general3A_53 = tpu.matmul %convert_element_type3A_48, %convert_element_type3A_50, %dot_general3A_52 {dimension_numbers = #tpu.dot_dimension_numbers<[1], [1], [0], [0], [0, 0, 1, 0], [], []>, transpose_lhs_hint = false} : vector<256x64xbf16>, vector<96x64xbf16>, vector<256x96xf32> -> vector<256x96xf32>
    %mul3A_54 = arith.constant 1.250000e-01 : f32
    %mul3A_55 = vector.broadcast %mul3A_54 : f32 to vector<256x96xf32>
    %mul3A_56 = arith.mulf %dot_general3A_53, %mul3A_55 : vector<256x96xf32>
    %exp3A_57 = math.exp %mul3A_56 : vector<256x96xf32>
    %jit3A_58 = arith.constant 0.000000e+00 : f32
    %broadcast_in_dim3A_59 = vector.broadcast %jit3A_58 : f32 to vector<256x96xf32>
    %select_n3A_60 = arith.select %lt3A_5, %exp3A_57, %broadcast_in_dim3A_59 : vector<256x96xi1>, vector<256x96xf32>
    %reduce_sum3A_61 = arith.constant dense<0.000000e+00> : vector<256xf32>
    %reduce_sum3A_62 = vector.multi_reduction <add>, %select_n3A_60, %reduce_sum3A_61 [1] : vector<256x96xf32> to vector<256xf32>
    %broadcast_in_dim3A_63 = vector.shape_cast %reduce_sum3A_62 : vector<256xf32> to vector<256x1xf32>
    %div3A_64 = arith.constant 1.000000e+00 : f32
    %div3A_65 = vector.broadcast %div3A_64 : f32 to vector<256x1xf32>
    %div3A_66 = arith.divf %div3A_65, %broadcast_in_dim3A_63 : vector<256x1xf32>
    %convert_element_type3A_67 = arith.truncf %select_n3A_60 : vector<256x96xf32> to vector<256x96xbf16>
    %dot_general3A_68 = arith.constant dense<0.000000e+00> : vector<256x64xf32>
    %dot_general3A_69 = tpu.matmul %convert_element_type3A_67, %slice3A_51, %dot_general3A_68 {dimension_numbers = #tpu.dot_dimension_numbers<[1], [0], [0], [1], [0, 0, 1, 1], [], []>, transpose_lhs_hint = false} : vector<256x96xbf16>, vector<96x64xbf16>, vector<256x64xf32> -> vector<256x64xf32>
    %mul3A_70 = vector.broadcast %div3A_66 : vector<256x1xf32> to vector<256x64xf32>
    %mul3A_71 = arith.mulf %dot_general3A_69, %mul3A_70 : vector<256x64xf32>
    %slice3A_72 = vector.extract_strided_slice %dot_general3A_18 {offsets = [0, 128], sizes = [256, 64], strides = [1, 1]} : vector<256x512xf32> to vector<256x64xf32>
    %convert_element_type3A_73 = arith.truncf %slice3A_72 : vector<256x64xf32> to vector<256x64xbf16>
    %slice3A_74 = vector.extract_strided_slice %dot_general3A_23 {offsets = [0, 128], sizes = [96, 64], strides = [1, 1]} : vector<96x512xf32> to vector<96x64xf32>
    %convert_element_type3A_75 = arith.truncf %slice3A_74 : vector<96x64xf32> to vector<96x64xbf16>
    %slice3A_76 = vector.extract_strided_slice %convert_element_type3A_29 {offsets = [0, 128], sizes = [96, 64], strides = [1, 1]} : vector<96x512xbf16> to vector<96x64xbf16>
    %dot_general3A_77 = arith.constant dense<0.000000e+00> : vector<256x96xf32>
    %dot_general3A_78 = tpu.matmul %convert_element_type3A_73, %convert_element_type3A_75, %dot_general3A_77 {dimension_numbers = #tpu.dot_dimension_numbers<[1], [1], [0], [0], [0, 0, 1, 0], [], []>, transpose_lhs_hint = false} : vector<256x64xbf16>, vector<96x64xbf16>, vector<256x96xf32> -> vector<256x96xf32>
    %mul3A_79 = arith.constant 1.250000e-01 : f32
    %mul3A_80 = vector.broadcast %mul3A_79 : f32 to vector<256x96xf32>
    %mul3A_81 = arith.mulf %dot_general3A_78, %mul3A_80 : vector<256x96xf32>
    %exp3A_82 = math.exp %mul3A_81 : vector<256x96xf32>
    %jit3A_83 = arith.constant 0.000000e+00 : f32
    %broadcast_in_dim3A_84 = vector.broadcast %jit3A_83 : f32 to vector<256x96xf32>
    %select_n3A_85 = arith.select %lt3A_5, %exp3A_82, %broadcast_in_dim3A_84 : vector<256x96xi1>, vector<256x96xf32>
    %reduce_sum3A_86 = arith.constant dense<0.000000e+00> : vector<256xf32>
    %reduce_sum3A_87 = vector.multi_reduction <add>, %select_n3A_85, %reduce_sum3A_86 [1] : vector<256x96xf32> to vector<256xf32>
    %broadcast_in_dim3A_88 = vector.shape_cast %reduce_sum3A_87 : vector<256xf32> to vector<256x1xf32>
    %div3A_89 = arith.constant 1.000000e+00 : f32
    %div3A_90 = vector.broadcast %div3A_89 : f32 to vector<256x1xf32>
    %div3A_91 = arith.divf %div3A_90, %broadcast_in_dim3A_88 : vector<256x1xf32>
    %convert_element_type3A_92 = arith.truncf %select_n3A_85 : vector<256x96xf32> to vector<256x96xbf16>
    %dot_general3A_93 = arith.constant dense<0.000000e+00> : vector<256x64xf32>
    %dot_general3A_94 = tpu.matmul %convert_element_type3A_92, %slice3A_76, %dot_general3A_93 {dimension_numbers = #tpu.dot_dimension_numbers<[1], [0], [0], [1], [0, 0, 1, 1], [], []>, transpose_lhs_hint = false} : vector<256x96xbf16>, vector<96x64xbf16>, vector<256x64xf32> -> vector<256x64xf32>
    %mul3A_95 = vector.broadcast %div3A_91 : vector<256x1xf32> to vector<256x64xf32>
    %mul3A_96 = arith.mulf %dot_general3A_94, %mul3A_95 : vector<256x64xf32>
    %slice3A_97 = vector.extract_strided_slice %dot_general3A_18 {offsets = [0, 192], sizes = [256, 64], strides = [1, 1]} : vector<256x512xf32> to vector<256x64xf32>
    %convert_element_type3A_98 = arith.truncf %slice3A_97 : vector<256x64xf32> to vector<256x64xbf16>
    %slice3A_99 = vector.extract_strided_slice %dot_general3A_23 {offsets = [0, 192], sizes = [96, 64], strides = [1, 1]} : vector<96x512xf32> to vector<96x64xf32>
    %convert_element_type3A_100 = arith.truncf %slice3A_99 : vector<96x64xf32> to vector<96x64xbf16>
    %slice3A_101 = vector.extract_strided_slice %convert_element_type3A_29 {offsets = [0, 192], sizes = [96, 64], strides = [1, 1]} : vector<96x512xbf16> to vector<96x64xbf16>
    %dot_general3A_102 = arith.constant dense<0.000000e+00> : vector<256x96xf32>
    %dot_general3A_103 = tpu.matmul %convert_element_type3A_98, %convert_element_type3A_100, %dot_general3A_102 {dimension_numbers = #tpu.dot_dimension_numbers<[1], [1], [0], [0], [0, 0, 1, 0], [], []>, transpose_lhs_hint = false} : vector<256x64xbf16>, vector<96x64xbf16>, vector<256x96xf32> -> vector<256x96xf32>
    %mul3A_104 = arith.constant 1.250000e-01 : f32
    %mul3A_105 = vector.broadcast %mul3A_104 : f32 to vector<256x96xf32>
    %mul3A_106 = arith.mulf %dot_general3A_103, %mul3A_105 : vector<256x96xf32>
    %exp3A_107 = math.exp %mul3A_106 : vector<256x96xf32>
    %jit3A_108 = arith.constant 0.000000e+00 : f32
    %broadcast_in_dim3A_109 = vector.broadcast %jit3A_108 : f32 to vector<256x96xf32>
    %select_n3A_110 = arith.select %lt3A_5, %exp3A_107, %broadcast_in_dim3A_109 : vector<256x96xi1>, vector<256x96xf32>
    %reduce_sum3A_111 = arith.constant dense<0.000000e+00> : vector<256xf32>
    %reduce_sum3A_112 = vector.multi_reduction <add>, %select_n3A_110, %reduce_sum3A_111 [1] : vector<256x96xf32> to vector<256xf32>
    %broadcast_in_dim3A_113 = vector.shape_cast %reduce_sum3A_112 : vector<256xf32> to vector<256x1xf32>
    %div3A_114 = arith.constant 1.000000e+00 : f32
    %div3A_115 = vector.broadcast %div3A_114 : f32 to vector<256x1xf32>
    %div3A_116 = arith.divf %div3A_115, %broadcast_in_dim3A_113 : vector<256x1xf32>
    %convert_element_type3A_117 = arith.truncf %select_n3A_110 : vector<256x96xf32> to vector<256x96xbf16>
    %dot_general3A_118 = arith.constant dense<0.000000e+00> : vector<256x64xf32>
    %dot_general3A_119 = tpu.matmul %convert_element_type3A_117, %slice3A_101, %dot_general3A_118 {dimension_numbers = #tpu.dot_dimension_numbers<[1], [0], [0], [1], [0, 0, 1, 1], [], []>, transpose_lhs_hint = false} : vector<256x96xbf16>, vector<96x64xbf16>, vector<256x64xf32> -> vector<256x64xf32>
    %mul3A_120 = vector.broadcast %div3A_116 : vector<256x1xf32> to vector<256x64xf32>
    %mul3A_121 = arith.mulf %dot_general3A_119, %mul3A_120 : vector<256x64xf32>
    %slice3A_122 = vector.extract_strided_slice %dot_general3A_18 {offsets = [0, 256], sizes = [256, 64], strides = [1, 1]} : vector<256x512xf32> to vector<256x64xf32>
    %convert_element_type3A_123 = arith.truncf %slice3A_122 : vector<256x64xf32> to vector<256x64xbf16>
    %slice3A_124 = vector.extract_strided_slice %dot_general3A_23 {offsets = [0, 256], sizes = [96, 64], strides = [1, 1]} : vector<96x512xf32> to vector<96x64xf32>
    %convert_element_type3A_125 = arith.truncf %slice3A_124 : vector<96x64xf32> to vector<96x64xbf16>
    %slice3A_126 = vector.extract_strided_slice %convert_element_type3A_29 {offsets = [0, 256], sizes = [96, 64], strides = [1, 1]} : vector<96x512xbf16> to vector<96x64xbf16>
    %dot_general3A_127 = arith.constant dense<0.000000e+00> : vector<256x96xf32>
    %dot_general3A_128 = tpu.matmul %convert_element_type3A_123, %convert_element_type3A_125, %dot_general3A_127 {dimension_numbers = #tpu.dot_dimension_numbers<[1], [1], [0], [0], [0, 0, 1, 0], [], []>, transpose_lhs_hint = false} : vector<256x64xbf16>, vector<96x64xbf16>, vector<256x96xf32> -> vector<256x96xf32>
    %mul3A_129 = arith.constant 1.250000e-01 : f32
    %mul3A_130 = vector.broadcast %mul3A_129 : f32 to vector<256x96xf32>
    %mul3A_131 = arith.mulf %dot_general3A_128, %mul3A_130 : vector<256x96xf32>
    %exp3A_132 = math.exp %mul3A_131 : vector<256x96xf32>
    %jit3A_133 = arith.constant 0.000000e+00 : f32
    %broadcast_in_dim3A_134 = vector.broadcast %jit3A_133 : f32 to vector<256x96xf32>
    %select_n3A_135 = arith.select %lt3A_5, %exp3A_132, %broadcast_in_dim3A_134 : vector<256x96xi1>, vector<256x96xf32>
    %reduce_sum3A_136 = arith.constant dense<0.000000e+00> : vector<256xf32>
    %reduce_sum3A_137 = vector.multi_reduction <add>, %select_n3A_135, %reduce_sum3A_136 [1] : vector<256x96xf32> to vector<256xf32>
    %broadcast_in_dim3A_138 = vector.shape_cast %reduce_sum3A_137 : vector<256xf32> to vector<256x1xf32>
    %div3A_139 = arith.constant 1.000000e+00 : f32
    %div3A_140 = vector.broadcast %div3A_139 : f32 to vector<256x1xf32>
    %div3A_141 = arith.divf %div3A_140, %broadcast_in_dim3A_138 : vector<256x1xf32>
    %convert_element_type3A_142 = arith.truncf %select_n3A_135 : vector<256x96xf32> to vector<256x96xbf16>
    %dot_general3A_143 = arith.constant dense<0.000000e+00> : vector<256x64xf32>
    %dot_general3A_144 = tpu.matmul %convert_element_type3A_142, %slice3A_126, %dot_general3A_143 {dimension_numbers = #tpu.dot_dimension_numbers<[1], [0], [0], [1], [0, 0, 1, 1], [], []>, transpose_lhs_hint = false} : vector<256x96xbf16>, vector<96x64xbf16>, vector<256x64xf32> -> vector<256x64xf32>
    %mul3A_145 = vector.broadcast %div3A_141 : vector<256x1xf32> to vector<256x64xf32>
    %mul3A_146 = arith.mulf %dot_general3A_144, %mul3A_145 : vector<256x64xf32>
    %slice3A_147 = vector.extract_strided_slice %dot_general3A_18 {offsets = [0, 320], sizes = [256, 64], strides = [1, 1]} : vector<256x512xf32> to vector<256x64xf32>
    %convert_element_type3A_148 = arith.truncf %slice3A_147 : vector<256x64xf32> to vector<256x64xbf16>
    %slice3A_149 = vector.extract_strided_slice %dot_general3A_23 {offsets = [0, 320], sizes = [96, 64], strides = [1, 1]} : vector<96x512xf32> to vector<96x64xf32>
    %convert_element_type3A_150 = arith.truncf %slice3A_149 : vector<96x64xf32> to vector<96x64xbf16>
    %slice3A_151 = vector.extract_strided_slice %convert_element_type3A_29 {offsets = [0, 320], sizes = [96, 64], strides = [1, 1]} : vector<96x512xbf16> to vector<96x64xbf16>
    %dot_general3A_152 = arith.constant dense<0.000000e+00> : vector<256x96xf32>
    %dot_general3A_153 = tpu.matmul %convert_element_type3A_148, %convert_element_type3A_150, %dot_general3A_152 {dimension_numbers = #tpu.dot_dimension_numbers<[1], [1], [0], [0], [0, 0, 1, 0], [], []>, transpose_lhs_hint = false} : vector<256x64xbf16>, vector<96x64xbf16>, vector<256x96xf32> -> vector<256x96xf32>
    %mul3A_154 = arith.constant 1.250000e-01 : f32
    %mul3A_155 = vector.broadcast %mul3A_154 : f32 to vector<256x96xf32>
    %mul3A_156 = arith.mulf %dot_general3A_153, %mul3A_155 : vector<256x96xf32>
    %exp3A_157 = math.exp %mul3A_156 : vector<256x96xf32>
    %jit3A_158 = arith.constant 0.000000e+00 : f32
    %broadcast_in_dim3A_159 = vector.broadcast %jit3A_158 : f32 to vector<256x96xf32>
    %select_n3A_160 = arith.select %lt3A_5, %exp3A_157, %broadcast_in_dim3A_159 : vector<256x96xi1>, vector<256x96xf32>
    %reduce_sum3A_161 = arith.constant dense<0.000000e+00> : vector<256xf32>
    %reduce_sum3A_162 = vector.multi_reduction <add>, %select_n3A_160, %reduce_sum3A_161 [1] : vector<256x96xf32> to vector<256xf32>
    %broadcast_in_dim3A_163 = vector.shape_cast %reduce_sum3A_162 : vector<256xf32> to vector<256x1xf32>
    %div3A_164 = arith.constant 1.000000e+00 : f32
    %div3A_165 = vector.broadcast %div3A_164 : f32 to vector<256x1xf32>
    %div3A_166 = arith.divf %div3A_165, %broadcast_in_dim3A_163 : vector<256x1xf32>
    %convert_element_type3A_167 = arith.truncf %select_n3A_160 : vector<256x96xf32> to vector<256x96xbf16>
    %dot_general3A_168 = arith.constant dense<0.000000e+00> : vector<256x64xf32>
    %dot_general3A_169 = tpu.matmul %convert_element_type3A_167, %slice3A_151, %dot_general3A_168 {dimension_numbers = #tpu.dot_dimension_numbers<[1], [0], [0], [1], [0, 0, 1, 1], [], []>, transpose_lhs_hint = false} : vector<256x96xbf16>, vector<96x64xbf16>, vector<256x64xf32> -> vector<256x64xf32>
    %mul3A_170 = vector.broadcast %div3A_166 : vector<256x1xf32> to vector<256x64xf32>
    %mul3A_171 = arith.mulf %dot_general3A_169, %mul3A_170 : vector<256x64xf32>
    %slice3A_172 = vector.extract_strided_slice %dot_general3A_18 {offsets = [0, 384], sizes = [256, 64], strides = [1, 1]} : vector<256x512xf32> to vector<256x64xf32>
    %convert_element_type3A_173 = arith.truncf %slice3A_172 : vector<256x64xf32> to vector<256x64xbf16>
    %slice3A_174 = vector.extract_strided_slice %dot_general3A_23 {offsets = [0, 384], sizes = [96, 64], strides = [1, 1]} : vector<96x512xf32> to vector<96x64xf32>
    %convert_element_type3A_175 = arith.truncf %slice3A_174 : vector<96x64xf32> to vector<96x64xbf16>
    %slice3A_176 = vector.extract_strided_slice %convert_element_type3A_29 {offsets = [0, 384], sizes = [96, 64], strides = [1, 1]} : vector<96x512xbf16> to vector<96x64xbf16>
    %dot_general3A_177 = arith.constant dense<0.000000e+00> : vector<256x96xf32>
    %dot_general3A_178 = tpu.matmul %convert_element_type3A_173, %convert_element_type3A_175, %dot_general3A_177 {dimension_numbers = #tpu.dot_dimension_numbers<[1], [1], [0], [0], [0, 0, 1, 0], [], []>, transpose_lhs_hint = false} : vector<256x64xbf16>, vector<96x64xbf16>, vector<256x96xf32> -> vector<256x96xf32>
    %mul3A_179 = arith.constant 1.250000e-01 : f32
    %mul3A_180 = vector.broadcast %mul3A_179 : f32 to vector<256x96xf32>
    %mul3A_181 = arith.mulf %dot_general3A_178, %mul3A_180 : vector<256x96xf32>
    %exp3A_182 = math.exp %mul3A_181 : vector<256x96xf32>
    %jit3A_183 = arith.constant 0.000000e+00 : f32
    %broadcast_in_dim3A_184 = vector.broadcast %jit3A_183 : f32 to vector<256x96xf32>
    %select_n3A_185 = arith.select %lt3A_5, %exp3A_182, %broadcast_in_dim3A_184 : vector<256x96xi1>, vector<256x96xf32>
    %reduce_sum3A_186 = arith.constant dense<0.000000e+00> : vector<256xf32>
    %reduce_sum3A_187 = vector.multi_reduction <add>, %select_n3A_185, %reduce_sum3A_186 [1] : vector<256x96xf32> to vector<256xf32>
    %broadcast_in_dim3A_188 = vector.shape_cast %reduce_sum3A_187 : vector<256xf32> to vector<256x1xf32>
    %div3A_189 = arith.constant 1.000000e+00 : f32
    %div3A_190 = vector.broadcast %div3A_189 : f32 to vector<256x1xf32>
    %div3A_191 = arith.divf %div3A_190, %broadcast_in_dim3A_188 : vector<256x1xf32>
    %convert_element_type3A_192 = arith.truncf %select_n3A_185 : vector<256x96xf32> to vector<256x96xbf16>
    %dot_general3A_193 = arith.constant dense<0.000000e+00> : vector<256x64xf32>
    %dot_general3A_194 = tpu.matmul %convert_element_type3A_192, %slice3A_176, %dot_general3A_193 {dimension_numbers = #tpu.dot_dimension_numbers<[1], [0], [0], [1], [0, 0, 1, 1], [], []>, transpose_lhs_hint = false} : vector<256x96xbf16>, vector<96x64xbf16>, vector<256x64xf32> -> vector<256x64xf32>
    %mul3A_195 = vector.broadcast %div3A_191 : vector<256x1xf32> to vector<256x64xf32>
    %mul3A_196 = arith.mulf %dot_general3A_194, %mul3A_195 : vector<256x64xf32>
    %slice3A_197 = vector.extract_strided_slice %dot_general3A_18 {offsets = [0, 448], sizes = [256, 64], strides = [1, 1]} : vector<256x512xf32> to vector<256x64xf32>
    %convert_element_type3A_198 = arith.truncf %slice3A_197 : vector<256x64xf32> to vector<256x64xbf16>
    %slice3A_199 = vector.extract_strided_slice %dot_general3A_23 {offsets = [0, 448], sizes = [96, 64], strides = [1, 1]} : vector<96x512xf32> to vector<96x64xf32>
    %convert_element_type3A_200 = arith.truncf %slice3A_199 : vector<96x64xf32> to vector<96x64xbf16>
    %slice3A_201 = vector.extract_strided_slice %convert_element_type3A_29 {offsets = [0, 448], sizes = [96, 64], strides = [1, 1]} : vector<96x512xbf16> to vector<96x64xbf16>
    %dot_general3A_202 = arith.constant dense<0.000000e+00> : vector<256x96xf32>
    %dot_general3A_203 = tpu.matmul %convert_element_type3A_198, %convert_element_type3A_200, %dot_general3A_202 {dimension_numbers = #tpu.dot_dimension_numbers<[1], [1], [0], [0], [0, 0, 1, 0], [], []>, transpose_lhs_hint = false} : vector<256x64xbf16>, vector<96x64xbf16>, vector<256x96xf32> -> vector<256x96xf32>
    %mul3A_204 = arith.constant 1.250000e-01 : f32
    %mul3A_205 = vector.broadcast %mul3A_204 : f32 to vector<256x96xf32>
    %mul3A_206 = arith.mulf %dot_general3A_203, %mul3A_205 : vector<256x96xf32>
    %exp3A_207 = math.exp %mul3A_206 : vector<256x96xf32>
    %jit3A_208 = arith.constant 0.000000e+00 : f32
    %broadcast_in_dim3A_209 = vector.broadcast %jit3A_208 : f32 to vector<256x96xf32>
    %select_n3A_210 = arith.select %lt3A_5, %exp3A_207, %broadcast_in_dim3A_209 : vector<256x96xi1>, vector<256x96xf32>
    %reduce_sum3A_211 = arith.constant dense<0.000000e+00> : vector<256xf32>
    %reduce_sum3A_212 = vector.multi_reduction <add>, %select_n3A_210, %reduce_sum3A_211 [1] : vector<256x96xf32> to vector<256xf32>
    %broadcast_in_dim3A_213 = vector.shape_cast %reduce_sum3A_212 : vector<256xf32> to vector<256x1xf32>
    %div3A_214 = arith.constant 1.000000e+00 : f32
    %div3A_215 = vector.broadcast %div3A_214 : f32 to vector<256x1xf32>
    %div3A_216 = arith.divf %div3A_215, %broadcast_in_dim3A_213 : vector<256x1xf32>
    %convert_element_type3A_217 = arith.truncf %select_n3A_210 : vector<256x96xf32> to vector<256x96xbf16>
    %dot_general3A_218 = arith.constant dense<0.000000e+00> : vector<256x64xf32>
    %dot_general3A_219 = tpu.matmul %convert_element_type3A_217, %slice3A_201, %dot_general3A_218 {dimension_numbers = #tpu.dot_dimension_numbers<[1], [0], [0], [1], [0, 0, 1, 1], [], []>, transpose_lhs_hint = false} : vector<256x96xbf16>, vector<96x64xbf16>, vector<256x64xf32> -> vector<256x64xf32>
    %mul3A_220 = vector.broadcast %div3A_216 : vector<256x1xf32> to vector<256x64xf32>
    %mul3A_221 = arith.mulf %dot_general3A_219, %mul3A_220 : vector<256x64xf32>
    %concatenate3A = tpu.concatenate %mul3A_46, %mul3A_71, %mul3A_96, %mul3A_121, %mul3A_146, %mul3A_171, %mul3A_196, %mul3A_221 in 1 : vector<256x64xf32>, vector<256x64xf32>, vector<256x64xf32>, vector<256x64xf32>, vector<256x64xf32>, vector<256x64xf32>, vector<256x64xf32>, vector<256x64xf32> -> vector<256x512xf32>
    %convert_element_type3A_222 = arith.truncf %concatenate3A : vector<256x512xf32> to vector<256x512xbf16>
    %get3A_223 = arith.constant 0 : index
    %get3A_224 = arith.constant 0 : index
    %get3A_225 = vector.load %arg7[%get3A_223, %get3A_224] : memref<512x512xbf16, #tpu.memory_space<vmem>>, vector<512x512xbf16>
    %dot_general3A_226 = arith.constant dense<0.000000e+00> : vector<256x512xf32>
    %dot_general3A_227 = tpu.matmul %convert_element_type3A_222, %get3A_225, %dot_general3A_226 {dimension_numbers = #tpu.dot_dimension_numbers<[1], [0], [0], [1], [0, 0, 1, 1], [], []>, transpose_lhs_hint = false} : vector<256x512xbf16>, vector<512x512xbf16>, vector<256x512xf32> -> vector<256x512xf32>
    %get3A_228 = arith.constant 0 : index
    %get3A_229 = arith.constant 0 : index
    %get3A_230 = vector.load %arg8[%get3A_228, %get3A_229] : memref<1x512xf32, #tpu.memory_space<vmem>>, vector<1x512xf32>
    %add3A_231 = vector.broadcast %get3A_230 : vector<1x512xf32> to vector<256x512xf32>
    %add3A_232 = arith.addf %dot_general3A_227, %add3A_231 : vector<256x512xf32>
    %add3A_233 = arith.addf %add3A_232, %get3A_10 : vector<256x512xf32>
    %slice3A_234 = vector.extract_strided_slice %add3A_233 {offsets = [0, 0], sizes = [243, 512], strides = [1, 1]} : vector<256x512xf32> to vector<243x512xf32>
    %swap3A = arith.constant 0 : index
    %swap3A_235 = arith.constant 0 : index
    %swap3A_236 = arith.constant 0 : index
    %swap3A_237 = vector.load %arg9[%swap3A, %swap3A_235, %swap3A_236] : memref<4x243x512xf32, #tpu.memory_space<vmem>>, vector<1x243x512xf32>
    %swap3A_238 = vector.shape_cast %swap3A_237 : vector<1x243x512xf32> to vector<243x512xf32>
    %swap3A_239 = vector.shape_cast %slice3A_234 : vector<243x512xf32> to vector<1x243x512xf32>
    tpu.vector_store %arg9[%swap3A, %swap3A_235, %swap3A_236], %swap3A_239 {strides = array<i32>} : memref<4x243x512xf32, #tpu.memory_space<vmem>>, vector<1x243x512xf32>,
    %get3A_240 = arith.constant 1 : index
    %get3A_241 = arith.constant 0 : index
    %get3A_242 = arith.constant 0 : index
    %get3A_243 = vector.load %arg1[%get3A_240, %get3A_241, %get3A_242] : memref<4x256x512xf32, #tpu.memory_space<vmem>>, vector<1x256x512xf32>
    %get3A_244 = vector.shape_cast %get3A_243 : vector<1x256x512xf32> to vector<256x512xf32>
    %get3A_245 = arith.constant 96 : index
    %get3A_246 = arith.constant 0 : index
    %get3A_247 = vector.load %arg2[%get3A_245, %get3A_246] : memref<384x512xf32, #tpu.memory_space<vmem>>, vector<96x512xf32>
    %add3A_248 = arith.addf %get3A_247, %get3A_3 : vector<96x512xf32>
    %convert_element_type3A_249 = arith.truncf %get3A_244 : vector<256x512xf32> to vector<256x512xbf16>
    %convert_element_type3A_250 = arith.truncf %add3A_248 : vector<96x512xf32> to vector<96x512xbf16>
    %get3A_251 = arith.constant 0 : index
    %get3A_252 = arith.constant 0 : index
    %get3A_253 = vector.load %arg4[%get3A_251, %get3A_252] : memref<512x512xbf16, #tpu.memory_space<vmem>>, vector<512x512xbf16>
    %dot_general3A_254 = arith.constant dense<0.000000e+00> : vector<256x512xf32>
    %dot_general3A_255 = tpu.matmul %convert_element_type3A_249, %get3A_253, %dot_general3A_254 {dimension_numbers = #tpu.dot_dimension_numbers<[1], [0], [0], [1], [0, 0, 1, 1], [], []>, transpose_lhs_hint = false} : vector<256x512xbf16>, vector<512x512xbf16>, vector<256x512xf32> -> vector<256x512xf32>
    %get3A_256 = arith.constant 0 : index
    %get3A_257 = arith.constant 0 : index
    %get3A_258 = vector.load %arg5[%get3A_256, %get3A_257] : memref<512x512xbf16, #tpu.memory_space<vmem>>, vector<512x512xbf16>
    %dot_general3A_259 = arith.constant dense<0.000000e+00> : vector<96x512xf32>
    %dot_general3A_260 = tpu.matmul %convert_element_type3A_250, %get3A_258, %dot_general3A_259 {dimension_numbers = #tpu.dot_dimension_numbers<[1], [0], [0], [1], [0, 0, 1, 1], [], []>, transpose_lhs_hint = false} : vector<96x512xbf16>, vector<512x512xbf16>, vector<96x512xf32> -> vector<96x512xf32>
    %get3A_261 = arith.constant 0 : index
    %get3A_262 = arith.constant 0 : index
    %get3A_263 = vector.load %arg6[%get3A_261, %get3A_262] : memref<512x512xbf16, #tpu.memory_space<vmem>>, vector<512x512xbf16>
    %dot_general3A_264 = arith.constant dense<0.000000e+00> : vector<96x512xf32>
    %dot_general3A_265 = tpu.matmul %convert_element_type3A_250, %get3A_263, %dot_general3A_264 {dimension_numbers = #tpu.dot_dimension_numbers<[1], [0], [0], [1], [0, 0, 1, 1], [], []>, transpose_lhs_hint = false} : vector<96x512xbf16>, vector<512x512xbf16>, vector<96x512xf32> -> vector<96x512xf32>
    %convert_element_type3A_266 = arith.truncf %dot_general3A_265 : vector<96x512xf32> to vector<96x512xbf16>
    %slice3A_267 = vector.extract_strided_slice %dot_general3A_255 {offsets = [0, 0], sizes = [256, 64], strides = [1, 1]} : vector<256x512xf32> to vector<256x64xf32>
    %convert_element_type3A_268 = arith.truncf %slice3A_267 : vector<256x64xf32> to vector<256x64xbf16>
    %slice3A_269 = vector.extract_strided_slice %dot_general3A_260 {offsets = [0, 0], sizes = [96, 64], strides = [1, 1]} : vector<96x512xf32> to vector<96x64xf32>
    %convert_element_type3A_270 = arith.truncf %slice3A_269 : vector<96x64xf32> to vector<96x64xbf16>
    %slice3A_271 = vector.extract_strided_slice %convert_element_type3A_266 {offsets = [0, 0], sizes = [96, 64], strides = [1, 1]} : vector<96x512xbf16> to vector<96x64xbf16>
    %dot_general3A_272 = arith.constant dense<0.000000e+00> : vector<256x96xf32>
    %dot_general3A_273 = tpu.matmul %convert_element_type3A_268, %convert_element_type3A_270, %dot_general3A_272 {dimension_numbers = #tpu.dot_dimension_numbers<[1], [1], [0], [0], [0, 0, 1, 0], [], []>, transpose_lhs_hint = false} : vector<256x64xbf16>, vector<96x64xbf16>, vector<256x96xf32> -> vector<256x96xf32>
    %mul3A_274 = arith.constant 1.250000e-01 : f32
    %mul3A_275 = vector.broadcast %mul3A_274 : f32 to vector<256x96xf32>
    %mul3A_276 = arith.mulf %dot_general3A_273, %mul3A_275 : vector<256x96xf32>
    %exp3A_277 = math.exp %mul3A_276 : vector<256x96xf32>
    %jit3A_278 = arith.constant 0.000000e+00 : f32
    %broadcast_in_dim3A_279 = vector.broadcast %jit3A_278 : f32 to vector<256x96xf32>
    %select_n3A_280 = arith.select %lt3A_5, %exp3A_277, %broadcast_in_dim3A_279 : vector<256x96xi1>, vector<256x96xf32>
    %reduce_sum3A_281 = arith.constant dense<0.000000e+00> : vector<256xf32>
    %reduce_sum3A_282 = vector.multi_reduction <add>, %select_n3A_280, %reduce_sum3A_281 [1] : vector<256x96xf32> to vector<256xf32>
    %broadcast_in_dim3A_283 = vector.shape_cast %reduce_sum3A_282 : vector<256xf32> to vector<256x1xf32>
    %div3A_284 = arith.constant 1.000000e+00 : f32
    %div3A_285 = vector.broadcast %div3A_284 : f32 to vector<256x1xf32>
    %div3A_286 = arith.divf %div3A_285, %broadcast_in_dim3A_283 : vector<256x1xf32>
    %convert_element_type3A_287 = arith.truncf %select_n3A_280 : vector<256x96xf32> to vector<256x96xbf16>
    %dot_general3A_288 = arith.constant dense<0.000000e+00> : vector<256x64xf32>
    %dot_general3A_289 = tpu.matmul %convert_element_type3A_287, %slice3A_271, %dot_general3A_288 {dimension_numbers = #tpu.dot_dimension_numbers<[1], [0], [0], [1], [0, 0, 1, 1], [], []>, transpose_lhs_hint = false} : vector<256x96xbf16>, vector<96x64xbf16>, vector<256x64xf32> -> vector<256x64xf32>
    %mul3A_290 = vector.broadcast %div3A_286 : vector<256x1xf32> to vector<256x64xf32>
    %mul3A_291 = arith.mulf %dot_general3A_289, %mul3A_290 : vector<256x64xf32>
    %slice3A_292 = vector.extract_strided_slice %dot_general3A_255 {offsets = [0, 64], sizes = [256, 64], strides = [1, 1]} : vector<256x512xf32> to vector<256x64xf32>
    %convert_element_type3A_293 = arith.truncf %slice3A_292 : vector<256x64xf32> to vector<256x64xbf16>
    %slice3A_294 = vector.extract_strided_slice %dot_general3A_260 {offsets = [0, 64], sizes = [96, 64], strides = [1, 1]} : vector<96x512xf32> to vector<96x64xf32>
    %convert_element_type3A_295 = arith.truncf %slice3A_294 : vector<96x64xf32> to vector<96x64xbf16>
    %slice3A_296 = vector.extract_strided_slice %convert_element_type3A_266 {offsets = [0, 64], sizes = [96, 64], strides = [1, 1]} : vector<96x512xbf16> to vector<96x64xbf16>
    %dot_general3A_297 = arith.constant dense<0.000000e+00> : vector<256x96xf32>
    %dot_general3A_298 = tpu.matmul %convert_element_type3A_293, %convert_element_type3A_295, %dot_general3A_297 {dimension_numbers = #tpu.dot_dimension_numbers<[1], [1], [0], [0], [0, 0, 1, 0], [], []>, transpose_lhs_hint = false} : vector<256x64xbf16>, vector<96x64xbf16>, vector<256x96xf32> -> vector<256x96xf32>
    %mul3A_299 = arith.constant 1.250000e-01 : f32
    %mul3A_300 = vector.broadcast %mul3A_299 : f32 to vector<256x96xf32>
    %mul3A_301 = arith.mulf %dot_general3A_298, %mul3A_300 : vector<256x96xf32>
    %exp3A_302 = math.exp %mul3A_301 : vector<256x96xf32>
    %jit3A_303 = arith.constant 0.000000e+00 : f32
    %broadcast_in_dim3A_304 = vector.broadcast %jit3A_303 : f32 to vector<256x96xf32>
    %select_n3A_305 = arith.select %lt3A_5, %exp3A_302, %broadcast_in_dim3A_304 : vector<256x96xi1>, vector<256x96xf32>
    %reduce_sum3A_306 = arith.constant dense<0.000000e+00> : vector<256xf32>
    %reduce_sum3A_307 = vector.multi_reduction <add>, %select_n3A_305, %reduce_sum3A_306 [1] : vector<256x96xf32> to vector<256xf32>
    %broadcast_in_dim3A_308 = vector.shape_cast %reduce_sum3A_307 : vector<256xf32> to vector<256x1xf32>
    %div3A_309 = arith.constant 1.000000e+00 : f32
    %div3A_310 = vector.broadcast %div3A_309 : f32 to vector<256x1xf32>
    %div3A_311 = arith.divf %div3A_310, %broadcast_in_dim3A_308 : vector<256x1xf32>
    %convert_element_type3A_312 = arith.truncf %select_n3A_305 : vector<256x96xf32> to vector<256x96xbf16>
    %dot_general3A_313 = arith.constant dense<0.000000e+00> : vector<256x64xf32>
    %dot_general3A_314 = tpu.matmul %convert_element_type3A_312, %slice3A_296, %dot_general3A_313 {dimension_numbers = #tpu.dot_dimension_numbers<[1], [0], [0], [1], [0, 0, 1, 1], [], []>, transpose_lhs_hint = false} : vector<256x96xbf16>, vector<96x64xbf16>, vector<256x64xf32> -> vector<256x64xf32>
    %mul3A_315 = vector.broadcast %div3A_311 : vector<256x1xf32> to vector<256x64xf32>
    %mul3A_316 = arith.mulf %dot_general3A_314, %mul3A_315 : vector<256x64xf32>
    %slice3A_317 = vector.extract_strided_slice %dot_general3A_255 {offsets = [0, 128], sizes = [256, 64], strides = [1, 1]} : vector<256x512xf32> to vector<256x64xf32>
    %convert_element_type3A_318 = arith.truncf %slice3A_317 : vector<256x64xf32> to vector<256x64xbf16>
    %slice3A_319 = vector.extract_strided_slice %dot_general3A_260 {offsets = [0, 128], sizes = [96, 64], strides = [1, 1]} : vector<96x512xf32> to vector<96x64xf32>
    %convert_element_type3A_320 = arith.truncf %slice3A_319 : vector<96x64xf32> to vector<96x64xbf16>
    %slice3A_321 = vector.extract_strided_slice %convert_element_type3A_266 {offsets = [0, 128], sizes = [96, 64], strides = [1, 1]} : vector<96x512xbf16> to vector<96x64xbf16>
    %dot_general3A_322 = arith.constant dense<0.000000e+00> : vector<256x96xf32>
    %dot_general3A_323 = tpu.matmul %convert_element_type3A_318, %convert_element_type3A_320, %dot_general3A_322 {dimension_numbers = #tpu.dot_dimension_numbers<[1], [1], [0], [0], [0, 0, 1, 0], [], []>, transpose_lhs_hint = false} : vector<256x64xbf16>, vector<96x64xbf16>, vector<256x96xf32> -> vector<256x96xf32>
    %mul3A_324 = arith.constant 1.250000e-01 : f32
    %mul3A_325 = vector.broadcast %mul3A_324 : f32 to vector<256x96xf32>
    %mul3A_326 = arith.mulf %dot_general3A_323, %mul3A_325 : vector<256x96xf32>
    %exp3A_327 = math.exp %mul3A_326 : vector<256x96xf32>
    %jit3A_328 = arith.constant 0.000000e+00 : f32
    %broadcast_in_dim3A_329 = vector.broadcast %jit3A_328 : f32 to vector<256x96xf32>
    %select_n3A_330 = arith.select %lt3A_5, %exp3A_327, %broadcast_in_dim3A_329 : vector<256x96xi1>, vector<256x96xf32>
    %reduce_sum3A_331 = arith.constant dense<0.000000e+00> : vector<256xf32>
    %reduce_sum3A_332 = vector.multi_reduction <add>, %select_n3A_330, %reduce_sum3A_331 [1] : vector<256x96xf32> to vector<256xf32>
    %broadcast_in_dim3A_333 = vector.shape_cast %reduce_sum3A_332 : vector<256xf32> to vector<256x1xf32>
    %div3A_334 = arith.constant 1.000000e+00 : f32
    %div3A_335 = vector.broadcast %div3A_334 : f32 to vector<256x1xf32>
    %div3A_336 = arith.divf %div3A_335, %broadcast_in_dim3A_333 : vector<256x1xf32>
    %convert_element_type3A_337 = arith.truncf %select_n3A_330 : vector<256x96xf32> to vector<256x96xbf16>
    %dot_general3A_338 = arith.constant dense<0.000000e+00> : vector<256x64xf32>
    %dot_general3A_339 = tpu.matmul %convert_element_type3A_337, %slice3A_321, %dot_general3A_338 {dimension_numbers = #tpu.dot_dimension_numbers<[1], [0], [0], [1], [0, 0, 1, 1], [], []>, transpose_lhs_hint = false} : vector<256x96xbf16>, vector<96x64xbf16>, vector<256x64xf32> -> vector<256x64xf32>
    %mul3A_340 = vector.broadcast %div3A_336 : vector<256x1xf32> to vector<256x64xf32>
    %mul3A_341 = arith.mulf %dot_general3A_339, %mul3A_340 : vector<256x64xf32>
    %slice3A_342 = vector.extract_strided_slice %dot_general3A_255 {offsets = [0, 192], sizes = [256, 64], strides = [1, 1]} : vector<256x512xf32> to vector<256x64xf32>
    %convert_element_type3A_343 = arith.truncf %slice3A_342 : vector<256x64xf32> to vector<256x64xbf16>
    %slice3A_344 = vector.extract_strided_slice %dot_general3A_260 {offsets = [0, 192], sizes = [96, 64], strides = [1, 1]} : vector<96x512xf32> to vector<96x64xf32>
    %convert_element_type3A_345 = arith.truncf %slice3A_344 : vector<96x64xf32> to vector<96x64xbf16>
    %slice3A_346 = vector.extract_strided_slice %convert_element_type3A_266 {offsets = [0, 192], sizes = [96, 64], strides = [1, 1]} : vector<96x512xbf16> to vector<96x64xbf16>
    %dot_general3A_347 = arith.constant dense<0.000000e+00> : vector<256x96xf32>
    %dot_general3A_348 = tpu.matmul %convert_element_type3A_343, %convert_element_type3A_345, %dot_general3A_347 {dimension_numbers = #tpu.dot_dimension_numbers<[1], [1], [0], [0], [0, 0, 1, 0], [], []>, transpose_lhs_hint = false} : vector<256x64xbf16>, vector<96x64xbf16>, vector<256x96xf32> -> vector<256x96xf32>
    %mul3A_349 = arith.constant 1.250000e-01 : f32
    %mul3A_350 = vector.broadcast %mul3A_349 : f32 to vector<256x96xf32>
    %mul3A_351 = arith.mulf %dot_general3A_348, %mul3A_350 : vector<256x96xf32>
    %exp3A_352 = math.exp %mul3A_351 : vector<256x96xf32>
    %jit3A_353 = arith.constant 0.000000e+00 : f32
    %broadcast_in_dim3A_354 = vector.broadcast %jit3A_353 : f32 to vector<256x96xf32>
    %select_n3A_355 = arith.select %lt3A_5, %exp3A_352, %broadcast_in_dim3A_354 : vector<256x96xi1>, vector<256x96xf32>
    %reduce_sum3A_356 = arith.constant dense<0.000000e+00> : vector<256xf32>
    %reduce_sum3A_357 = vector.multi_reduction <add>, %select_n3A_355, %reduce_sum3A_356 [1] : vector<256x96xf32> to vector<256xf32>
    %broadcast_in_dim3A_358 = vector.shape_cast %reduce_sum3A_357 : vector<256xf32> to vector<256x1xf32>
    %div3A_359 = arith.constant 1.000000e+00 : f32
    %div3A_360 = vector.broadcast %div3A_359 : f32 to vector<256x1xf32>
    %div3A_361 = arith.divf %div3A_360, %broadcast_in_dim3A_358 : vector<256x1xf32>
    %convert_element_type3A_362 = arith.truncf %select_n3A_355 : vector<256x96xf32> to vector<256x96xbf16>
    %dot_general3A_363 = arith.constant dense<0.000000e+00> : vector<256x64xf32>
    %dot_general3A_364 = tpu.matmul %convert_element_type3A_362, %slice3A_346, %dot_general3A_363 {dimension_numbers = #tpu.dot_dimension_numbers<[1], [0], [0], [1], [0, 0, 1, 1], [], []>, transpose_lhs_hint = false} : vector<256x96xbf16>, vector<96x64xbf16>, vector<256x64xf32> -> vector<256x64xf32>
    %mul3A_365 = vector.broadcast %div3A_361 : vector<256x1xf32> to vector<256x64xf32>
    %mul3A_366 = arith.mulf %dot_general3A_364, %mul3A_365 : vector<256x64xf32>
    %slice3A_367 = vector.extract_strided_slice %dot_general3A_255 {offsets = [0, 256], sizes = [256, 64], strides = [1, 1]} : vector<256x512xf32> to vector<256x64xf32>
    %convert_element_type3A_368 = arith.truncf %slice3A_367 : vector<256x64xf32> to vector<256x64xbf16>
    %slice3A_369 = vector.extract_strided_slice %dot_general3A_260 {offsets = [0, 256], sizes = [96, 64], strides = [1, 1]} : vector<96x512xf32> to vector<96x64xf32>
    %convert_element_type3A_370 = arith.truncf %slice3A_369 : vector<96x64xf32> to vector<96x64xbf16>
    %slice3A_371 = vector.extract_strided_slice %convert_element_type3A_266 {offsets = [0, 256], sizes = [96, 64], strides = [1, 1]} : vector<96x512xbf16> to vector<96x64xbf16>
    %dot_general3A_372 = arith.constant dense<0.000000e+00> : vector<256x96xf32>
    %dot_general3A_373 = tpu.matmul %convert_element_type3A_368, %convert_element_type3A_370, %dot_general3A_372 {dimension_numbers = #tpu.dot_dimension_numbers<[1], [1], [0], [0], [0, 0, 1, 0], [], []>, transpose_lhs_hint = false} : vector<256x64xbf16>, vector<96x64xbf16>, vector<256x96xf32> -> vector<256x96xf32>
    %mul3A_374 = arith.constant 1.250000e-01 : f32
    %mul3A_375 = vector.broadcast %mul3A_374 : f32 to vector<256x96xf32>
    %mul3A_376 = arith.mulf %dot_general3A_373, %mul3A_375 : vector<256x96xf32>
    %exp3A_377 = math.exp %mul3A_376 : vector<256x96xf32>
    %jit3A_378 = arith.constant 0.000000e+00 : f32
    %broadcast_in_dim3A_379 = vector.broadcast %jit3A_378 : f32 to vector<256x96xf32>
    %select_n3A_380 = arith.select %lt3A_5, %exp3A_377, %broadcast_in_dim3A_379 : vector<256x96xi1>, vector<256x96xf32>
    %reduce_sum3A_381 = arith.constant dense<0.000000e+00> : vector<256xf32>
    %reduce_sum3A_382 = vector.multi_reduction <add>, %select_n3A_380, %reduce_sum3A_381 [1] : vector<256x96xf32> to vector<256xf32>
    %broadcast_in_dim3A_383 = vector.shape_cast %reduce_sum3A_382 : vector<256xf32> to vector<256x1xf32>
    %div3A_384 = arith.constant 1.000000e+00 : f32
    %div3A_385 = vector.broadcast %div3A_384 : f32 to vector<256x1xf32>
    %div3A_386 = arith.divf %div3A_385, %broadcast_in_dim3A_383 : vector<256x1xf32>
    %convert_element_type3A_387 = arith.truncf %select_n3A_380 : vector<256x96xf32> to vector<256x96xbf16>
    %dot_general3A_388 = arith.constant dense<0.000000e+00> : vector<256x64xf32>
    %dot_general3A_389 = tpu.matmul %convert_element_type3A_387, %slice3A_371, %dot_general3A_388 {dimension_numbers = #tpu.dot_dimension_numbers<[1], [0], [0], [1], [0, 0, 1, 1], [], []>, transpose_lhs_hint = false} : vector<256x96xbf16>, vector<96x64xbf16>, vector<256x64xf32> -> vector<256x64xf32>
    %mul3A_390 = vector.broadcast %div3A_386 : vector<256x1xf32> to vector<256x64xf32>
    %mul3A_391 = arith.mulf %dot_general3A_389, %mul3A_390 : vector<256x64xf32>
    %slice3A_392 = vector.extract_strided_slice %dot_general3A_255 {offsets = [0, 320], sizes = [256, 64], strides = [1, 1]} : vector<256x512xf32> to vector<256x64xf32>
    %convert_element_type3A_393 = arith.truncf %slice3A_392 : vector<256x64xf32> to vector<256x64xbf16>
    %slice3A_394 = vector.extract_strided_slice %dot_general3A_260 {offsets = [0, 320], sizes = [96, 64], strides = [1, 1]} : vector<96x512xf32> to vector<96x64xf32>
    %convert_element_type3A_395 = arith.truncf %slice3A_394 : vector<96x64xf32> to vector<96x64xbf16>
    %slice3A_396 = vector.extract_strided_slice %convert_element_type3A_266 {offsets = [0, 320], sizes = [96, 64], strides = [1, 1]} : vector<96x512xbf16> to vector<96x64xbf16>
    %dot_general3A_397 = arith.constant dense<0.000000e+00> : vector<256x96xf32>
    %dot_general3A_398 = tpu.matmul %convert_element_type3A_393, %convert_element_type3A_395, %dot_general3A_397 {dimension_numbers = #tpu.dot_dimension_numbers<[1], [1], [0], [0], [0, 0, 1, 0], [], []>, transpose_lhs_hint = false} : vector<256x64xbf16>, vector<96x64xbf16>, vector<256x96xf32> -> vector<256x96xf32>
    %mul3A_399 = arith.constant 1.250000e-01 : f32
    %mul3A_400 = vector.broadcast %mul3A_399 : f32 to vector<256x96xf32>
    %mul3A_401 = arith.mulf %dot_general3A_398, %mul3A_400 : vector<256x96xf32>
    %exp3A_402 = math.exp %mul3A_401 : vector<256x96xf32>
    %jit3A_403 = arith.constant 0.000000e+00 : f32
    %broadcast_in_dim3A_404 = vector.broadcast %jit3A_403 : f32 to vector<256x96xf32>
    %select_n3A_405 = arith.select %lt3A_5, %exp3A_402, %broadcast_in_dim3A_404 : vector<256x96xi1>, vector<256x96xf32>
    %reduce_sum3A_406 = arith.constant dense<0.000000e+00> : vector<256xf32>
    %reduce_sum3A_407 = vector.multi_reduction <add>, %select_n3A_405, %reduce_sum3A_406 [1] : vector<256x96xf32> to vector<256xf32>
    %broadcast_in_dim3A_408 = vector.shape_cast %reduce_sum3A_407 : vector<256xf32> to vector<256x1xf32>
    %div3A_409 = arith.constant 1.000000e+00 : f32
    %div3A_410 = vector.broadcast %div3A_409 : f32 to vector<256x1xf32>
    %div3A_411 = arith.divf %div3A_410, %broadcast_in_dim3A_408 : vector<256x1xf32>
    %convert_element_type3A_412 = arith.truncf %select_n3A_405 : vector<256x96xf32> to vector<256x96xbf16>
    %dot_general3A_413 = arith.constant dense<0.000000e+00> : vector<256x64xf32>
    %dot_general3A_414 = tpu.matmul %convert_element_type3A_412, %slice3A_396, %dot_general3A_413 {dimension_numbers = #tpu.dot_dimension_numbers<[1], [0], [0], [1], [0, 0, 1, 1], [], []>, transpose_lhs_hint = false} : vector<256x96xbf16>, vector<96x64xbf16>, vector<256x64xf32> -> vector<256x64xf32>
    %mul3A_415 = vector.broadcast %div3A_411 : vector<256x1xf32> to vector<256x64xf32>
    %mul3A_416 = arith.mulf %dot_general3A_414, %mul3A_415 : vector<256x64xf32>
    %slice3A_417 = vector.extract_strided_slice %dot_general3A_255 {offsets = [0, 384], sizes = [256, 64], strides = [1, 1]} : vector<256x512xf32> to vector<256x64xf32>
    %convert_element_type3A_418 = arith.truncf %slice3A_417 : vector<256x64xf32> to vector<256x64xbf16>
    %slice3A_419 = vector.extract_strided_slice %dot_general3A_260 {offsets = [0, 384], sizes = [96, 64], strides = [1, 1]} : vector<96x512xf32> to vector<96x64xf32>
    %convert_element_type3A_420 = arith.truncf %slice3A_419 : vector<96x64xf32> to vector<96x64xbf16>
    %slice3A_421 = vector.extract_strided_slice %convert_element_type3A_266 {offsets = [0, 384], sizes = [96, 64], strides = [1, 1]} : vector<96x512xbf16> to vector<96x64xbf16>
    %dot_general3A_422 = arith.constant dense<0.000000e+00> : vector<256x96xf32>
    %dot_general3A_423 = tpu.matmul %convert_element_type3A_418, %convert_element_type3A_420, %dot_general3A_422 {dimension_numbers = #tpu.dot_dimension_numbers<[1], [1], [0], [0], [0, 0, 1, 0], [], []>, transpose_lhs_hint = false} : vector<256x64xbf16>, vector<96x64xbf16>, vector<256x96xf32> -> vector<256x96xf32>
    %mul3A_424 = arith.constant 1.250000e-01 : f32
    %mul3A_425 = vector.broadcast %mul3A_424 : f32 to vector<256x96xf32>
    %mul3A_426 = arith.mulf %dot_general3A_423, %mul3A_425 : vector<256x96xf32>
    %exp3A_427 = math.exp %mul3A_426 : vector<256x96xf32>
    %jit3A_428 = arith.constant 0.000000e+00 : f32
    %broadcast_in_dim3A_429 = vector.broadcast %jit3A_428 : f32 to vector<256x96xf32>
    %select_n3A_430 = arith.select %lt3A_5, %exp3A_427, %broadcast_in_dim3A_429 : vector<256x96xi1>, vector<256x96xf32>
    %reduce_sum3A_431 = arith.constant dense<0.000000e+00> : vector<256xf32>
    %reduce_sum3A_432 = vector.multi_reduction <add>, %select_n3A_430, %reduce_sum3A_431 [1] : vector<256x96xf32> to vector<256xf32>
    %broadcast_in_dim3A_433 = vector.shape_cast %reduce_sum3A_432 : vector<256xf32> to vector<256x1xf32>
    %div3A_434 = arith.constant 1.000000e+00 : f32
    %div3A_435 = vector.broadcast %div3A_434 : f32 to vector<256x1xf32>
    %div3A_436 = arith.divf %div3A_435, %broadcast_in_dim3A_433 : vector<256x1xf32>
    %convert_element_type3A_437 = arith.truncf %select_n3A_430 : vector<256x96xf32> to vector<256x96xbf16>
    %dot_general3A_438 = arith.constant dense<0.000000e+00> : vector<256x64xf32>
    %dot_general3A_439 = tpu.matmul %convert_element_type3A_437, %slice3A_421, %dot_general3A_438 {dimension_numbers = #tpu.dot_dimension_numbers<[1], [0], [0], [1], [0, 0, 1, 1], [], []>, transpose_lhs_hint = false} : vector<256x96xbf16>, vector<96x64xbf16>, vector<256x64xf32> -> vector<256x64xf32>
    %mul3A_440 = vector.broadcast %div3A_436 : vector<256x1xf32> to vector<256x64xf32>
    %mul3A_441 = arith.mulf %dot_general3A_439, %mul3A_440 : vector<256x64xf32>
    %slice3A_442 = vector.extract_strided_slice %dot_general3A_255 {offsets = [0, 448], sizes = [256, 64], strides = [1, 1]} : vector<256x512xf32> to vector<256x64xf32>
    %convert_element_type3A_443 = arith.truncf %slice3A_442 : vector<256x64xf32> to vector<256x64xbf16>
    %slice3A_444 = vector.extract_strided_slice %dot_general3A_260 {offsets = [0, 448], sizes = [96, 64], strides = [1, 1]} : vector<96x512xf32> to vector<96x64xf32>
    %convert_element_type3A_445 = arith.truncf %slice3A_444 : vector<96x64xf32> to vector<96x64xbf16>
    %slice3A_446 = vector.extract_strided_slice %convert_element_type3A_266 {offsets = [0, 448], sizes = [96, 64], strides = [1, 1]} : vector<96x512xbf16> to vector<96x64xbf16>
    %dot_general3A_447 = arith.constant dense<0.000000e+00> : vector<256x96xf32>
    %dot_general3A_448 = tpu.matmul %convert_element_type3A_443, %convert_element_type3A_445, %dot_general3A_447 {dimension_numbers = #tpu.dot_dimension_numbers<[1], [1], [0], [0], [0, 0, 1, 0], [], []>, transpose_lhs_hint = false} : vector<256x64xbf16>, vector<96x64xbf16>, vector<256x96xf32> -> vector<256x96xf32>
    %mul3A_449 = arith.constant 1.250000e-01 : f32
    %mul3A_450 = vector.broadcast %mul3A_449 : f32 to vector<256x96xf32>
    %mul3A_451 = arith.mulf %dot_general3A_448, %mul3A_450 : vector<256x96xf32>
    %exp3A_452 = math.exp %mul3A_451 : vector<256x96xf32>
    %jit3A_453 = arith.constant 0.000000e+00 : f32
    %broadcast_in_dim3A_454 = vector.broadcast %jit3A_453 : f32 to vector<256x96xf32>
    %select_n3A_455 = arith.select %lt3A_5, %exp3A_452, %broadcast_in_dim3A_454 : vector<256x96xi1>, vector<256x96xf32>
    %reduce_sum3A_456 = arith.constant dense<0.000000e+00> : vector<256xf32>
    %reduce_sum3A_457 = vector.multi_reduction <add>, %select_n3A_455, %reduce_sum3A_456 [1] : vector<256x96xf32> to vector<256xf32>
    %broadcast_in_dim3A_458 = vector.shape_cast %reduce_sum3A_457 : vector<256xf32> to vector<256x1xf32>
    %div3A_459 = arith.constant 1.000000e+00 : f32
    %div3A_460 = vector.broadcast %div3A_459 : f32 to vector<256x1xf32>
    %div3A_461 = arith.divf %div3A_460, %broadcast_in_dim3A_458 : vector<256x1xf32>
    %convert_element_type3A_462 = arith.truncf %select_n3A_455 : vector<256x96xf32> to vector<256x96xbf16>
    %dot_general3A_463 = arith.constant dense<0.000000e+00> : vector<256x64xf32>
    %dot_general3A_464 = tpu.matmul %convert_element_type3A_462, %slice3A_446, %dot_general3A_463 {dimension_numbers = #tpu.dot_dimension_numbers<[1], [0], [0], [1], [0, 0, 1, 1], [], []>, transpose_lhs_hint = false} : vector<256x96xbf16>, vector<96x64xbf16>, vector<256x64xf32> -> vector<256x64xf32>
    %mul3A_465 = vector.broadcast %div3A_461 : vector<256x1xf32> to vector<256x64xf32>
    %mul3A_466 = arith.mulf %dot_general3A_464, %mul3A_465 : vector<256x64xf32>
    %concatenate3A_467 = tpu.concatenate %mul3A_291, %mul3A_316, %mul3A_341, %mul3A_366, %mul3A_391, %mul3A_416, %mul3A_441, %mul3A_466 in 1 : vector<256x64xf32>, vector<256x64xf32>, vector<256x64xf32>, vector<256x64xf32>, vector<256x64xf32>, vector<256x64xf32>, vector<256x64xf32>, vector<256x64xf32> -> vector<256x512xf32>
    %convert_element_type3A_468 = arith.truncf %concatenate3A_467 : vector<256x512xf32> to vector<256x512xbf16>
    %get3A_469 = arith.constant 0 : index
    %get3A_470 = arith.constant 0 : index
    %get3A_471 = vector.load %arg7[%get3A_469, %get3A_470] : memref<512x512xbf16, #tpu.memory_space<vmem>>, vector<512x512xbf16>
    %dot_general3A_472 = arith.constant dense<0.000000e+00> : vector<256x512xf32>
    %dot_general3A_473 = tpu.matmul %convert_element_type3A_468, %get3A_471, %dot_general3A_472 {dimension_numbers = #tpu.dot_dimension_numbers<[1], [0], [0], [1], [0, 0, 1, 1], [], []>, transpose_lhs_hint = false} : vector<256x512xbf16>, vector<512x512xbf16>, vector<256x512xf32> -> vector<256x512xf32>
    %get3A_474 = arith.constant 0 : index
    %get3A_475 = arith.constant 0 : index
    %get3A_476 = vector.load %arg8[%get3A_474, %get3A_475] : memref<1x512xf32, #tpu.memory_space<vmem>>, vector<1x512xf32>
    %add3A_477 = vector.broadcast %get3A_476 : vector<1x512xf32> to vector<256x512xf32>
    %add3A_478 = arith.addf %dot_general3A_473, %add3A_477 : vector<256x512xf32>
    %add3A_479 = arith.addf %add3A_478, %get3A_244 : vector<256x512xf32>
    %slice3A_480 = vector.extract_strided_slice %add3A_479 {offsets = [0, 0], sizes = [243, 512], strides = [1, 1]} : vector<256x512xf32> to vector<243x512xf32>
    %swap3A_481 = arith.constant 1 : index
    %swap3A_482 = arith.constant 0 : index
    %swap3A_483 = arith.constant 0 : index
    %swap3A_484 = vector.load %arg9[%swap3A_481, %swap3A_482, %swap3A_483] : memref<4x243x512xf32, #tpu.memory_space<vmem>>, vector<1x243x512xf32>
    %swap3A_485 = vector.shape_cast %swap3A_484 : vector<1x243x512xf32> to vector<243x512xf32>
    %swap3A_486 = vector.shape_cast %slice3A_480 : vector<243x512xf32> to vector<1x243x512xf32>
    tpu.vector_store %arg9[%swap3A_481, %swap3A_482, %swap3A_483], %swap3A_486 {strides = array<i32>} : memref<4x243x512xf32, #tpu.memory_space<vmem>>, vector<1x243x512xf32>,
    %get3A_487 = arith.constant 2 : index
    %get3A_488 = arith.constant 0 : index
    %get3A_489 = arith.constant 0 : index
    %get3A_490 = vector.load %arg1[%get3A_487, %get3A_488, %get3A_489] : memref<4x256x512xf32, #tpu.memory_space<vmem>>, vector<1x256x512xf32>
    %get3A_491 = vector.shape_cast %get3A_490 : vector<1x256x512xf32> to vector<256x512xf32>
    %get3A_492 = arith.constant 192 : index
    %get3A_493 = arith.constant 0 : index
    %get3A_494 = vector.load %arg2[%get3A_492, %get3A_493] : memref<384x512xf32, #tpu.memory_space<vmem>>, vector<96x512xf32>
    %add3A_495 = arith.addf %get3A_494, %get3A_3 : vector<96x512xf32>
    %convert_element_type3A_496 = arith.truncf %get3A_491 : vector<256x512xf32> to vector<256x512xbf16>
    %convert_element_type3A_497 = arith.truncf %add3A_495 : vector<96x512xf32> to vector<96x512xbf16>
    %get3A_498 = arith.constant 0 : index
    %get3A_499 = arith.constant 0 : index
    %get3A_500 = vector.load %arg4[%get3A_498, %get3A_499] : memref<512x512xbf16, #tpu.memory_space<vmem>>, vector<512x512xbf16>
    %dot_general3A_501 = arith.constant dense<0.000000e+00> : vector<256x512xf32>
    %dot_general3A_502 = tpu.matmul %convert_element_type3A_496, %get3A_500, %dot_general3A_501 {dimension_numbers = #tpu.dot_dimension_numbers<[1], [0], [0], [1], [0, 0, 1, 1], [], []>, transpose_lhs_hint = false} : vector<256x512xbf16>, vector<512x512xbf16>, vector<256x512xf32> -> vector<256x512xf32>
    %get3A_503 = arith.constant 0 : index
    %get3A_504 = arith.constant 0 : index
    %get3A_505 = vector.load %arg5[%get3A_503, %get3A_504] : memref<512x512xbf16, #tpu.memory_space<vmem>>, vector<512x512xbf16>
    %dot_general3A_506 = arith.constant dense<0.000000e+00> : vector<96x512xf32>
    %dot_general3A_507 = tpu.matmul %convert_element_type3A_497, %get3A_505, %dot_general3A_506 {dimension_numbers = #tpu.dot_dimension_numbers<[1], [0], [0], [1], [0, 0, 1, 1], [], []>, transpose_lhs_hint = false} : vector<96x512xbf16>, vector<512x512xbf16>, vector<96x512xf32> -> vector<96x512xf32>
    %get3A_508 = arith.constant 0 : index
    %get3A_509 = arith.constant 0 : index
    %get3A_510 = vector.load %arg6[%get3A_508, %get3A_509] : memref<512x512xbf16, #tpu.memory_space<vmem>>, vector<512x512xbf16>
    %dot_general3A_511 = arith.constant dense<0.000000e+00> : vector<96x512xf32>
    %dot_general3A_512 = tpu.matmul %convert_element_type3A_497, %get3A_510, %dot_general3A_511 {dimension_numbers = #tpu.dot_dimension_numbers<[1], [0], [0], [1], [0, 0, 1, 1], [], []>, transpose_lhs_hint = false} : vector<96x512xbf16>, vector<512x512xbf16>, vector<96x512xf32> -> vector<96x512xf32>
    %convert_element_type3A_513 = arith.truncf %dot_general3A_512 : vector<96x512xf32> to vector<96x512xbf16>
    %slice3A_514 = vector.extract_strided_slice %dot_general3A_502 {offsets = [0, 0], sizes = [256, 64], strides = [1, 1]} : vector<256x512xf32> to vector<256x64xf32>
    %convert_element_type3A_515 = arith.truncf %slice3A_514 : vector<256x64xf32> to vector<256x64xbf16>
    %slice3A_516 = vector.extract_strided_slice %dot_general3A_507 {offsets = [0, 0], sizes = [96, 64], strides = [1, 1]} : vector<96x512xf32> to vector<96x64xf32>
    %convert_element_type3A_517 = arith.truncf %slice3A_516 : vector<96x64xf32> to vector<96x64xbf16>
    %slice3A_518 = vector.extract_strided_slice %convert_element_type3A_513 {offsets = [0, 0], sizes = [96, 64], strides = [1, 1]} : vector<96x512xbf16> to vector<96x64xbf16>
    %dot_general3A_519 = arith.constant dense<0.000000e+00> : vector<256x96xf32>
    %dot_general3A_520 = tpu.matmul %convert_element_type3A_515, %convert_element_type3A_517, %dot_general3A_519 {dimension_numbers = #tpu.dot_dimension_numbers<[1], [1], [0], [0], [0, 0, 1, 0], [], []>, transpose_lhs_hint = false} : vector<256x64xbf16>, vector<96x64xbf16>, vector<256x96xf32> -> vector<256x96xf32>
    %mul3A_521 = arith.constant 1.250000e-01 : f32
    %mul3A_522 = vector.broadcast %mul3A_521 : f32 to vector<256x96xf32>
    %mul3A_523 = arith.mulf %dot_general3A_520, %mul3A_522 : vector<256x96xf32>
    %exp3A_524 = math.exp %mul3A_523 : vector<256x96xf32>
    %jit3A_525 = arith.constant 0.000000e+00 : f32
    %broadcast_in_dim3A_526 = vector.broadcast %jit3A_525 : f32 to vector<256x96xf32>
    %select_n3A_527 = arith.select %lt3A_5, %exp3A_524, %broadcast_in_dim3A_526 : vector<256x96xi1>, vector<256x96xf32>
    %reduce_sum3A_528 = arith.constant dense<0.000000e+00> : vector<256xf32>
    %reduce_sum3A_529 = vector.multi_reduction <add>, %select_n3A_527, %reduce_sum3A_528 [1] : vector<256x96xf32> to vector<256xf32>
    %broadcast_in_dim3A_530 = vector.shape_cast %reduce_sum3A_529 : vector<256xf32> to vector<256x1xf32>
    %div3A_531 = arith.constant 1.000000e+00 : f32
    %div3A_532 = vector.broadcast %div3A_531 : f32 to vector<256x1xf32>
    %div3A_533 = arith.divf %div3A_532, %broadcast_in_dim3A_530 : vector<256x1xf32>
    %convert_element_type3A_534 = arith.truncf %select_n3A_527 : vector<256x96xf32> to vector<256x96xbf16>
    %dot_general3A_535 = arith.constant dense<0.000000e+00> : vector<256x64xf32>
    %dot_general3A_536 = tpu.matmul %convert_element_type3A_534, %slice3A_518, %dot_general3A_535 {dimension_numbers = #tpu.dot_dimension_numbers<[1], [0], [0], [1], [0, 0, 1, 1], [], []>, transpose_lhs_hint = false} : vector<256x96xbf16>, vector<96x64xbf16>, vector<256x64xf32> -> vector<256x64xf32>
    %mul3A_537 = vector.broadcast %div3A_533 : vector<256x1xf32> to vector<256x64xf32>
    %mul3A_538 = arith.mulf %dot_general3A_536, %mul3A_537 : vector<256x64xf32>
    %slice3A_539 = vector.extract_strided_slice %dot_general3A_502 {offsets = [0, 64], sizes = [256, 64], strides = [1, 1]} : vector<256x512xf32> to vector<256x64xf32>
    %convert_element_type3A_540 = arith.truncf %slice3A_539 : vector<256x64xf32> to vector<256x64xbf16>
    %slice3A_541 = vector.extract_strided_slice %dot_general3A_507 {offsets = [0, 64], sizes = [96, 64], strides = [1, 1]} : vector<96x512xf32> to vector<96x64xf32>
    %convert_element_type3A_542 = arith.truncf %slice3A_541 : vector<96x64xf32> to vector<96x64xbf16>
    %slice3A_543 = vector.extract_strided_slice %convert_element_type3A_513 {offsets = [0, 64], sizes = [96, 64], strides = [1, 1]} : vector<96x512xbf16> to vector<96x64xbf16>
    %dot_general3A_544 = arith.constant dense<0.000000e+00> : vector<256x96xf32>
    %dot_general3A_545 = tpu.matmul %convert_element_type3A_540, %convert_element_type3A_542, %dot_general3A_544 {dimension_numbers = #tpu.dot_dimension_numbers<[1], [1], [0], [0], [0, 0, 1, 0], [], []>, transpose_lhs_hint = false} : vector<256x64xbf16>, vector<96x64xbf16>, vector<256x96xf32> -> vector<256x96xf32>
    %mul3A_546 = arith.constant 1.250000e-01 : f32
    %mul3A_547 = vector.broadcast %mul3A_546 : f32 to vector<256x96xf32>
    %mul3A_548 = arith.mulf %dot_general3A_545, %mul3A_547 : vector<256x96xf32>
    %exp3A_549 = math.exp %mul3A_548 : vector<256x96xf32>
    %jit3A_550 = arith.constant 0.000000e+00 : f32
    %broadcast_in_dim3A_551 = vector.broadcast %jit3A_550 : f32 to vector<256x96xf32>
    %select_n3A_552 = arith.select %lt3A_5, %exp3A_549, %broadcast_in_dim3A_551 : vector<256x96xi1>, vector<256x96xf32>
    %reduce_sum3A_553 = arith.constant dense<0.000000e+00> : vector<256xf32>
    %reduce_sum3A_554 = vector.multi_reduction <add>, %select_n3A_552, %reduce_sum3A_553 [1] : vector<256x96xf32> to vector<256xf32>
    %broadcast_in_dim3A_555 = vector.shape_cast %reduce_sum3A_554 : vector<256xf32> to vector<256x1xf32>
    %div3A_556 = arith.constant 1.000000e+00 : f32
    %div3A_557 = vector.broadcast %div3A_556 : f32 to vector<256x1xf32>
    %div3A_558 = arith.divf %div3A_557, %broadcast_in_dim3A_555 : vector<256x1xf32>
    %convert_element_type3A_559 = arith.truncf %select_n3A_552 : vector<256x96xf32> to vector<256x96xbf16>
    %dot_general3A_560 = arith.constant dense<0.000000e+00> : vector<256x64xf32>
    %dot_general3A_561 = tpu.matmul %convert_element_type3A_559, %slice3A_543, %dot_general3A_560 {dimension_numbers = #tpu.dot_dimension_numbers<[1], [0], [0], [1], [0, 0, 1, 1], [], []>, transpose_lhs_hint = false} : vector<256x96xbf16>, vector<96x64xbf16>, vector<256x64xf32> -> vector<256x64xf32>
    %mul3A_562 = vector.broadcast %div3A_558 : vector<256x1xf32> to vector<256x64xf32>
    %mul3A_563 = arith.mulf %dot_general3A_561, %mul3A_562 : vector<256x64xf32>
    %slice3A_564 = vector.extract_strided_slice %dot_general3A_502 {offsets = [0, 128], sizes = [256, 64], strides = [1, 1]} : vector<256x512xf32> to vector<256x64xf32>
    %convert_element_type3A_565 = arith.truncf %slice3A_564 : vector<256x64xf32> to vector<256x64xbf16>
    %slice3A_566 = vector.extract_strided_slice %dot_general3A_507 {offsets = [0, 128], sizes = [96, 64], strides = [1, 1]} : vector<96x512xf32> to vector<96x64xf32>
    %convert_element_type3A_567 = arith.truncf %slice3A_566 : vector<96x64xf32> to vector<96x64xbf16>
    %slice3A_568 = vector.extract_strided_slice %convert_element_type3A_513 {offsets = [0, 128], sizes = [96, 64], strides = [1, 1]} : vector<96x512xbf16> to vector<96x64xbf16>
    %dot_general3A_569 = arith.constant dense<0.000000e+00> : vector<256x96xf32>
    %dot_general3A_570 = tpu.matmul %convert_element_type3A_565, %convert_element_type3A_567, %dot_general3A_569 {dimension_numbers = #tpu.dot_dimension_numbers<[1], [1], [0], [0], [0, 0, 1, 0], [], []>, transpose_lhs_hint = false} : vector<256x64xbf16>, vector<96x64xbf16>, vector<256x96xf32> -> vector<256x96xf32>
    %mul3A_571 = arith.constant 1.250000e-01 : f32
    %mul3A_572 = vector.broadcast %mul3A_571 : f32 to vector<256x96xf32>
    %mul3A_573 = arith.mulf %dot_general3A_570, %mul3A_572 : vector<256x96xf32>
    %exp3A_574 = math.exp %mul3A_573 : vector<256x96xf32>
    %jit3A_575 = arith.constant 0.000000e+00 : f32
    %broadcast_in_dim3A_576 = vector.broadcast %jit3A_575 : f32 to vector<256x96xf32>
    %select_n3A_577 = arith.select %lt3A_5, %exp3A_574, %broadcast_in_dim3A_576 : vector<256x96xi1>, vector<256x96xf32>
    %reduce_sum3A_578 = arith.constant dense<0.000000e+00> : vector<256xf32>
    %reduce_sum3A_579 = vector.multi_reduction <add>, %select_n3A_577, %reduce_sum3A_578 [1] : vector<256x96xf32> to vector<256xf32>
    %broadcast_in_dim3A_580 = vector.shape_cast %reduce_sum3A_579 : vector<256xf32> to vector<256x1xf32>
    %div3A_581 = arith.constant 1.000000e+00 : f32
    %div3A_582 = vector.broadcast %div3A_581 : f32 to vector<256x1xf32>
    %div3A_583 = arith.divf %div3A_582, %broadcast_in_dim3A_580 : vector<256x1xf32>
    %convert_element_type3A_584 = arith.truncf %select_n3A_577 : vector<256x96xf32> to vector<256x96xbf16>
    %dot_general3A_585 = arith.constant dense<0.000000e+00> : vector<256x64xf32>
    %dot_general3A_586 = tpu.matmul %convert_element_type3A_584, %slice3A_568, %dot_general3A_585 {dimension_numbers = #tpu.dot_dimension_numbers<[1], [0], [0], [1], [0, 0, 1, 1], [], []>, transpose_lhs_hint = false} : vector<256x96xbf16>, vector<96x64xbf16>, vector<256x64xf32> -> vector<256x64xf32>
    %mul3A_587 = vector.broadcast %div3A_583 : vector<256x1xf32> to vector<256x64xf32>
    %mul3A_588 = arith.mulf %dot_general3A_586, %mul3A_587 : vector<256x64xf32>
    %slice3A_589 = vector.extract_strided_slice %dot_general3A_502 {offsets = [0, 192], sizes = [256, 64], strides = [1, 1]} : vector<256x512xf32> to vector<256x64xf32>
    %convert_element_type3A_590 = arith.truncf %slice3A_589 : vector<256x64xf32> to vector<256x64xbf16>
    %slice3A_591 = vector.extract_strided_slice %dot_general3A_507 {offsets = [0, 192], sizes = [96, 64], strides = [1, 1]} : vector<96x512xf32> to vector<96x64xf32>
    %convert_element_type3A_592 = arith.truncf %slice3A_591 : vector<96x64xf32> to vector<96x64xbf16>
    %slice3A_593 = vector.extract_strided_slice %convert_element_type3A_513 {offsets = [0, 192], sizes = [96, 64], strides = [1, 1]} : vector<96x512xbf16> to vector<96x64xbf16>
    %dot_general3A_594 = arith.constant dense<0.000000e+00> : vector<256x96xf32>
    %dot_general3A_595 = tpu.matmul %convert_element_type3A_590, %convert_element_type3A_592, %dot_general3A_594 {dimension_numbers = #tpu.dot_dimension_numbers<[1], [1], [0], [0], [0, 0, 1, 0], [], []>, transpose_lhs_hint = false} : vector<256x64xbf16>, vector<96x64xbf16>, vector<256x96xf32> -> vector<256x96xf32>
    %mul3A_596 = arith.constant 1.250000e-01 : f32
    %mul3A_597 = vector.broadcast %mul3A_596 : f32 to vector<256x96xf32>
    %mul3A_598 = arith.mulf %dot_general3A_595, %mul3A_597 : vector<256x96xf32>
    %exp3A_599 = math.exp %mul3A_598 : vector<256x96xf32>
    %jit3A_600 = arith.constant 0.000000e+00 : f32
    %broadcast_in_dim3A_601 = vector.broadcast %jit3A_600 : f32 to vector<256x96xf32>
    %select_n3A_602 = arith.select %lt3A_5, %exp3A_599, %broadcast_in_dim3A_601 : vector<256x96xi1>, vector<256x96xf32>
    %reduce_sum3A_603 = arith.constant dense<0.000000e+00> : vector<256xf32>
    %reduce_sum3A_604 = vector.multi_reduction <add>, %select_n3A_602, %reduce_sum3A_603 [1] : vector<256x96xf32> to vector<256xf32>
    %broadcast_in_dim3A_605 = vector.shape_cast %reduce_sum3A_604 : vector<256xf32> to vector<256x1xf32>
    %div3A_606 = arith.constant 1.000000e+00 : f32
    %div3A_607 = vector.broadcast %div3A_606 : f32 to vector<256x1xf32>
    %div3A_608 = arith.divf %div3A_607, %broadcast_in_dim3A_605 : vector<256x1xf32>
    %convert_element_type3A_609 = arith.truncf %select_n3A_602 : vector<256x96xf32> to vector<256x96xbf16>
    %dot_general3A_610 = arith.constant dense<0.000000e+00> : vector<256x64xf32>
    %dot_general3A_611 = tpu.matmul %convert_element_type3A_609, %slice3A_593, %dot_general3A_610 {dimension_numbers = #tpu.dot_dimension_numbers<[1], [0], [0], [1], [0, 0, 1, 1], [], []>, transpose_lhs_hint = false} : vector<256x96xbf16>, vector<96x64xbf16>, vector<256x64xf32> -> vector<256x64xf32>
    %mul3A_612 = vector.broadcast %div3A_608 : vector<256x1xf32> to vector<256x64xf32>
    %mul3A_613 = arith.mulf %dot_general3A_611, %mul3A_612 : vector<256x64xf32>
    %slice3A_614 = vector.extract_strided_slice %dot_general3A_502 {offsets = [0, 256], sizes = [256, 64], strides = [1, 1]} : vector<256x512xf32> to vector<256x64xf32>
    %convert_element_type3A_615 = arith.truncf %slice3A_614 : vector<256x64xf32> to vector<256x64xbf16>
    %slice3A_616 = vector.extract_strided_slice %dot_general3A_507 {offsets = [0, 256], sizes = [96, 64], strides = [1, 1]} : vector<96x512xf32> to vector<96x64xf32>
    %convert_element_type3A_617 = arith.truncf %slice3A_616 : vector<96x64xf32> to vector<96x64xbf16>
    %slice3A_618 = vector.extract_strided_slice %convert_element_type3A_513 {offsets = [0, 256], sizes = [96, 64], strides = [1, 1]} : vector<96x512xbf16> to vector<96x64xbf16>
    %dot_general3A_619 = arith.constant dense<0.000000e+00> : vector<256x96xf32>
    %dot_general3A_620 = tpu.matmul %convert_element_type3A_615, %convert_element_type3A_617, %dot_general3A_619 {dimension_numbers = #tpu.dot_dimension_numbers<[1], [1], [0], [0], [0, 0, 1, 0], [], []>, transpose_lhs_hint = false} : vector<256x64xbf16>, vector<96x64xbf16>, vector<256x96xf32> -> vector<256x96xf32>
    %mul3A_621 = arith.constant 1.250000e-01 : f32
    %mul3A_622 = vector.broadcast %mul3A_621 : f32 to vector<256x96xf32>
    %mul3A_623 = arith.mulf %dot_general3A_620, %mul3A_622 : vector<256x96xf32>
    %exp3A_624 = math.exp %mul3A_623 : vector<256x96xf32>
    %jit3A_625 = arith.constant 0.000000e+00 : f32
    %broadcast_in_dim3A_626 = vector.broadcast %jit3A_625 : f32 to vector<256x96xf32>
    %select_n3A_627 = arith.select %lt3A_5, %exp3A_624, %broadcast_in_dim3A_626 : vector<256x96xi1>, vector<256x96xf32>
    %reduce_sum3A_628 = arith.constant dense<0.000000e+00> : vector<256xf32>
    %reduce_sum3A_629 = vector.multi_reduction <add>, %select_n3A_627, %reduce_sum3A_628 [1] : vector<256x96xf32> to vector<256xf32>
    %broadcast_in_dim3A_630 = vector.shape_cast %reduce_sum3A_629 : vector<256xf32> to vector<256x1xf32>
    %div3A_631 = arith.constant 1.000000e+00 : f32
    %div3A_632 = vector.broadcast %div3A_631 : f32 to vector<256x1xf32>
    %div3A_633 = arith.divf %div3A_632, %broadcast_in_dim3A_630 : vector<256x1xf32>
    %convert_element_type3A_634 = arith.truncf %select_n3A_627 : vector<256x96xf32> to vector<256x96xbf16>
    %dot_general3A_635 = arith.constant dense<0.000000e+00> : vector<256x64xf32>
    %dot_general3A_636 = tpu.matmul %convert_element_type3A_634, %slice3A_618, %dot_general3A_635 {dimension_numbers = #tpu.dot_dimension_numbers<[1], [0], [0], [1], [0, 0, 1, 1], [], []>, transpose_lhs_hint = false} : vector<256x96xbf16>, vector<96x64xbf16>, vector<256x64xf32> -> vector<256x64xf32>
    %mul3A_637 = vector.broadcast %div3A_633 : vector<256x1xf32> to vector<256x64xf32>
    %mul3A_638 = arith.mulf %dot_general3A_636, %mul3A_637 : vector<256x64xf32>
    %slice3A_639 = vector.extract_strided_slice %dot_general3A_502 {offsets = [0, 320], sizes = [256, 64], strides = [1, 1]} : vector<256x512xf32> to vector<256x64xf32>
    %convert_element_type3A_640 = arith.truncf %slice3A_639 : vector<256x64xf32> to vector<256x64xbf16>
    %slice3A_641 = vector.extract_strided_slice %dot_general3A_507 {offsets = [0, 320], sizes = [96, 64], strides = [1, 1]} : vector<96x512xf32> to vector<96x64xf32>
    %convert_element_type3A_642 = arith.truncf %slice3A_641 : vector<96x64xf32> to vector<96x64xbf16>
    %slice3A_643 = vector.extract_strided_slice %convert_element_type3A_513 {offsets = [0, 320], sizes = [96, 64], strides = [1, 1]} : vector<96x512xbf16> to vector<96x64xbf16>
    %dot_general3A_644 = arith.constant dense<0.000000e+00> : vector<256x96xf32>
    %dot_general3A_645 = tpu.matmul %convert_element_type3A_640, %convert_element_type3A_642, %dot_general3A_644 {dimension_numbers = #tpu.dot_dimension_numbers<[1], [1], [0], [0], [0, 0, 1, 0], [], []>, transpose_lhs_hint = false} : vector<256x64xbf16>, vector<96x64xbf16>, vector<256x96xf32> -> vector<256x96xf32>
    %mul3A_646 = arith.constant 1.250000e-01 : f32
    %mul3A_647 = vector.broadcast %mul3A_646 : f32 to vector<256x96xf32>
    %mul3A_648 = arith.mulf %dot_general3A_645, %mul3A_647 : vector<256x96xf32>
    %exp3A_649 = math.exp %mul3A_648 : vector<256x96xf32>
    %jit3A_650 = arith.constant 0.000000e+00 : f32
    %broadcast_in_dim3A_651 = vector.broadcast %jit3A_650 : f32 to vector<256x96xf32>
    %select_n3A_652 = arith.select %lt3A_5, %exp3A_649, %broadcast_in_dim3A_651 : vector<256x96xi1>, vector<256x96xf32>
    %reduce_sum3A_653 = arith.constant dense<0.000000e+00> : vector<256xf32>
    %reduce_sum3A_654 = vector.multi_reduction <add>, %select_n3A_652, %reduce_sum3A_653 [1] : vector<256x96xf32> to vector<256xf32>
    %broadcast_in_dim3A_655 = vector.shape_cast %reduce_sum3A_654 : vector<256xf32> to vector<256x1xf32>
    %div3A_656 = arith.constant 1.000000e+00 : f32
    %div3A_657 = vector.broadcast %div3A_656 : f32 to vector<256x1xf32>
    %div3A_658 = arith.divf %div3A_657, %broadcast_in_dim3A_655 : vector<256x1xf32>
    %convert_element_type3A_659 = arith.truncf %select_n3A_652 : vector<256x96xf32> to vector<256x96xbf16>
    %dot_general3A_660 = arith.constant dense<0.000000e+00> : vector<256x64xf32>
    %dot_general3A_661 = tpu.matmul %convert_element_type3A_659, %slice3A_643, %dot_general3A_660 {dimension_numbers = #tpu.dot_dimension_numbers<[1], [0], [0], [1], [0, 0, 1, 1], [], []>, transpose_lhs_hint = false} : vector<256x96xbf16>, vector<96x64xbf16>, vector<256x64xf32> -> vector<256x64xf32>
    %mul3A_662 = vector.broadcast %div3A_658 : vector<256x1xf32> to vector<256x64xf32>
    %mul3A_663 = arith.mulf %dot_general3A_661, %mul3A_662 : vector<256x64xf32>
    %slice3A_664 = vector.extract_strided_slice %dot_general3A_502 {offsets = [0, 384], sizes = [256, 64], strides = [1, 1]} : vector<256x512xf32> to vector<256x64xf32>
    %convert_element_type3A_665 = arith.truncf %slice3A_664 : vector<256x64xf32> to vector<256x64xbf16>
    %slice3A_666 = vector.extract_strided_slice %dot_general3A_507 {offsets = [0, 384], sizes = [96, 64], strides = [1, 1]} : vector<96x512xf32> to vector<96x64xf32>
    %convert_element_type3A_667 = arith.truncf %slice3A_666 : vector<96x64xf32> to vector<96x64xbf16>
    %slice3A_668 = vector.extract_strided_slice %convert_element_type3A_513 {offsets = [0, 384], sizes = [96, 64], strides = [1, 1]} : vector<96x512xbf16> to vector<96x64xbf16>
    %dot_general3A_669 = arith.constant dense<0.000000e+00> : vector<256x96xf32>
    %dot_general3A_670 = tpu.matmul %convert_element_type3A_665, %convert_element_type3A_667, %dot_general3A_669 {dimension_numbers = #tpu.dot_dimension_numbers<[1], [1], [0], [0], [0, 0, 1, 0], [], []>, transpose_lhs_hint = false} : vector<256x64xbf16>, vector<96x64xbf16>, vector<256x96xf32> -> vector<256x96xf32>
    %mul3A_671 = arith.constant 1.250000e-01 : f32
    %mul3A_672 = vector.broadcast %mul3A_671 : f32 to vector<256x96xf32>
    %mul3A_673 = arith.mulf %dot_general3A_670, %mul3A_672 : vector<256x96xf32>
    %exp3A_674 = math.exp %mul3A_673 : vector<256x96xf32>
    %jit3A_675 = arith.constant 0.000000e+00 : f32
    %broadcast_in_dim3A_676 = vector.broadcast %jit3A_675 : f32 to vector<256x96xf32>
    %select_n3A_677 = arith.select %lt3A_5, %exp3A_674, %broadcast_in_dim3A_676 : vector<256x96xi1>, vector<256x96xf32>
    %reduce_sum3A_678 = arith.constant dense<0.000000e+00> : vector<256xf32>
    %reduce_sum3A_679 = vector.multi_reduction <add>, %select_n3A_677, %reduce_sum3A_678 [1] : vector<256x96xf32> to vector<256xf32>
    %broadcast_in_dim3A_680 = vector.shape_cast %reduce_sum3A_679 : vector<256xf32> to vector<256x1xf32>
    %div3A_681 = arith.constant 1.000000e+00 : f32
    %div3A_682 = vector.broadcast %div3A_681 : f32 to vector<256x1xf32>
    %div3A_683 = arith.divf %div3A_682, %broadcast_in_dim3A_680 : vector<256x1xf32>
    %convert_element_type3A_684 = arith.truncf %select_n3A_677 : vector<256x96xf32> to vector<256x96xbf16>
    %dot_general3A_685 = arith.constant dense<0.000000e+00> : vector<256x64xf32>
    %dot_general3A_686 = tpu.matmul %convert_element_type3A_684, %slice3A_668, %dot_general3A_685 {dimension_numbers = #tpu.dot_dimension_numbers<[1], [0], [0], [1], [0, 0, 1, 1], [], []>, transpose_lhs_hint = false} : vector<256x96xbf16>, vector<96x64xbf16>, vector<256x64xf32> -> vector<256x64xf32>
    %mul3A_687 = vector.broadcast %div3A_683 : vector<256x1xf32> to vector<256x64xf32>
    %mul3A_688 = arith.mulf %dot_general3A_686, %mul3A_687 : vector<256x64xf32>
    %slice3A_689 = vector.extract_strided_slice %dot_general3A_502 {offsets = [0, 448], sizes = [256, 64], strides = [1, 1]} : vector<256x512xf32> to vector<256x64xf32>
    %convert_element_type3A_690 = arith.truncf %slice3A_689 : vector<256x64xf32> to vector<256x64xbf16>
    %slice3A_691 = vector.extract_strided_slice %dot_general3A_507 {offsets = [0, 448], sizes = [96, 64], strides = [1, 1]} : vector<96x512xf32> to vector<96x64xf32>
    %convert_element_type3A_692 = arith.truncf %slice3A_691 : vector<96x64xf32> to vector<96x64xbf16>
    %slice3A_693 = vector.extract_strided_slice %convert_element_type3A_513 {offsets = [0, 448], sizes = [96, 64], strides = [1, 1]} : vector<96x512xbf16> to vector<96x64xbf16>
    %dot_general3A_694 = arith.constant dense<0.000000e+00> : vector<256x96xf32>
    %dot_general3A_695 = tpu.matmul %convert_element_type3A_690, %convert_element_type3A_692, %dot_general3A_694 {dimension_numbers = #tpu.dot_dimension_numbers<[1], [1], [0], [0], [0, 0, 1, 0], [], []>, transpose_lhs_hint = false} : vector<256x64xbf16>, vector<96x64xbf16>, vector<256x96xf32> -> vector<256x96xf32>
    %mul3A_696 = arith.constant 1.250000e-01 : f32
    %mul3A_697 = vector.broadcast %mul3A_696 : f32 to vector<256x96xf32>
    %mul3A_698 = arith.mulf %dot_general3A_695, %mul3A_697 : vector<256x96xf32>
    %exp3A_699 = math.exp %mul3A_698 : vector<256x96xf32>
    %jit3A_700 = arith.constant 0.000000e+00 : f32
    %broadcast_in_dim3A_701 = vector.broadcast %jit3A_700 : f32 to vector<256x96xf32>
    %select_n3A_702 = arith.select %lt3A_5, %exp3A_699, %broadcast_in_dim3A_701 : vector<256x96xi1>, vector<256x96xf32>
    %reduce_sum3A_703 = arith.constant dense<0.000000e+00> : vector<256xf32>
    %reduce_sum3A_704 = vector.multi_reduction <add>, %select_n3A_702, %reduce_sum3A_703 [1] : vector<256x96xf32> to vector<256xf32>
    %broadcast_in_dim3A_705 = vector.shape_cast %reduce_sum3A_704 : vector<256xf32> to vector<256x1xf32>
    %div3A_706 = arith.constant 1.000000e+00 : f32
    %div3A_707 = vector.broadcast %div3A_706 : f32 to vector<256x1xf32>
    %div3A_708 = arith.divf %div3A_707, %broadcast_in_dim3A_705 : vector<256x1xf32>
    %convert_element_type3A_709 = arith.truncf %select_n3A_702 : vector<256x96xf32> to vector<256x96xbf16>
    %dot_general3A_710 = arith.constant dense<0.000000e+00> : vector<256x64xf32>
    %dot_general3A_711 = tpu.matmul %convert_element_type3A_709, %slice3A_693, %dot_general3A_710 {dimension_numbers = #tpu.dot_dimension_numbers<[1], [0], [0], [1], [0, 0, 1, 1], [], []>, transpose_lhs_hint = false} : vector<256x96xbf16>, vector<96x64xbf16>, vector<256x64xf32> -> vector<256x64xf32>
    %mul3A_712 = vector.broadcast %div3A_708 : vector<256x1xf32> to vector<256x64xf32>
    %mul3A_713 = arith.mulf %dot_general3A_711, %mul3A_712 : vector<256x64xf32>
    %concatenate3A_714 = tpu.concatenate %mul3A_538, %mul3A_563, %mul3A_588, %mul3A_613, %mul3A_638, %mul3A_663, %mul3A_688, %mul3A_713 in 1 : vector<256x64xf32>, vector<256x64xf32>, vector<256x64xf32>, vector<256x64xf32>, vector<256x64xf32>, vector<256x64xf32>, vector<256x64xf32>, vector<256x64xf32> -> vector<256x512xf32>
    %convert_element_type3A_715 = arith.truncf %concatenate3A_714 : vector<256x512xf32> to vector<256x512xbf16>
    %get3A_716 = arith.constant 0 : index
    %get3A_717 = arith.constant 0 : index
    %get3A_718 = vector.load %arg7[%get3A_716, %get3A_717] : memref<512x512xbf16, #tpu.memory_space<vmem>>, vector<512x512xbf16>
    %dot_general3A_719 = arith.constant dense<0.000000e+00> : vector<256x512xf32>
    %dot_general3A_720 = tpu.matmul %convert_element_type3A_715, %get3A_718, %dot_general3A_719 {dimension_numbers = #tpu.dot_dimension_numbers<[1], [0], [0], [1], [0, 0, 1, 1], [], []>, transpose_lhs_hint = false} : vector<256x512xbf16>, vector<512x512xbf16>, vector<256x512xf32> -> vector<256x512xf32>
    %get3A_721 = arith.constant 0 : index
    %get3A_722 = arith.constant 0 : index
    %get3A_723 = vector.load %arg8[%get3A_721, %get3A_722] : memref<1x512xf32, #tpu.memory_space<vmem>>, vector<1x512xf32>
    %add3A_724 = vector.broadcast %get3A_723 : vector<1x512xf32> to vector<256x512xf32>
    %add3A_725 = arith.addf %dot_general3A_720, %add3A_724 : vector<256x512xf32>
    %add3A_726 = arith.addf %add3A_725, %get3A_491 : vector<256x512xf32>
    %slice3A_727 = vector.extract_strided_slice %add3A_726 {offsets = [0, 0], sizes = [243, 512], strides = [1, 1]} : vector<256x512xf32> to vector<243x512xf32>
    %swap3A_728 = arith.constant 2 : index
    %swap3A_729 = arith.constant 0 : index
    %swap3A_730 = arith.constant 0 : index
    %swap3A_731 = vector.load %arg9[%swap3A_728, %swap3A_729, %swap3A_730] : memref<4x243x512xf32, #tpu.memory_space<vmem>>, vector<1x243x512xf32>
    %swap3A_732 = vector.shape_cast %swap3A_731 : vector<1x243x512xf32> to vector<243x512xf32>
    %swap3A_733 = vector.shape_cast %slice3A_727 : vector<243x512xf32> to vector<1x243x512xf32>
    tpu.vector_store %arg9[%swap3A_728, %swap3A_729, %swap3A_730], %swap3A_733 {strides = array<i32>} : memref<4x243x512xf32, #tpu.memory_space<vmem>>, vector<1x243x512xf32>,
    %get3A_734 = arith.constant 3 : index
    %get3A_735 = arith.constant 0 : index
    %get3A_736 = arith.constant 0 : index
    %get3A_737 = vector.load %arg1[%get3A_734, %get3A_735, %get3A_736] : memref<4x256x512xf32, #tpu.memory_space<vmem>>, vector<1x256x512xf32>
    %get3A_738 = vector.shape_cast %get3A_737 : vector<1x256x512xf32> to vector<256x512xf32>
    %get3A_739 = arith.constant 288 : index
    %get3A_740 = arith.constant 0 : index
    %get3A_741 = vector.load %arg2[%get3A_739, %get3A_740] : memref<384x512xf32, #tpu.memory_space<vmem>>, vector<96x512xf32>
    %add3A_742 = arith.addf %get3A_741, %get3A_3 : vector<96x512xf32>
    %convert_element_type3A_743 = arith.truncf %get3A_738 : vector<256x512xf32> to vector<256x512xbf16>
    %convert_element_type3A_744 = arith.truncf %add3A_742 : vector<96x512xf32> to vector<96x512xbf16>
    %get3A_745 = arith.constant 0 : index
    %get3A_746 = arith.constant 0 : index
    %get3A_747 = vector.load %arg4[%get3A_745, %get3A_746] : memref<512x512xbf16, #tpu.memory_space<vmem>>, vector<512x512xbf16>
    %dot_general3A_748 = arith.constant dense<0.000000e+00> : vector<256x512xf32>
    %dot_general3A_749 = tpu.matmul %convert_element_type3A_743, %get3A_747, %dot_general3A_748 {dimension_numbers = #tpu.dot_dimension_numbers<[1], [0], [0], [1], [0, 0, 1, 1], [], []>, transpose_lhs_hint = false} : vector<256x512xbf16>, vector<512x512xbf16>, vector<256x512xf32> -> vector<256x512xf32>
    %get3A_750 = arith.constant 0 : index
    %get3A_751 = arith.constant 0 : index
    %get3A_752 = vector.load %arg5[%get3A_750, %get3A_751] : memref<512x512xbf16, #tpu.memory_space<vmem>>, vector<512x512xbf16>
    %dot_general3A_753 = arith.constant dense<0.000000e+00> : vector<96x512xf32>
    %dot_general3A_754 = tpu.matmul %convert_element_type3A_744, %get3A_752, %dot_general3A_753 {dimension_numbers = #tpu.dot_dimension_numbers<[1], [0], [0], [1], [0, 0, 1, 1], [], []>, transpose_lhs_hint = false} : vector<96x512xbf16>, vector<512x512xbf16>, vector<96x512xf32> -> vector<96x512xf32>
    %get3A_755 = arith.constant 0 : index
    %get3A_756 = arith.constant 0 : index
    %get3A_757 = vector.load %arg6[%get3A_755, %get3A_756] : memref<512x512xbf16, #tpu.memory_space<vmem>>, vector<512x512xbf16>
    %dot_general3A_758 = arith.constant dense<0.000000e+00> : vector<96x512xf32>
    %dot_general3A_759 = tpu.matmul %convert_element_type3A_744, %get3A_757, %dot_general3A_758 {dimension_numbers = #tpu.dot_dimension_numbers<[1], [0], [0], [1], [0, 0, 1, 1], [], []>, transpose_lhs_hint = false} : vector<96x512xbf16>, vector<512x512xbf16>, vector<96x512xf32> -> vector<96x512xf32>
    %convert_element_type3A_760 = arith.truncf %dot_general3A_759 : vector<96x512xf32> to vector<96x512xbf16>
    %slice3A_761 = vector.extract_strided_slice %dot_general3A_749 {offsets = [0, 0], sizes = [256, 64], strides = [1, 1]} : vector<256x512xf32> to vector<256x64xf32>
    %convert_element_type3A_762 = arith.truncf %slice3A_761 : vector<256x64xf32> to vector<256x64xbf16>
    %slice3A_763 = vector.extract_strided_slice %dot_general3A_754 {offsets = [0, 0], sizes = [96, 64], strides = [1, 1]} : vector<96x512xf32> to vector<96x64xf32>
    %convert_element_type3A_764 = arith.truncf %slice3A_763 : vector<96x64xf32> to vector<96x64xbf16>
    %slice3A_765 = vector.extract_strided_slice %convert_element_type3A_760 {offsets = [0, 0], sizes = [96, 64], strides = [1, 1]} : vector<96x512xbf16> to vector<96x64xbf16>
    %dot_general3A_766 = arith.constant dense<0.000000e+00> : vector<256x96xf32>
    %dot_general3A_767 = tpu.matmul %convert_element_type3A_762, %convert_element_type3A_764, %dot_general3A_766 {dimension_numbers = #tpu.dot_dimension_numbers<[1], [1], [0], [0], [0, 0, 1, 0], [], []>, transpose_lhs_hint = false} : vector<256x64xbf16>, vector<96x64xbf16>, vector<256x96xf32> -> vector<256x96xf32>
    %mul3A_768 = arith.constant 1.250000e-01 : f32
    %mul3A_769 = vector.broadcast %mul3A_768 : f32 to vector<256x96xf32>
    %mul3A_770 = arith.mulf %dot_general3A_767, %mul3A_769 : vector<256x96xf32>
    %exp3A_771 = math.exp %mul3A_770 : vector<256x96xf32>
    %jit3A_772 = arith.constant 0.000000e+00 : f32
    %broadcast_in_dim3A_773 = vector.broadcast %jit3A_772 : f32 to vector<256x96xf32>
    %select_n3A_774 = arith.select %lt3A_5, %exp3A_771, %broadcast_in_dim3A_773 : vector<256x96xi1>, vector<256x96xf32>
    %reduce_sum3A_775 = arith.constant dense<0.000000e+00> : vector<256xf32>
    %reduce_sum3A_776 = vector.multi_reduction <add>, %select_n3A_774, %reduce_sum3A_775 [1] : vector<256x96xf32> to vector<256xf32>
    %broadcast_in_dim3A_777 = vector.shape_cast %reduce_sum3A_776 : vector<256xf32> to vector<256x1xf32>
    %div3A_778 = arith.constant 1.000000e+00 : f32
    %div3A_779 = vector.broadcast %div3A_778 : f32 to vector<256x1xf32>
    %div3A_780 = arith.divf %div3A_779, %broadcast_in_dim3A_777 : vector<256x1xf32>
    %convert_element_type3A_781 = arith.truncf %select_n3A_774 : vector<256x96xf32> to vector<256x96xbf16>
    %dot_general3A_782 = arith.constant dense<0.000000e+00> : vector<256x64xf32>
    %dot_general3A_783 = tpu.matmul %convert_element_type3A_781, %slice3A_765, %dot_general3A_782 {dimension_numbers = #tpu.dot_dimension_numbers<[1], [0], [0], [1], [0, 0, 1, 1], [], []>, transpose_lhs_hint = false} : vector<256x96xbf16>, vector<96x64xbf16>, vector<256x64xf32> -> vector<256x64xf32>
    %mul3A_784 = vector.broadcast %div3A_780 : vector<256x1xf32> to vector<256x64xf32>
    %mul3A_785 = arith.mulf %dot_general3A_783, %mul3A_784 : vector<256x64xf32>
    %slice3A_786 = vector.extract_strided_slice %dot_general3A_749 {offsets = [0, 64], sizes = [256, 64], strides = [1, 1]} : vector<256x512xf32> to vector<256x64xf32>
    %convert_element_type3A_787 = arith.truncf %slice3A_786 : vector<256x64xf32> to vector<256x64xbf16>
    %slice3A_788 = vector.extract_strided_slice %dot_general3A_754 {offsets = [0, 64], sizes = [96, 64], strides = [1, 1]} : vector<96x512xf32> to vector<96x64xf32>
    %convert_element_type3A_789 = arith.truncf %slice3A_788 : vector<96x64xf32> to vector<96x64xbf16>
    %slice3A_790 = vector.extract_strided_slice %convert_element_type3A_760 {offsets = [0, 64], sizes = [96, 64], strides = [1, 1]} : vector<96x512xbf16> to vector<96x64xbf16>
    %dot_general3A_791 = arith.constant dense<0.000000e+00> : vector<256x96xf32>
    %dot_general3A_792 = tpu.matmul %convert_element_type3A_787, %convert_element_type3A_789, %dot_general3A_791 {dimension_numbers = #tpu.dot_dimension_numbers<[1], [1], [0], [0], [0, 0, 1, 0], [], []>, transpose_lhs_hint = false} : vector<256x64xbf16>, vector<96x64xbf16>, vector<256x96xf32> -> vector<256x96xf32>
    %mul3A_793 = arith.constant 1.250000e-01 : f32
    %mul3A_794 = vector.broadcast %mul3A_793 : f32 to vector<256x96xf32>
    %mul3A_795 = arith.mulf %dot_general3A_792, %mul3A_794 : vector<256x96xf32>
    %exp3A_796 = math.exp %mul3A_795 : vector<256x96xf32>
    %jit3A_797 = arith.constant 0.000000e+00 : f32
    %broadcast_in_dim3A_798 = vector.broadcast %jit3A_797 : f32 to vector<256x96xf32>
    %select_n3A_799 = arith.select %lt3A_5, %exp3A_796, %broadcast_in_dim3A_798 : vector<256x96xi1>, vector<256x96xf32>
    %reduce_sum3A_800 = arith.constant dense<0.000000e+00> : vector<256xf32>
    %reduce_sum3A_801 = vector.multi_reduction <add>, %select_n3A_799, %reduce_sum3A_800 [1] : vector<256x96xf32> to vector<256xf32>
    %broadcast_in_dim3A_802 = vector.shape_cast %reduce_sum3A_801 : vector<256xf32> to vector<256x1xf32>
    %div3A_803 = arith.constant 1.000000e+00 : f32
    %div3A_804 = vector.broadcast %div3A_803 : f32 to vector<256x1xf32>
    %div3A_805 = arith.divf %div3A_804, %broadcast_in_dim3A_802 : vector<256x1xf32>
    %convert_element_type3A_806 = arith.truncf %select_n3A_799 : vector<256x96xf32> to vector<256x96xbf16>
    %dot_general3A_807 = arith.constant dense<0.000000e+00> : vector<256x64xf32>
    %dot_general3A_808 = tpu.matmul %convert_element_type3A_806, %slice3A_790, %dot_general3A_807 {dimension_numbers = #tpu.dot_dimension_numbers<[1], [0], [0], [1], [0, 0, 1, 1], [], []>, transpose_lhs_hint = false} : vector<256x96xbf16>, vector<96x64xbf16>, vector<256x64xf32> -> vector<256x64xf32>
    %mul3A_809 = vector.broadcast %div3A_805 : vector<256x1xf32> to vector<256x64xf32>
    %mul3A_810 = arith.mulf %dot_general3A_808, %mul3A_809 : vector<256x64xf32>
    %slice3A_811 = vector.extract_strided_slice %dot_general3A_749 {offsets = [0, 128], sizes = [256, 64], strides = [1, 1]} : vector<256x512xf32> to vector<256x64xf32>
    %convert_element_type3A_812 = arith.truncf %slice3A_811 : vector<256x64xf32> to vector<256x64xbf16>
    %slice3A_813 = vector.extract_strided_slice %dot_general3A_754 {offsets = [0, 128], sizes = [96, 64], strides = [1, 1]} : vector<96x512xf32> to vector<96x64xf32>
    %convert_element_type3A_814 = arith.truncf %slice3A_813 : vector<96x64xf32> to vector<96x64xbf16>
    %slice3A_815 = vector.extract_strided_slice %convert_element_type3A_760 {offsets = [0, 128], sizes = [96, 64], strides = [1, 1]} : vector<96x512xbf16> to vector<96x64xbf16>
    %dot_general3A_816 = arith.constant dense<0.000000e+00> : vector<256x96xf32>
    %dot_general3A_817 = tpu.matmul %convert_element_type3A_812, %convert_element_type3A_814, %dot_general3A_816 {dimension_numbers = #tpu.dot_dimension_numbers<[1], [1], [0], [0], [0, 0, 1, 0], [], []>, transpose_lhs_hint = false} : vector<256x64xbf16>, vector<96x64xbf16>, vector<256x96xf32> -> vector<256x96xf32>
    %mul3A_818 = arith.constant 1.250000e-01 : f32
    %mul3A_819 = vector.broadcast %mul3A_818 : f32 to vector<256x96xf32>
    %mul3A_820 = arith.mulf %dot_general3A_817, %mul3A_819 : vector<256x96xf32>
    %exp3A_821 = math.exp %mul3A_820 : vector<256x96xf32>
    %jit3A_822 = arith.constant 0.000000e+00 : f32
    %broadcast_in_dim3A_823 = vector.broadcast %jit3A_822 : f32 to vector<256x96xf32>
    %select_n3A_824 = arith.select %lt3A_5, %exp3A_821, %broadcast_in_dim3A_823 : vector<256x96xi1>, vector<256x96xf32>
    %reduce_sum3A_825 = arith.constant dense<0.000000e+00> : vector<256xf32>
    %reduce_sum3A_826 = vector.multi_reduction <add>, %select_n3A_824, %reduce_sum3A_825 [1] : vector<256x96xf32> to vector<256xf32>
    %broadcast_in_dim3A_827 = vector.shape_cast %reduce_sum3A_826 : vector<256xf32> to vector<256x1xf32>
    %div3A_828 = arith.constant 1.000000e+00 : f32
    %div3A_829 = vector.broadcast %div3A_828 : f32 to vector<256x1xf32>
    %div3A_830 = arith.divf %div3A_829, %broadcast_in_dim3A_827 : vector<256x1xf32>
    %convert_element_type3A_831 = arith.truncf %select_n3A_824 : vector<256x96xf32> to vector<256x96xbf16>
    %dot_general3A_832 = arith.constant dense<0.000000e+00> : vector<256x64xf32>
    %dot_general3A_833 = tpu.matmul %convert_element_type3A_831, %slice3A_815, %dot_general3A_832 {dimension_numbers = #tpu.dot_dimension_numbers<[1], [0], [0], [1], [0, 0, 1, 1], [], []>, transpose_lhs_hint = false} : vector<256x96xbf16>, vector<96x64xbf16>, vector<256x64xf32> -> vector<256x64xf32>
    %mul3A_834 = vector.broadcast %div3A_830 : vector<256x1xf32> to vector<256x64xf32>
    %mul3A_835 = arith.mulf %dot_general3A_833, %mul3A_834 : vector<256x64xf32>
    %slice3A_836 = vector.extract_strided_slice %dot_general3A_749 {offsets = [0, 192], sizes = [256, 64], strides = [1, 1]} : vector<256x512xf32> to vector<256x64xf32>
    %convert_element_type3A_837 = arith.truncf %slice3A_836 : vector<256x64xf32> to vector<256x64xbf16>
    %slice3A_838 = vector.extract_strided_slice %dot_general3A_754 {offsets = [0, 192], sizes = [96, 64], strides = [1, 1]} : vector<96x512xf32> to vector<96x64xf32>
    %convert_element_type3A_839 = arith.truncf %slice3A_838 : vector<96x64xf32> to vector<96x64xbf16>
    %slice3A_840 = vector.extract_strided_slice %convert_element_type3A_760 {offsets = [0, 192], sizes = [96, 64], strides = [1, 1]} : vector<96x512xbf16> to vector<96x64xbf16>
    %dot_general3A_841 = arith.constant dense<0.000000e+00> : vector<256x96xf32>
    %dot_general3A_842 = tpu.matmul %convert_element_type3A_837, %convert_element_type3A_839, %dot_general3A_841 {dimension_numbers = #tpu.dot_dimension_numbers<[1], [1], [0], [0], [0, 0, 1, 0], [], []>, transpose_lhs_hint = false} : vector<256x64xbf16>, vector<96x64xbf16>, vector<256x96xf32> -> vector<256x96xf32>
    %mul3A_843 = arith.constant 1.250000e-01 : f32
    %mul3A_844 = vector.broadcast %mul3A_843 : f32 to vector<256x96xf32>
    %mul3A_845 = arith.mulf %dot_general3A_842, %mul3A_844 : vector<256x96xf32>
    %exp3A_846 = math.exp %mul3A_845 : vector<256x96xf32>
    %jit3A_847 = arith.constant 0.000000e+00 : f32
    %broadcast_in_dim3A_848 = vector.broadcast %jit3A_847 : f32 to vector<256x96xf32>
    %select_n3A_849 = arith.select %lt3A_5, %exp3A_846, %broadcast_in_dim3A_848 : vector<256x96xi1>, vector<256x96xf32>
    %reduce_sum3A_850 = arith.constant dense<0.000000e+00> : vector<256xf32>
    %reduce_sum3A_851 = vector.multi_reduction <add>, %select_n3A_849, %reduce_sum3A_850 [1] : vector<256x96xf32> to vector<256xf32>
    %broadcast_in_dim3A_852 = vector.shape_cast %reduce_sum3A_851 : vector<256xf32> to vector<256x1xf32>
    %div3A_853 = arith.constant 1.000000e+00 : f32
    %div3A_854 = vector.broadcast %div3A_853 : f32 to vector<256x1xf32>
    %div3A_855 = arith.divf %div3A_854, %broadcast_in_dim3A_852 : vector<256x1xf32>
    %convert_element_type3A_856 = arith.truncf %select_n3A_849 : vector<256x96xf32> to vector<256x96xbf16>
    %dot_general3A_857 = arith.constant dense<0.000000e+00> : vector<256x64xf32>
    %dot_general3A_858 = tpu.matmul %convert_element_type3A_856, %slice3A_840, %dot_general3A_857 {dimension_numbers = #tpu.dot_dimension_numbers<[1], [0], [0], [1], [0, 0, 1, 1], [], []>, transpose_lhs_hint = false} : vector<256x96xbf16>, vector<96x64xbf16>, vector<256x64xf32> -> vector<256x64xf32>
    %mul3A_859 = vector.broadcast %div3A_855 : vector<256x1xf32> to vector<256x64xf32>
    %mul3A_860 = arith.mulf %dot_general3A_858, %mul3A_859 : vector<256x64xf32>
    %slice3A_861 = vector.extract_strided_slice %dot_general3A_749 {offsets = [0, 256], sizes = [256, 64], strides = [1, 1]} : vector<256x512xf32> to vector<256x64xf32>
    %convert_element_type3A_862 = arith.truncf %slice3A_861 : vector<256x64xf32> to vector<256x64xbf16>
    %slice3A_863 = vector.extract_strided_slice %dot_general3A_754 {offsets = [0, 256], sizes = [96, 64], strides = [1, 1]} : vector<96x512xf32> to vector<96x64xf32>
    %convert_element_type3A_864 = arith.truncf %slice3A_863 : vector<96x64xf32> to vector<96x64xbf16>
    %slice3A_865 = vector.extract_strided_slice %convert_element_type3A_760 {offsets = [0, 256], sizes = [96, 64], strides = [1, 1]} : vector<96x512xbf16> to vector<96x64xbf16>
    %dot_general3A_866 = arith.constant dense<0.000000e+00> : vector<256x96xf32>
    %dot_general3A_867 = tpu.matmul %convert_element_type3A_862, %convert_element_type3A_864, %dot_general3A_866 {dimension_numbers = #tpu.dot_dimension_numbers<[1], [1], [0], [0], [0, 0, 1, 0], [], []>, transpose_lhs_hint = false} : vector<256x64xbf16>, vector<96x64xbf16>, vector<256x96xf32> -> vector<256x96xf32>
    %mul3A_868 = arith.constant 1.250000e-01 : f32
    %mul3A_869 = vector.broadcast %mul3A_868 : f32 to vector<256x96xf32>
    %mul3A_870 = arith.mulf %dot_general3A_867, %mul3A_869 : vector<256x96xf32>
    %exp3A_871 = math.exp %mul3A_870 : vector<256x96xf32>
    %jit3A_872 = arith.constant 0.000000e+00 : f32
    %broadcast_in_dim3A_873 = vector.broadcast %jit3A_872 : f32 to vector<256x96xf32>
    %select_n3A_874 = arith.select %lt3A_5, %exp3A_871, %broadcast_in_dim3A_873 : vector<256x96xi1>, vector<256x96xf32>
    %reduce_sum3A_875 = arith.constant dense<0.000000e+00> : vector<256xf32>
    %reduce_sum3A_876 = vector.multi_reduction <add>, %select_n3A_874, %reduce_sum3A_875 [1] : vector<256x96xf32> to vector<256xf32>
    %broadcast_in_dim3A_877 = vector.shape_cast %reduce_sum3A_876 : vector<256xf32> to vector<256x1xf32>
    %div3A_878 = arith.constant 1.000000e+00 : f32
    %div3A_879 = vector.broadcast %div3A_878 : f32 to vector<256x1xf32>
    %div3A_880 = arith.divf %div3A_879, %broadcast_in_dim3A_877 : vector<256x1xf32>
    %convert_element_type3A_881 = arith.truncf %select_n3A_874 : vector<256x96xf32> to vector<256x96xbf16>
    %dot_general3A_882 = arith.constant dense<0.000000e+00> : vector<256x64xf32>
    %dot_general3A_883 = tpu.matmul %convert_element_type3A_881, %slice3A_865, %dot_general3A_882 {dimension_numbers = #tpu.dot_dimension_numbers<[1], [0], [0], [1], [0, 0, 1, 1], [], []>, transpose_lhs_hint = false} : vector<256x96xbf16>, vector<96x64xbf16>, vector<256x64xf32> -> vector<256x64xf32>
    %mul3A_884 = vector.broadcast %div3A_880 : vector<256x1xf32> to vector<256x64xf32>
    %mul3A_885 = arith.mulf %dot_general3A_883, %mul3A_884 : vector<256x64xf32>
    %slice3A_886 = vector.extract_strided_slice %dot_general3A_749 {offsets = [0, 320], sizes = [256, 64], strides = [1, 1]} : vector<256x512xf32> to vector<256x64xf32>
    %convert_element_type3A_887 = arith.truncf %slice3A_886 : vector<256x64xf32> to vector<256x64xbf16>
    %slice3A_888 = vector.extract_strided_slice %dot_general3A_754 {offsets = [0, 320], sizes = [96, 64], strides = [1, 1]} : vector<96x512xf32> to vector<96x64xf32>
    %convert_element_type3A_889 = arith.truncf %slice3A_888 : vector<96x64xf32> to vector<96x64xbf16>
    %slice3A_890 = vector.extract_strided_slice %convert_element_type3A_760 {offsets = [0, 320], sizes = [96, 64], strides = [1, 1]} : vector<96x512xbf16> to vector<96x64xbf16>
    %dot_general3A_891 = arith.constant dense<0.000000e+00> : vector<256x96xf32>
    %dot_general3A_892 = tpu.matmul %convert_element_type3A_887, %convert_element_type3A_889, %dot_general3A_891 {dimension_numbers = #tpu.dot_dimension_numbers<[1], [1], [0], [0], [0, 0, 1, 0], [], []>, transpose_lhs_hint = false} : vector<256x64xbf16>, vector<96x64xbf16>, vector<256x96xf32> -> vector<256x96xf32>
    %mul3A_893 = arith.constant 1.250000e-01 : f32
    %mul3A_894 = vector.broadcast %mul3A_893 : f32 to vector<256x96xf32>
    %mul3A_895 = arith.mulf %dot_general3A_892, %mul3A_894 : vector<256x96xf32>
    %exp3A_896 = math.exp %mul3A_895 : vector<256x96xf32>
    %jit3A_897 = arith.constant 0.000000e+00 : f32
    %broadcast_in_dim3A_898 = vector.broadcast %jit3A_897 : f32 to vector<256x96xf32>
    %select_n3A_899 = arith.select %lt3A_5, %exp3A_896, %broadcast_in_dim3A_898 : vector<256x96xi1>, vector<256x96xf32>
    %reduce_sum3A_900 = arith.constant dense<0.000000e+00> : vector<256xf32>
    %reduce_sum3A_901 = vector.multi_reduction <add>, %select_n3A_899, %reduce_sum3A_900 [1] : vector<256x96xf32> to vector<256xf32>
    %broadcast_in_dim3A_902 = vector.shape_cast %reduce_sum3A_901 : vector<256xf32> to vector<256x1xf32>
    %div3A_903 = arith.constant 1.000000e+00 : f32
    %div3A_904 = vector.broadcast %div3A_903 : f32 to vector<256x1xf32>
    %div3A_905 = arith.divf %div3A_904, %broadcast_in_dim3A_902 : vector<256x1xf32>
    %convert_element_type3A_906 = arith.truncf %select_n3A_899 : vector<256x96xf32> to vector<256x96xbf16>
    %dot_general3A_907 = arith.constant dense<0.000000e+00> : vector<256x64xf32>
    %dot_general3A_908 = tpu.matmul %convert_element_type3A_906, %slice3A_890, %dot_general3A_907 {dimension_numbers = #tpu.dot_dimension_numbers<[1], [0], [0], [1], [0, 0, 1, 1], [], []>, transpose_lhs_hint = false} : vector<256x96xbf16>, vector<96x64xbf16>, vector<256x64xf32> -> vector<256x64xf32>
    %mul3A_909 = vector.broadcast %div3A_905 : vector<256x1xf32> to vector<256x64xf32>
    %mul3A_910 = arith.mulf %dot_general3A_908, %mul3A_909 : vector<256x64xf32>
    %slice3A_911 = vector.extract_strided_slice %dot_general3A_749 {offsets = [0, 384], sizes = [256, 64], strides = [1, 1]} : vector<256x512xf32> to vector<256x64xf32>
    %convert_element_type3A_912 = arith.truncf %slice3A_911 : vector<256x64xf32> to vector<256x64xbf16>
    %slice3A_913 = vector.extract_strided_slice %dot_general3A_754 {offsets = [0, 384], sizes = [96, 64], strides = [1, 1]} : vector<96x512xf32> to vector<96x64xf32>
    %convert_element_type3A_914 = arith.truncf %slice3A_913 : vector<96x64xf32> to vector<96x64xbf16>
    %slice3A_915 = vector.extract_strided_slice %convert_element_type3A_760 {offsets = [0, 384], sizes = [96, 64], strides = [1, 1]} : vector<96x512xbf16> to vector<96x64xbf16>
    %dot_general3A_916 = arith.constant dense<0.000000e+00> : vector<256x96xf32>
    %dot_general3A_917 = tpu.matmul %convert_element_type3A_912, %convert_element_type3A_914, %dot_general3A_916 {dimension_numbers = #tpu.dot_dimension_numbers<[1], [1], [0], [0], [0, 0, 1, 0], [], []>, transpose_lhs_hint = false} : vector<256x64xbf16>, vector<96x64xbf16>, vector<256x96xf32> -> vector<256x96xf32>
    %mul3A_918 = arith.constant 1.250000e-01 : f32
    %mul3A_919 = vector.broadcast %mul3A_918 : f32 to vector<256x96xf32>
    %mul3A_920 = arith.mulf %dot_general3A_917, %mul3A_919 : vector<256x96xf32>
    %exp3A_921 = math.exp %mul3A_920 : vector<256x96xf32>
    %jit3A_922 = arith.constant 0.000000e+00 : f32
    %broadcast_in_dim3A_923 = vector.broadcast %jit3A_922 : f32 to vector<256x96xf32>
    %select_n3A_924 = arith.select %lt3A_5, %exp3A_921, %broadcast_in_dim3A_923 : vector<256x96xi1>, vector<256x96xf32>
    %reduce_sum3A_925 = arith.constant dense<0.000000e+00> : vector<256xf32>
    %reduce_sum3A_926 = vector.multi_reduction <add>, %select_n3A_924, %reduce_sum3A_925 [1] : vector<256x96xf32> to vector<256xf32>
    %broadcast_in_dim3A_927 = vector.shape_cast %reduce_sum3A_926 : vector<256xf32> to vector<256x1xf32>
    %div3A_928 = arith.constant 1.000000e+00 : f32
    %div3A_929 = vector.broadcast %div3A_928 : f32 to vector<256x1xf32>
    %div3A_930 = arith.divf %div3A_929, %broadcast_in_dim3A_927 : vector<256x1xf32>
    %convert_element_type3A_931 = arith.truncf %select_n3A_924 : vector<256x96xf32> to vector<256x96xbf16>
    %dot_general3A_932 = arith.constant dense<0.000000e+00> : vector<256x64xf32>
    %dot_general3A_933 = tpu.matmul %convert_element_type3A_931, %slice3A_915, %dot_general3A_932 {dimension_numbers = #tpu.dot_dimension_numbers<[1], [0], [0], [1], [0, 0, 1, 1], [], []>, transpose_lhs_hint = false} : vector<256x96xbf16>, vector<96x64xbf16>, vector<256x64xf32> -> vector<256x64xf32>
    %mul3A_934 = vector.broadcast %div3A_930 : vector<256x1xf32> to vector<256x64xf32>
    %mul3A_935 = arith.mulf %dot_general3A_933, %mul3A_934 : vector<256x64xf32>
    %slice3A_936 = vector.extract_strided_slice %dot_general3A_749 {offsets = [0, 448], sizes = [256, 64], strides = [1, 1]} : vector<256x512xf32> to vector<256x64xf32>
    %convert_element_type3A_937 = arith.truncf %slice3A_936 : vector<256x64xf32> to vector<256x64xbf16>
    %slice3A_938 = vector.extract_strided_slice %dot_general3A_754 {offsets = [0, 448], sizes = [96, 64], strides = [1, 1]} : vector<96x512xf32> to vector<96x64xf32>
    %convert_element_type3A_939 = arith.truncf %slice3A_938 : vector<96x64xf32> to vector<96x64xbf16>
    %slice3A_940 = vector.extract_strided_slice %convert_element_type3A_760 {offsets = [0, 448], sizes = [96, 64], strides = [1, 1]} : vector<96x512xbf16> to vector<96x64xbf16>
    %dot_general3A_941 = arith.constant dense<0.000000e+00> : vector<256x96xf32>
    %dot_general3A_942 = tpu.matmul %convert_element_type3A_937, %convert_element_type3A_939, %dot_general3A_941 {dimension_numbers = #tpu.dot_dimension_numbers<[1], [1], [0], [0], [0, 0, 1, 0], [], []>, transpose_lhs_hint = false} : vector<256x64xbf16>, vector<96x64xbf16>, vector<256x96xf32> -> vector<256x96xf32>
    %mul3A_943 = arith.constant 1.250000e-01 : f32
    %mul3A_944 = vector.broadcast %mul3A_943 : f32 to vector<256x96xf32>
    %mul3A_945 = arith.mulf %dot_general3A_942, %mul3A_944 : vector<256x96xf32>
    %exp3A_946 = math.exp %mul3A_945 : vector<256x96xf32>
    %jit3A_947 = arith.constant 0.000000e+00 : f32
    %broadcast_in_dim3A_948 = vector.broadcast %jit3A_947 : f32 to vector<256x96xf32>
    %select_n3A_949 = arith.select %lt3A_5, %exp3A_946, %broadcast_in_dim3A_948 : vector<256x96xi1>, vector<256x96xf32>
    %reduce_sum3A_950 = arith.constant dense<0.000000e+00> : vector<256xf32>
    %reduce_sum3A_951 = vector.multi_reduction <add>, %select_n3A_949, %reduce_sum3A_950 [1] : vector<256x96xf32> to vector<256xf32>
    %broadcast_in_dim3A_952 = vector.shape_cast %reduce_sum3A_951 : vector<256xf32> to vector<256x1xf32>
    %div3A_953 = arith.constant 1.000000e+00 : f32
    %div3A_954 = vector.broadcast %div3A_953 : f32 to vector<256x1xf32>
    %div3A_955 = arith.divf %div3A_954, %broadcast_in_dim3A_952 : vector<256x1xf32>
    %convert_element_type3A_956 = arith.truncf %select_n3A_949 : vector<256x96xf32> to vector<256x96xbf16>
    %dot_general3A_957 = arith.constant dense<0.000000e+00> : vector<256x64xf32>
    %dot_general3A_958 = tpu.matmul %convert_element_type3A_956, %slice3A_940, %dot_general3A_957 {dimension_numbers = #tpu.dot_dimension_numbers<[1], [0], [0], [1], [0, 0, 1, 1], [], []>, transpose_lhs_hint = false} : vector<256x96xbf16>, vector<96x64xbf16>, vector<256x64xf32> -> vector<256x64xf32>
    %mul3A_959 = vector.broadcast %div3A_955 : vector<256x1xf32> to vector<256x64xf32>
    %mul3A_960 = arith.mulf %dot_general3A_958, %mul3A_959 : vector<256x64xf32>
    %concatenate3A_961 = tpu.concatenate %mul3A_785, %mul3A_810, %mul3A_835, %mul3A_860, %mul3A_885, %mul3A_910, %mul3A_935, %mul3A_960 in 1 : vector<256x64xf32>, vector<256x64xf32>, vector<256x64xf32>, vector<256x64xf32>, vector<256x64xf32>, vector<256x64xf32>, vector<256x64xf32>, vector<256x64xf32> -> vector<256x512xf32>
    %convert_element_type3A_962 = arith.truncf %concatenate3A_961 : vector<256x512xf32> to vector<256x512xbf16>
    %get3A_963 = arith.constant 0 : index
    %get3A_964 = arith.constant 0 : index
    %get3A_965 = vector.load %arg7[%get3A_963, %get3A_964] : memref<512x512xbf16, #tpu.memory_space<vmem>>, vector<512x512xbf16>
    %dot_general3A_966 = arith.constant dense<0.000000e+00> : vector<256x512xf32>
    %dot_general3A_967 = tpu.matmul %convert_element_type3A_962, %get3A_965, %dot_general3A_966 {dimension_numbers = #tpu.dot_dimension_numbers<[1], [0], [0], [1], [0, 0, 1, 1], [], []>, transpose_lhs_hint = false} : vector<256x512xbf16>, vector<512x512xbf16>, vector<256x512xf32> -> vector<256x512xf32>
    %get3A_968 = arith.constant 0 : index
    %get3A_969 = arith.constant 0 : index
    %get3A_970 = vector.load %arg8[%get3A_968, %get3A_969] : memref<1x512xf32, #tpu.memory_space<vmem>>, vector<1x512xf32>
    %add3A_971 = vector.broadcast %get3A_970 : vector<1x512xf32> to vector<256x512xf32>
    %add3A_972 = arith.addf %dot_general3A_967, %add3A_971 : vector<256x512xf32>
    %add3A_973 = arith.addf %add3A_972, %get3A_738 : vector<256x512xf32>
    %slice3A_974 = vector.extract_strided_slice %add3A_973 {offsets = [0, 0], sizes = [243, 512], strides = [1, 1]} : vector<256x512xf32> to vector<243x512xf32>
    %swap3A_975 = arith.constant 3 : index
    %swap3A_976 = arith.constant 0 : index
    %swap3A_977 = arith.constant 0 : index
    %swap3A_978 = vector.load %arg9[%swap3A_975, %swap3A_976, %swap3A_977] : memref<4x243x512xf32, #tpu.memory_space<vmem>>, vector<1x243x512xf32>
    %swap3A_979 = vector.shape_cast %swap3A_978 : vector<1x243x512xf32> to vector<243x512xf32>
    %swap3A_980 = vector.shape_cast %slice3A_974 : vector<243x512xf32> to vector<1x243x512xf32>
    tpu.vector_store %arg9[%swap3A_975, %swap3A_976, %swap3A_977], %swap3A_980 {strides = array<i32>} : memref<4x243x512xf32, #tpu.memory_space<vmem>>, vector<1x243x512xf32>,
    return
  }
  func.func @transform_0(%arg0: i32) -> (i32, i32, i32) {
    %c0_i32 = arith.constant 0 : i32
    %c0_i32_0 = arith.constant 0 : i32
    %c0_i32_1 = arith.constant 0 : i32
    return %arg0, %c0_i32, %c0_i32_0 : i32, i32, i32
  }
  func.func @transform_1(%arg0: i32) -> (i32, i32) {
    %c0_i32 = arith.constant 0 : i32
    %c0_i32_0 = arith.constant 0 : i32
    return %arg0, %c0_i32 : i32, i32
  }
  func.func @transform_2(%arg0: i32) -> (i32, i32, i32) {
    %c0_i32 = arith.constant 0 : i32
    %c0_i32_0 = arith.constant 0 : i32
    %c0_i32_1 = arith.constant 0 : i32
    %c0_i32_2 = arith.constant 0 : i32
    return %c0_i32, %c0_i32_0, %c0_i32_1 : i32, i32, i32
  }
  func.func @transform_3(%arg0: i32) -> (i32, i32) {
    %c0_i32 = arith.constant 0 : i32
    %c0_i32_0 = arith.constant 0 : i32
    %c0_i32_1 = arith.constant 0 : i32
    return %c0_i32, %c0_i32_0 : i32, i32
  }
  func.func @transform_4(%arg0: i32) -> (i32, i32) {
    %c0_i32 = arith.constant 0 : i32
    %c0_i32_0 = arith.constant 0 : i32
    %c0_i32_1 = arith.constant 0 : i32
    return %c0_i32, %c0_i32_0 : i32, i32
  }
  func.func @transform_5(%arg0: i32) -> (i32, i32) {
    %c0_i32 = arith.constant 0 : i32
    %c0_i32_0 = arith.constant 0 : i32
    %c0_i32_1 = arith.constant 0 : i32
    return %c0_i32, %c0_i32_0 : i32, i32
  }
  func.func @transform_6(%arg0: i32) -> (i32, i32) {
    %c0_i32 = arith.constant 0 : i32
    %c0_i32_0 = arith.constant 0 : i32
    %c0_i32_1 = arith.constant 0 : i32
    return %c0_i32, %c0_i32_0 : i32, i32
  }
  func.func @transform_7(%arg0: i32) -> (i32, i32) {
    %c0_i32 = arith.constant 0 : i32
    %c0_i32_0 = arith.constant 0 : i32
    %c0_i32_1 = arith.constant 0 : i32
    return %c0_i32, %c0_i32_0 : i32, i32
  }
  func.func @transform_8(%arg0: i32) -> (i32, i32, i32) {
    %c0_i32 = arith.constant 0 : i32
    %c0_i32_0 = arith.constant 0 : i32
    %c0_i32_1 = arith.constant 0 : i32
    return %arg0, %c0_i32, %c0_i32_0 : i32, i32, i32
  }
}

module attributes {stable_mosaic.version = 14 : i64} {
  func.func @_score_body(%arg0: i32, %arg1: memref<4x256x512xf32, #tpu.memory_space<vmem>>, %arg2: memref<4x1x128xi32, #tpu.memory_space<vmem>>) attributes {dimension_semantics = [#tpu.dimension_semantics<arbitrary>], iteration_bounds = array<i64: 16>, scalar_prefetch = 0 : i64, scratch_operands = 0 : i64, tpu.core_type = #tpu.core_type<tc>, window_params = [{transform_indices = @transform_0, window_bounds = array<i64: 4, 256, 512>}, {transform_indices = @transform_1, window_bounds = array<i64: 4, 1, 128>}]} {
    %get3A = arith.constant 0 : index
    %get3A_0 = arith.constant 0 : index
    %get3A_1 = arith.constant 0 : index
    %get3A_2 = vector.load %arg1[%get3A, %get3A_0, %get3A_1] : memref<4x256x512xf32, #tpu.memory_space<vmem>>, vector<1x256x512xf32>
    %get3A_3 = vector.shape_cast %get3A_2 : vector<1x256x512xf32> to vector<256x512xf32>
    %iota3A = tpu.iota {dimensions = array<i32: 0>} : vector<256x256xi32>
    %iota3A_4 = tpu.iota {dimensions = array<i32: 1>} : vector<256x256xi32>
    %lt3A = arith.constant 243 : i32
    %lt3A_5 = vector.broadcast %lt3A : i32 to vector<256x256xi32>
    %lt3A_6 = arith.cmpi slt, %iota3A, %lt3A_5 : vector<256x256xi32>
    %mul3A = arith.mulf %get3A_3, %get3A_3 : vector<256x512xf32>
    %reduce_sum3A = arith.constant dense<0.000000e+00> : vector<256xf32>
    %reduce_sum3A_7 = vector.multi_reduction <add>, %mul3A, %reduce_sum3A [1] : vector<256x512xf32> to vector<256xf32>
    %broadcast_in_dim3A = vector.shape_cast %reduce_sum3A_7 : vector<256xf32> to vector<256x1xf32>
    %eq3A = arith.cmpi eq, %iota3A, %iota3A_4 : vector<256x256xi32>
    %broadcast_in_dim3A_8 = vector.shape_cast %broadcast_in_dim3A : vector<256x1xf32> to vector<256x1xf32>
    %broadcast_in_dim3A_9 = vector.broadcast %broadcast_in_dim3A_8 : vector<256x1xf32> to vector<256x256xf32>
    %jit3A = arith.constant 0.000000e+00 : f32
    %broadcast_in_dim3A_10 = vector.broadcast %jit3A : f32 to vector<256x256xf32>
    %select_n3A = arith.select %eq3A, %broadcast_in_dim3A_9, %broadcast_in_dim3A_10 : vector<256x256xi1>, vector<256x256xf32>
    %reduce_sum3A_11 = arith.constant dense<0.000000e+00> : vector<256xf32>
    %reduce_sum3A_12 = vector.multi_reduction <add>, %select_n3A, %reduce_sum3A_11 [0] : vector<256x256xf32> to vector<256xf32>
    %broadcast_in_dim3A_13 = vector.shape_cast %reduce_sum3A_12 : vector<256xf32> to vector<1x256xf32>
    %dot_general3A = arith.constant dense<0.000000e+00> : vector<256x256xf32>
    %dot_general3A_14 = tpu.matmul %get3A_3, %get3A_3, %dot_general3A {dimension_numbers = #tpu.dot_dimension_numbers<[1], [1], [0], [0], [0, 0, 1, 0], [], []>, transpose_lhs_hint = false} : vector<256x512xf32>, vector<256x512xf32>, vector<256x256xf32> -> vector<256x256xf32>
    %add3A = vector.broadcast %broadcast_in_dim3A : vector<256x1xf32> to vector<256x256xf32>
    %add3A_15 = vector.broadcast %broadcast_in_dim3A_13 : vector<1x256xf32> to vector<256x256xf32>
    %add3A_16 = arith.addf %add3A, %add3A_15 : vector<256x256xf32>
    %mul3A_17 = arith.constant 2.000000e+00 : f32
    %mul3A_18 = vector.broadcast %mul3A_17 : f32 to vector<256x256xf32>
    %mul3A_19 = arith.mulf %mul3A_18, %dot_general3A_14 : vector<256x256xf32>
    %sub3A = arith.subf %add3A_16, %mul3A_19 : vector<256x256xf32>
    %max3A = arith.constant 0.000000e+00 : f32
    %max3A_20 = vector.broadcast %max3A : f32 to vector<256x256xf32>
    %max3A_21 = arith.maximumf %sub3A, %max3A_20 : vector<256x256xf32>
    %jit3A_22 = arith.constant 0x7F800000 : f32
    %broadcast_in_dim3A_23 = vector.broadcast %jit3A_22 : f32 to vector<256x256xf32>
    %select_n3A_24 = arith.select %lt3A_6, %max3A_21, %broadcast_in_dim3A_23 : vector<256x256xi1>, vector<256x256xf32>
    %broadcast_in_dim3A_25 = arith.constant 0.000000e+00 : f32
    %broadcast_in_dim3A_26 = vector.broadcast %broadcast_in_dim3A_25 : f32 to vector<1x256xf32>
    %broadcast_in_dim3A_27 = arith.constant 7 : i32
    %broadcast_in_dim3A_28 = vector.broadcast %broadcast_in_dim3A_27 : i32 to vector<1x256xi32>
    %reduce_min3A = arith.constant dense<0x7F800000> : vector<256xf32>
    %reduce_min3A_29 = vector.multi_reduction <minimumf>, %select_n3A_24, %reduce_min3A [0] : vector<256x256xf32> to vector<256xf32>
    %broadcast_in_dim3A_30 = vector.shape_cast %reduce_min3A_29 : vector<256xf32> to vector<1x256xf32>
    %eq3A_31 = vector.broadcast %broadcast_in_dim3A_30 : vector<1x256xf32> to vector<256x256xf32>
    %eq3A_32 = arith.cmpf oeq, %select_n3A_24, %eq3A_31 : vector<256x256xf32>
    %convert_element_type3A = arith.extui %eq3A_32 : vector<256x256xi1> to vector<256x256xi32>
    %reduce_sum3A_33 = arith.constant dense<0> : vector<256xi32>
    %reduce_sum3A_34 = vector.multi_reduction <add>, %convert_element_type3A, %reduce_sum3A_33 [0] : vector<256x256xi32> to vector<256xi32>
    %broadcast_in_dim3A_35 = vector.shape_cast %reduce_sum3A_34 : vector<256xi32> to vector<1x256xi32>
    %min3A = arith.minsi %broadcast_in_dim3A_35, %broadcast_in_dim3A_28 : vector<1x256xi32>
    %sub3A_36 = arith.subi %broadcast_in_dim3A_28, %min3A : vector<1x256xi32>
    %sqrt3A = math.sqrt %broadcast_in_dim3A_30 : vector<1x256xf32>
    %div3A = arith.constant 22.6274166 : f32
    %div3A_37 = vector.broadcast %div3A : f32 to vector<1x256xf32>
    %div3A_38 = arith.divf %sqrt3A, %div3A_37 : vector<1x256xf32>
    %convert_element_type3A_39 = arith.sitofp %min3A : vector<1x256xi32> to vector<1x256xf32>
    %mul3A_40 = arith.mulf %div3A_38, %div3A_38 : vector<1x256xf32>
    %mul3A_41 = arith.mulf %convert_element_type3A_39, %mul3A_40 : vector<1x256xf32>
    %add3A_42 = arith.addf %broadcast_in_dim3A_26, %mul3A_41 : vector<1x256xf32>
    %jit3A_43 = arith.constant 0x7F800000 : f32
    %broadcast_in_dim3A_44 = vector.broadcast %jit3A_43 : f32 to vector<256x256xf32>
    %select_n3A_45 = arith.select %eq3A_32, %broadcast_in_dim3A_44, %select_n3A_24 : vector<256x256xi1>, vector<256x256xf32>
    %reduce_min3A_46 = arith.constant dense<0x7F800000> : vector<256xf32>
    %reduce_min3A_47 = vector.multi_reduction <minimumf>, %select_n3A_45, %reduce_min3A_46 [0] : vector<256x256xf32> to vector<256xf32>
    %broadcast_in_dim3A_48 = vector.shape_cast %reduce_min3A_47 : vector<256xf32> to vector<1x256xf32>
    %eq3A_49 = vector.broadcast %broadcast_in_dim3A_48 : vector<1x256xf32> to vector<256x256xf32>
    %eq3A_50 = arith.cmpf oeq, %select_n3A_45, %eq3A_49 : vector<256x256xf32>
    %convert_element_type3A_51 = arith.extui %eq3A_50 : vector<256x256xi1> to vector<256x256xi32>
    %reduce_sum3A_52 = arith.constant dense<0> : vector<256xi32>
    %reduce_sum3A_53 = vector.multi_reduction <add>, %convert_element_type3A_51, %reduce_sum3A_52 [0] : vector<256x256xi32> to vector<256xi32>
    %broadcast_in_dim3A_54 = vector.shape_cast %reduce_sum3A_53 : vector<256xi32> to vector<1x256xi32>
    %min3A_55 = arith.minsi %broadcast_in_dim3A_54, %sub3A_36 : vector<1x256xi32>
    %sub3A_56 = arith.subi %sub3A_36, %min3A_55 : vector<1x256xi32>
    %sqrt3A_57 = math.sqrt %broadcast_in_dim3A_48 : vector<1x256xf32>
    %div3A_58 = arith.constant 22.6274166 : f32
    %div3A_59 = vector.broadcast %div3A_58 : f32 to vector<1x256xf32>
    %div3A_60 = arith.divf %sqrt3A_57, %div3A_59 : vector<1x256xf32>
    %convert_element_type3A_61 = arith.sitofp %min3A_55 : vector<1x256xi32> to vector<1x256xf32>
    %mul3A_62 = arith.mulf %div3A_60, %div3A_60 : vector<1x256xf32>
    %mul3A_63 = arith.mulf %convert_element_type3A_61, %mul3A_62 : vector<1x256xf32>
    %add3A_64 = arith.addf %add3A_42, %mul3A_63 : vector<1x256xf32>
    %jit3A_65 = arith.constant 0x7F800000 : f32
    %broadcast_in_dim3A_66 = vector.broadcast %jit3A_65 : f32 to vector<256x256xf32>
    %select_n3A_67 = arith.select %eq3A_50, %broadcast_in_dim3A_66, %select_n3A_45 : vector<256x256xi1>, vector<256x256xf32>
    %reduce_min3A_68 = arith.constant dense<0x7F800000> : vector<256xf32>
    %reduce_min3A_69 = vector.multi_reduction <minimumf>, %select_n3A_67, %reduce_min3A_68 [0] : vector<256x256xf32> to vector<256xf32>
    %broadcast_in_dim3A_70 = vector.shape_cast %reduce_min3A_69 : vector<256xf32> to vector<1x256xf32>
    %eq3A_71 = vector.broadcast %broadcast_in_dim3A_70 : vector<1x256xf32> to vector<256x256xf32>
    %eq3A_72 = arith.cmpf oeq, %select_n3A_67, %eq3A_71 : vector<256x256xf32>
    %convert_element_type3A_73 = arith.extui %eq3A_72 : vector<256x256xi1> to vector<256x256xi32>
    %reduce_sum3A_74 = arith.constant dense<0> : vector<256xi32>
    %reduce_sum3A_75 = vector.multi_reduction <add>, %convert_element_type3A_73, %reduce_sum3A_74 [0] : vector<256x256xi32> to vector<256xi32>
    %broadcast_in_dim3A_76 = vector.shape_cast %reduce_sum3A_75 : vector<256xi32> to vector<1x256xi32>
    %min3A_77 = arith.minsi %broadcast_in_dim3A_76, %sub3A_56 : vector<1x256xi32>
    %sub3A_78 = arith.subi %sub3A_56, %min3A_77 : vector<1x256xi32>
    %sqrt3A_79 = math.sqrt %broadcast_in_dim3A_70 : vector<1x256xf32>
    %div3A_80 = arith.constant 22.6274166 : f32
    %div3A_81 = vector.broadcast %div3A_80 : f32 to vector<1x256xf32>
    %div3A_82 = arith.divf %sqrt3A_79, %div3A_81 : vector<1x256xf32>
    %convert_element_type3A_83 = arith.sitofp %min3A_77 : vector<1x256xi32> to vector<1x256xf32>
    %mul3A_84 = arith.mulf %div3A_82, %div3A_82 : vector<1x256xf32>
    %mul3A_85 = arith.mulf %convert_element_type3A_83, %mul3A_84 : vector<1x256xf32>
    %add3A_86 = arith.addf %add3A_64, %mul3A_85 : vector<1x256xf32>
    %jit3A_87 = arith.constant 0x7F800000 : f32
    %broadcast_in_dim3A_88 = vector.broadcast %jit3A_87 : f32 to vector<256x256xf32>
    %select_n3A_89 = arith.select %eq3A_72, %broadcast_in_dim3A_88, %select_n3A_67 : vector<256x256xi1>, vector<256x256xf32>
    %reduce_min3A_90 = arith.constant dense<0x7F800000> : vector<256xf32>
    %reduce_min3A_91 = vector.multi_reduction <minimumf>, %select_n3A_89, %reduce_min3A_90 [0] : vector<256x256xf32> to vector<256xf32>
    %broadcast_in_dim3A_92 = vector.shape_cast %reduce_min3A_91 : vector<256xf32> to vector<1x256xf32>
    %eq3A_93 = vector.broadcast %broadcast_in_dim3A_92 : vector<1x256xf32> to vector<256x256xf32>
    %eq3A_94 = arith.cmpf oeq, %select_n3A_89, %eq3A_93 : vector<256x256xf32>
    %convert_element_type3A_95 = arith.extui %eq3A_94 : vector<256x256xi1> to vector<256x256xi32>
    %reduce_sum3A_96 = arith.constant dense<0> : vector<256xi32>
    %reduce_sum3A_97 = vector.multi_reduction <add>, %convert_element_type3A_95, %reduce_sum3A_96 [0] : vector<256x256xi32> to vector<256xi32>
    %broadcast_in_dim3A_98 = vector.shape_cast %reduce_sum3A_97 : vector<256xi32> to vector<1x256xi32>
    %min3A_99 = arith.minsi %broadcast_in_dim3A_98, %sub3A_78 : vector<1x256xi32>
    %sub3A_100 = arith.subi %sub3A_78, %min3A_99 : vector<1x256xi32>
    %sqrt3A_101 = math.sqrt %broadcast_in_dim3A_92 : vector<1x256xf32>
    %div3A_102 = arith.constant 22.6274166 : f32
    %div3A_103 = vector.broadcast %div3A_102 : f32 to vector<1x256xf32>
    %div3A_104 = arith.divf %sqrt3A_101, %div3A_103 : vector<1x256xf32>
    %convert_element_type3A_105 = arith.sitofp %min3A_99 : vector<1x256xi32> to vector<1x256xf32>
    %mul3A_106 = arith.mulf %div3A_104, %div3A_104 : vector<1x256xf32>
    %mul3A_107 = arith.mulf %convert_element_type3A_105, %mul3A_106 : vector<1x256xf32>
    %add3A_108 = arith.addf %add3A_86, %mul3A_107 : vector<1x256xf32>
    %jit3A_109 = arith.constant 0x7F800000 : f32
    %broadcast_in_dim3A_110 = vector.broadcast %jit3A_109 : f32 to vector<256x256xf32>
    %select_n3A_111 = arith.select %eq3A_94, %broadcast_in_dim3A_110, %select_n3A_89 : vector<256x256xi1>, vector<256x256xf32>
    %reduce_min3A_112 = arith.constant dense<0x7F800000> : vector<256xf32>
    %reduce_min3A_113 = vector.multi_reduction <minimumf>, %select_n3A_111, %reduce_min3A_112 [0] : vector<256x256xf32> to vector<256xf32>
    %broadcast_in_dim3A_114 = vector.shape_cast %reduce_min3A_113 : vector<256xf32> to vector<1x256xf32>
    %eq3A_115 = vector.broadcast %broadcast_in_dim3A_114 : vector<1x256xf32> to vector<256x256xf32>
    %eq3A_116 = arith.cmpf oeq, %select_n3A_111, %eq3A_115 : vector<256x256xf32>
    %convert_element_type3A_117 = arith.extui %eq3A_116 : vector<256x256xi1> to vector<256x256xi32>
    %reduce_sum3A_118 = arith.constant dense<0> : vector<256xi32>
    %reduce_sum3A_119 = vector.multi_reduction <add>, %convert_element_type3A_117, %reduce_sum3A_118 [0] : vector<256x256xi32> to vector<256xi32>
    %broadcast_in_dim3A_120 = vector.shape_cast %reduce_sum3A_119 : vector<256xi32> to vector<1x256xi32>
    %min3A_121 = arith.minsi %broadcast_in_dim3A_120, %sub3A_100 : vector<1x256xi32>
    %sub3A_122 = arith.subi %sub3A_100, %min3A_121 : vector<1x256xi32>
    %sqrt3A_123 = math.sqrt %broadcast_in_dim3A_114 : vector<1x256xf32>
    %div3A_124 = arith.constant 22.6274166 : f32
    %div3A_125 = vector.broadcast %div3A_124 : f32 to vector<1x256xf32>
    %div3A_126 = arith.divf %sqrt3A_123, %div3A_125 : vector<1x256xf32>
    %convert_element_type3A_127 = arith.sitofp %min3A_121 : vector<1x256xi32> to vector<1x256xf32>
    %mul3A_128 = arith.mulf %div3A_126, %div3A_126 : vector<1x256xf32>
    %mul3A_129 = arith.mulf %convert_element_type3A_127, %mul3A_128 : vector<1x256xf32>
    %add3A_130 = arith.addf %add3A_108, %mul3A_129 : vector<1x256xf32>
    %jit3A_131 = arith.constant 0x7F800000 : f32
    %broadcast_in_dim3A_132 = vector.broadcast %jit3A_131 : f32 to vector<256x256xf32>
    %select_n3A_133 = arith.select %eq3A_116, %broadcast_in_dim3A_132, %select_n3A_111 : vector<256x256xi1>, vector<256x256xf32>
    %reduce_min3A_134 = arith.constant dense<0x7F800000> : vector<256xf32>
    %reduce_min3A_135 = vector.multi_reduction <minimumf>, %select_n3A_133, %reduce_min3A_134 [0] : vector<256x256xf32> to vector<256xf32>
    %broadcast_in_dim3A_136 = vector.shape_cast %reduce_min3A_135 : vector<256xf32> to vector<1x256xf32>
    %eq3A_137 = vector.broadcast %broadcast_in_dim3A_136 : vector<1x256xf32> to vector<256x256xf32>
    %eq3A_138 = arith.cmpf oeq, %select_n3A_133, %eq3A_137 : vector<256x256xf32>
    %convert_element_type3A_139 = arith.extui %eq3A_138 : vector<256x256xi1> to vector<256x256xi32>
    %reduce_sum3A_140 = arith.constant dense<0> : vector<256xi32>
    %reduce_sum3A_141 = vector.multi_reduction <add>, %convert_element_type3A_139, %reduce_sum3A_140 [0] : vector<256x256xi32> to vector<256xi32>
    %broadcast_in_dim3A_142 = vector.shape_cast %reduce_sum3A_141 : vector<256xi32> to vector<1x256xi32>
    %min3A_143 = arith.minsi %broadcast_in_dim3A_142, %sub3A_122 : vector<1x256xi32>
    %sub3A_144 = arith.subi %sub3A_122, %min3A_143 : vector<1x256xi32>
    %sqrt3A_145 = math.sqrt %broadcast_in_dim3A_136 : vector<1x256xf32>
    %div3A_146 = arith.constant 22.6274166 : f32
    %div3A_147 = vector.broadcast %div3A_146 : f32 to vector<1x256xf32>
    %div3A_148 = arith.divf %sqrt3A_145, %div3A_147 : vector<1x256xf32>
    %convert_element_type3A_149 = arith.sitofp %min3A_143 : vector<1x256xi32> to vector<1x256xf32>
    %mul3A_150 = arith.mulf %div3A_148, %div3A_148 : vector<1x256xf32>
    %mul3A_151 = arith.mulf %convert_element_type3A_149, %mul3A_150 : vector<1x256xf32>
    %add3A_152 = arith.addf %add3A_130, %mul3A_151 : vector<1x256xf32>
    %jit3A_153 = arith.constant 0x7F800000 : f32
    %broadcast_in_dim3A_154 = vector.broadcast %jit3A_153 : f32 to vector<256x256xf32>
    %select_n3A_155 = arith.select %eq3A_138, %broadcast_in_dim3A_154, %select_n3A_133 : vector<256x256xi1>, vector<256x256xf32>
    %reduce_min3A_156 = arith.constant dense<0x7F800000> : vector<256xf32>
    %reduce_min3A_157 = vector.multi_reduction <minimumf>, %select_n3A_155, %reduce_min3A_156 [0] : vector<256x256xf32> to vector<256xf32>
    %broadcast_in_dim3A_158 = vector.shape_cast %reduce_min3A_157 : vector<256xf32> to vector<1x256xf32>
    %eq3A_159 = vector.broadcast %broadcast_in_dim3A_158 : vector<1x256xf32> to vector<256x256xf32>
    %eq3A_160 = arith.cmpf oeq, %select_n3A_155, %eq3A_159 : vector<256x256xf32>
    %convert_element_type3A_161 = arith.extui %eq3A_160 : vector<256x256xi1> to vector<256x256xi32>
    %reduce_sum3A_162 = arith.constant dense<0> : vector<256xi32>
    %reduce_sum3A_163 = vector.multi_reduction <add>, %convert_element_type3A_161, %reduce_sum3A_162 [0] : vector<256x256xi32> to vector<256xi32>
    %broadcast_in_dim3A_164 = vector.shape_cast %reduce_sum3A_163 : vector<256xi32> to vector<1x256xi32>
    %min3A_165 = arith.minsi %broadcast_in_dim3A_164, %sub3A_144 : vector<1x256xi32>
    %sqrt3A_166 = math.sqrt %broadcast_in_dim3A_158 : vector<1x256xf32>
    %div3A_167 = arith.constant 22.6274166 : f32
    %div3A_168 = vector.broadcast %div3A_167 : f32 to vector<1x256xf32>
    %div3A_169 = arith.divf %sqrt3A_166, %div3A_168 : vector<1x256xf32>
    %convert_element_type3A_170 = arith.sitofp %min3A_165 : vector<1x256xi32> to vector<1x256xf32>
    %mul3A_171 = arith.mulf %div3A_169, %div3A_169 : vector<1x256xf32>
    %mul3A_172 = arith.mulf %convert_element_type3A_170, %mul3A_171 : vector<1x256xf32>
    %add3A_173 = arith.addf %add3A_152, %mul3A_172 : vector<1x256xf32>
    %div3A_174 = arith.constant 7.000000e+00 : f32
    %div3A_175 = vector.broadcast %div3A_174 : f32 to vector<1x256xf32>
    %div3A_176 = arith.divf %add3A_173, %div3A_175 : vector<1x256xf32>
    %neg3A = arith.constant 0.000000e+00 : f32
    %neg3A_177 = vector.broadcast %neg3A : f32 to vector<1x256xf32>
    %neg3A_178 = arith.subf %neg3A_177, %div3A_176 : vector<1x256xf32>
    %exp3A = math.exp %neg3A_178 : vector<1x256xf32>
    %iota3A_179 = tpu.iota {dimensions = array<i32: 1>} : vector<1x256xi32>
    %convert_element_type3A_180 = arith.sitofp %iota3A_179 : vector<1x256xi32> to vector<1x256xf32>
    %mul3A_181 = arith.constant 9.99999997E-7 : f32
    %mul3A_182 = vector.broadcast %mul3A_181 : f32 to vector<1x256xf32>
    %mul3A_183 = arith.mulf %convert_element_type3A_180, %mul3A_182 : vector<1x256xf32>
    %add3A_184 = arith.addf %exp3A, %mul3A_183 : vector<1x256xf32>
    %eq3A_185 = arith.cmpi eq, %iota3A, %iota3A_4 : vector<256x256xi32>
    %broadcast_in_dim3A_186 = vector.shape_cast %add3A_184 : vector<1x256xf32> to vector<1x256xf32>
    %broadcast_in_dim3A_187 = vector.broadcast %broadcast_in_dim3A_186 : vector<1x256xf32> to vector<256x256xf32>
    %jit3A_188 = arith.constant 0.000000e+00 : f32
    %broadcast_in_dim3A_189 = vector.broadcast %jit3A_188 : f32 to vector<256x256xf32>
    %select_n3A_190 = arith.select %eq3A_185, %broadcast_in_dim3A_187, %broadcast_in_dim3A_189 : vector<256x256xi1>, vector<256x256xf32>
    %reduce_sum3A_191 = arith.constant dense<0.000000e+00> : vector<256xf32>
    %reduce_sum3A_192 = vector.multi_reduction <add>, %select_n3A_190, %reduce_sum3A_191 [1] : vector<256x256xf32> to vector<256xf32>
    %broadcast_in_dim3A_193 = vector.shape_cast %reduce_sum3A_192 : vector<256xf32> to vector<256x1xf32>
    %lt3A_194 = arith.constant 243 : i32
    %lt3A_195 = vector.broadcast %lt3A_194 : i32 to vector<256x256xi32>
    %lt3A_196 = arith.cmpi slt, %iota3A_4, %lt3A_195 : vector<256x256xi32>
    %and3A = arith.andi %lt3A_6, %lt3A_196 : vector<256x256xi1>
    %neg3A_197 = arith.constant 0.000000e+00 : f32
    %neg3A_198 = arith.constant 0x7F800000 : f32
    %neg3A_199 = arith.subf %neg3A_197, %neg3A_198 : f32
    %broadcast_in_dim3A_200 = vector.broadcast %neg3A_199 : f32 to vector<256x256xf32>
    %select_n3A_201 = arith.select %and3A, %max3A_21, %broadcast_in_dim3A_200 : vector<256x256xi1>, vector<256x256xf32>
    %reduce_max3A = vector.shape_cast %select_n3A_201 : vector<256x256xf32> to vector<1x256x256xf32>
    %reduce_max3A_202 = arith.constant dense<0xFF800000> : vector<1xf32>
    %reduce_max3A_203 = vector.multi_reduction <maximumf>, %reduce_max3A, %reduce_max3A_202 [1, 2] : vector<1x256x256xf32> to vector<1xf32>
    %reduce_max3A_204 = vector.shape_cast %reduce_max3A_203 : vector<1xf32> to vector<1x1x1xf32>
    %reduce_max3A_205 = vector.extract %reduce_max3A_204[0, 0, 0] : f32 from vector<1x1x1xf32>
    %gt3A = vector.broadcast %broadcast_in_dim3A_193 : vector<256x1xf32> to vector<256x256xf32>
    %gt3A_206 = vector.broadcast %add3A_184 : vector<1x256xf32> to vector<256x256xf32>
    %gt3A_207 = arith.cmpf ogt, %gt3A, %gt3A_206 : vector<256x256xf32>
    %and3A_208 = arith.andi %gt3A_207, %lt3A_6 : vector<256x256xi1>
    %broadcast_in_dim3A_209 = vector.broadcast %reduce_max3A_205 : f32 to vector<256x256xf32>
    %select_n3A_210 = arith.select %and3A_208, %max3A_21, %broadcast_in_dim3A_209 : vector<256x256xi1>, vector<256x256xf32>
    %reduce_min3A_211 = arith.constant dense<0x7F800000> : vector<256xf32>
    %reduce_min3A_212 = vector.multi_reduction <minimumf>, %select_n3A_210, %reduce_min3A_211 [0] : vector<256x256xf32> to vector<256xf32>
    %broadcast_in_dim3A_213 = vector.shape_cast %reduce_min3A_212 : vector<256xf32> to vector<1x256xf32>
    %sqrt3A_214 = math.sqrt %broadcast_in_dim3A_213 : vector<1x256xf32>
    %div3A_215 = arith.constant 22.6274166 : f32
    %div3A_216 = vector.broadcast %div3A_215 : f32 to vector<1x256xf32>
    %div3A_217 = arith.divf %sqrt3A_214, %div3A_216 : vector<1x256xf32>
    %mul3A_218 = arith.mulf %div3A_217, %add3A_184 : vector<1x256xf32>
    %iota3A_219 = tpu.iota {dimensions = array<i32: 1>} : vector<1x256xi32>
    %lt3A_220 = arith.constant 243 : i32
    %lt3A_221 = vector.broadcast %lt3A_220 : i32 to vector<1x256xi32>
    %lt3A_222 = arith.cmpi slt, %iota3A_219, %lt3A_221 : vector<1x256xi32>
    %neg3A_223 = arith.constant 0.000000e+00 : f32
    %neg3A_224 = arith.constant 0x7F800000 : f32
    %neg3A_225 = arith.subf %neg3A_223, %neg3A_224 : f32
    %broadcast_in_dim3A_226 = vector.broadcast %neg3A_225 : f32 to vector<1x256xf32>
    %select_n3A_227 = arith.select %lt3A_222, %mul3A_218, %broadcast_in_dim3A_226 : vector<1x256xi1>, vector<1x256xf32>
    %eq3A_228 = arith.cmpi eq, %iota3A, %iota3A_4 : vector<256x256xi32>
    %broadcast_in_dim3A_229 = vector.shape_cast %select_n3A_227 : vector<1x256xf32> to vector<1x256xf32>
    %broadcast_in_dim3A_230 = vector.broadcast %broadcast_in_dim3A_229 : vector<1x256xf32> to vector<256x256xf32>
    %jit3A_231 = arith.constant 0.000000e+00 : f32
    %broadcast_in_dim3A_232 = vector.broadcast %jit3A_231 : f32 to vector<256x256xf32>
    %select_n3A_233 = arith.select %eq3A_228, %broadcast_in_dim3A_230, %broadcast_in_dim3A_232 : vector<256x256xi1>, vector<256x256xf32>
    %reduce_sum3A_234 = arith.constant dense<0.000000e+00> : vector<256xf32>
    %reduce_sum3A_235 = vector.multi_reduction <add>, %select_n3A_233, %reduce_sum3A_234 [1] : vector<256x256xf32> to vector<256xf32>
    %broadcast_in_dim3A_236 = vector.shape_cast %reduce_sum3A_235 : vector<256xf32> to vector<256x1xf32>
    %gt3A_237 = vector.broadcast %select_n3A_227 : vector<1x256xf32> to vector<256x256xf32>
    %gt3A_238 = vector.broadcast %broadcast_in_dim3A_236 : vector<256x1xf32> to vector<256x256xf32>
    %gt3A_239 = arith.cmpf ogt, %gt3A_237, %gt3A_238 : vector<256x256xf32>
    %eq3A_240 = vector.broadcast %select_n3A_227 : vector<1x256xf32> to vector<256x256xf32>
    %eq3A_241 = vector.broadcast %broadcast_in_dim3A_236 : vector<256x1xf32> to vector<256x256xf32>
    %eq3A_242 = arith.cmpf oeq, %eq3A_240, %eq3A_241 : vector<256x256xf32>
    %lt3A_243 = arith.cmpi slt, %iota3A_4, %iota3A : vector<256x256xi32>
    %and3A_244 = arith.andi %eq3A_242, %lt3A_243 : vector<256x256xi1>
    %or3A = arith.ori %gt3A_239, %and3A_244 : vector<256x256xi1>
    %convert_element_type3A_245 = arith.extui %or3A : vector<256x256xi1> to vector<256x256xi32>
    %reduce_sum3A_246 = arith.constant dense<0> : vector<256xi32>
    %reduce_sum3A_247 = vector.multi_reduction <add>, %convert_element_type3A_245, %reduce_sum3A_246 [1] : vector<256x256xi32> to vector<256xi32>
    %broadcast_in_dim3A_248 = vector.shape_cast %reduce_sum3A_247 : vector<256xi32> to vector<256x1xi32>
    %iota3A_249 = tpu.iota {dimensions = array<i32: 1>} : vector<256x128xi32>
    %iota3A_250 = tpu.iota {dimensions = array<i32: 0>} : vector<256x128xi32>
    %eq3A_251 = vector.broadcast %broadcast_in_dim3A_248 : vector<256x1xi32> to vector<256x128xi32>
    %eq3A_252 = arith.cmpi eq, %eq3A_251, %iota3A_249 : vector<256x128xi32>
    %jit3A_253 = arith.constant 0 : i32
    %broadcast_in_dim3A_254 = vector.broadcast %jit3A_253 : i32 to vector<256x128xi32>
    %select_n3A_255 = arith.select %eq3A_252, %iota3A_250, %broadcast_in_dim3A_254 : vector<256x128xi1>, vector<256x128xi32>
    %reduce_sum3A_256 = arith.constant dense<0> : vector<128xi32>
    %reduce_sum3A_257 = vector.multi_reduction <add>, %select_n3A_255, %reduce_sum3A_256 [0] : vector<256x128xi32> to vector<128xi32>
    %broadcast_in_dim3A_258 = vector.shape_cast %reduce_sum3A_257 : vector<128xi32> to vector<1x128xi32>
    %swap3A = arith.constant 0 : index
    %swap3A_259 = arith.constant 0 : index
    %swap3A_260 = arith.constant 0 : index
    %swap3A_261 = vector.load %arg2[%swap3A, %swap3A_259, %swap3A_260] : memref<4x1x128xi32, #tpu.memory_space<vmem>>, vector<1x1x128xi32>
    %swap3A_262 = vector.shape_cast %swap3A_261 : vector<1x1x128xi32> to vector<1x128xi32>
    %swap3A_263 = vector.shape_cast %broadcast_in_dim3A_258 : vector<1x128xi32> to vector<1x1x128xi32>
    tpu.vector_store %arg2[%swap3A, %swap3A_259, %swap3A_260], %swap3A_263 {strides = array<i32>} : memref<4x1x128xi32, #tpu.memory_space<vmem>>, vector<1x1x128xi32>,
    %get3A_264 = arith.constant 1 : index
    %get3A_265 = arith.constant 0 : index
    %get3A_266 = arith.constant 0 : index
    %get3A_267 = vector.load %arg1[%get3A_264, %get3A_265, %get3A_266] : memref<4x256x512xf32, #tpu.memory_space<vmem>>, vector<1x256x512xf32>
    %get3A_268 = vector.shape_cast %get3A_267 : vector<1x256x512xf32> to vector<256x512xf32>
    %iota3A_269 = tpu.iota {dimensions = array<i32: 0>} : vector<256x256xi32>
    %iota3A_270 = tpu.iota {dimensions = array<i32: 1>} : vector<256x256xi32>
    %lt3A_271 = arith.constant 243 : i32
    %lt3A_272 = vector.broadcast %lt3A_271 : i32 to vector<256x256xi32>
    %lt3A_273 = arith.cmpi slt, %iota3A_269, %lt3A_272 : vector<256x256xi32>
    %mul3A_274 = arith.mulf %get3A_268, %get3A_268 : vector<256x512xf32>
    %reduce_sum3A_275 = arith.constant dense<0.000000e+00> : vector<256xf32>
    %reduce_sum3A_276 = vector.multi_reduction <add>, %mul3A_274, %reduce_sum3A_275 [1] : vector<256x512xf32> to vector<256xf32>
    %broadcast_in_dim3A_277 = vector.shape_cast %reduce_sum3A_276 : vector<256xf32> to vector<256x1xf32>
    %eq3A_278 = arith.cmpi eq, %iota3A_269, %iota3A_270 : vector<256x256xi32>
    %broadcast_in_dim3A_279 = vector.shape_cast %broadcast_in_dim3A_277 : vector<256x1xf32> to vector<256x1xf32>
    %broadcast_in_dim3A_280 = vector.broadcast %broadcast_in_dim3A_279 : vector<256x1xf32> to vector<256x256xf32>
    %jit3A_281 = arith.constant 0.000000e+00 : f32
    %broadcast_in_dim3A_282 = vector.broadcast %jit3A_281 : f32 to vector<256x256xf32>
    %select_n3A_283 = arith.select %eq3A_278, %broadcast_in_dim3A_280, %broadcast_in_dim3A_282 : vector<256x256xi1>, vector<256x256xf32>
    %reduce_sum3A_284 = arith.constant dense<0.000000e+00> : vector<256xf32>
    %reduce_sum3A_285 = vector.multi_reduction <add>, %select_n3A_283, %reduce_sum3A_284 [0] : vector<256x256xf32> to vector<256xf32>
    %broadcast_in_dim3A_286 = vector.shape_cast %reduce_sum3A_285 : vector<256xf32> to vector<1x256xf32>
    %dot_general3A_287 = arith.constant dense<0.000000e+00> : vector<256x256xf32>
    %dot_general3A_288 = tpu.matmul %get3A_268, %get3A_268, %dot_general3A_287 {dimension_numbers = #tpu.dot_dimension_numbers<[1], [1], [0], [0], [0, 0, 1, 0], [], []>, transpose_lhs_hint = false} : vector<256x512xf32>, vector<256x512xf32>, vector<256x256xf32> -> vector<256x256xf32>
    %add3A_289 = vector.broadcast %broadcast_in_dim3A_277 : vector<256x1xf32> to vector<256x256xf32>
    %add3A_290 = vector.broadcast %broadcast_in_dim3A_286 : vector<1x256xf32> to vector<256x256xf32>
    %add3A_291 = arith.addf %add3A_289, %add3A_290 : vector<256x256xf32>
    %mul3A_292 = arith.constant 2.000000e+00 : f32
    %mul3A_293 = vector.broadcast %mul3A_292 : f32 to vector<256x256xf32>
    %mul3A_294 = arith.mulf %mul3A_293, %dot_general3A_288 : vector<256x256xf32>
    %sub3A_295 = arith.subf %add3A_291, %mul3A_294 : vector<256x256xf32>
    %max3A_296 = arith.constant 0.000000e+00 : f32
    %max3A_297 = vector.broadcast %max3A_296 : f32 to vector<256x256xf32>
    %max3A_298 = arith.maximumf %sub3A_295, %max3A_297 : vector<256x256xf32>
    %jit3A_299 = arith.constant 0x7F800000 : f32
    %broadcast_in_dim3A_300 = vector.broadcast %jit3A_299 : f32 to vector<256x256xf32>
    %select_n3A_301 = arith.select %lt3A_273, %max3A_298, %broadcast_in_dim3A_300 : vector<256x256xi1>, vector<256x256xf32>
    %broadcast_in_dim3A_302 = arith.constant 0.000000e+00 : f32
    %broadcast_in_dim3A_303 = vector.broadcast %broadcast_in_dim3A_302 : f32 to vector<1x256xf32>
    %broadcast_in_dim3A_304 = arith.constant 7 : i32
    %broadcast_in_dim3A_305 = vector.broadcast %broadcast_in_dim3A_304 : i32 to vector<1x256xi32>
    %reduce_min3A_306 = arith.constant dense<0x7F800000> : vector<256xf32>
    %reduce_min3A_307 = vector.multi_reduction <minimumf>, %select_n3A_301, %reduce_min3A_306 [0] : vector<256x256xf32> to vector<256xf32>
    %broadcast_in_dim3A_308 = vector.shape_cast %reduce_min3A_307 : vector<256xf32> to vector<1x256xf32>
    %eq3A_309 = vector.broadcast %broadcast_in_dim3A_308 : vector<1x256xf32> to vector<256x256xf32>
    %eq3A_310 = arith.cmpf oeq, %select_n3A_301, %eq3A_309 : vector<256x256xf32>
    %convert_element_type3A_311 = arith.extui %eq3A_310 : vector<256x256xi1> to vector<256x256xi32>
    %reduce_sum3A_312 = arith.constant dense<0> : vector<256xi32>
    %reduce_sum3A_313 = vector.multi_reduction <add>, %convert_element_type3A_311, %reduce_sum3A_312 [0] : vector<256x256xi32> to vector<256xi32>
    %broadcast_in_dim3A_314 = vector.shape_cast %reduce_sum3A_313 : vector<256xi32> to vector<1x256xi32>
    %min3A_315 = arith.minsi %broadcast_in_dim3A_314, %broadcast_in_dim3A_305 : vector<1x256xi32>
    %sub3A_316 = arith.subi %broadcast_in_dim3A_305, %min3A_315 : vector<1x256xi32>
    %sqrt3A_317 = math.sqrt %broadcast_in_dim3A_308 : vector<1x256xf32>
    %div3A_318 = arith.constant 22.6274166 : f32
    %div3A_319 = vector.broadcast %div3A_318 : f32 to vector<1x256xf32>
    %div3A_320 = arith.divf %sqrt3A_317, %div3A_319 : vector<1x256xf32>
    %convert_element_type3A_321 = arith.sitofp %min3A_315 : vector<1x256xi32> to vector<1x256xf32>
    %mul3A_322 = arith.mulf %div3A_320, %div3A_320 : vector<1x256xf32>
    %mul3A_323 = arith.mulf %convert_element_type3A_321, %mul3A_322 : vector<1x256xf32>
    %add3A_324 = arith.addf %broadcast_in_dim3A_303, %mul3A_323 : vector<1x256xf32>
    %jit3A_325 = arith.constant 0x7F800000 : f32
    %broadcast_in_dim3A_326 = vector.broadcast %jit3A_325 : f32 to vector<256x256xf32>
    %select_n3A_327 = arith.select %eq3A_310, %broadcast_in_dim3A_326, %select_n3A_301 : vector<256x256xi1>, vector<256x256xf32>
    %reduce_min3A_328 = arith.constant dense<0x7F800000> : vector<256xf32>
    %reduce_min3A_329 = vector.multi_reduction <minimumf>, %select_n3A_327, %reduce_min3A_328 [0] : vector<256x256xf32> to vector<256xf32>
    %broadcast_in_dim3A_330 = vector.shape_cast %reduce_min3A_329 : vector<256xf32> to vector<1x256xf32>
    %eq3A_331 = vector.broadcast %broadcast_in_dim3A_330 : vector<1x256xf32> to vector<256x256xf32>
    %eq3A_332 = arith.cmpf oeq, %select_n3A_327, %eq3A_331 : vector<256x256xf32>
    %convert_element_type3A_333 = arith.extui %eq3A_332 : vector<256x256xi1> to vector<256x256xi32>
    %reduce_sum3A_334 = arith.constant dense<0> : vector<256xi32>
    %reduce_sum3A_335 = vector.multi_reduction <add>, %convert_element_type3A_333, %reduce_sum3A_334 [0] : vector<256x256xi32> to vector<256xi32>
    %broadcast_in_dim3A_336 = vector.shape_cast %reduce_sum3A_335 : vector<256xi32> to vector<1x256xi32>
    %min3A_337 = arith.minsi %broadcast_in_dim3A_336, %sub3A_316 : vector<1x256xi32>
    %sub3A_338 = arith.subi %sub3A_316, %min3A_337 : vector<1x256xi32>
    %sqrt3A_339 = math.sqrt %broadcast_in_dim3A_330 : vector<1x256xf32>
    %div3A_340 = arith.constant 22.6274166 : f32
    %div3A_341 = vector.broadcast %div3A_340 : f32 to vector<1x256xf32>
    %div3A_342 = arith.divf %sqrt3A_339, %div3A_341 : vector<1x256xf32>
    %convert_element_type3A_343 = arith.sitofp %min3A_337 : vector<1x256xi32> to vector<1x256xf32>
    %mul3A_344 = arith.mulf %div3A_342, %div3A_342 : vector<1x256xf32>
    %mul3A_345 = arith.mulf %convert_element_type3A_343, %mul3A_344 : vector<1x256xf32>
    %add3A_346 = arith.addf %add3A_324, %mul3A_345 : vector<1x256xf32>
    %jit3A_347 = arith.constant 0x7F800000 : f32
    %broadcast_in_dim3A_348 = vector.broadcast %jit3A_347 : f32 to vector<256x256xf32>
    %select_n3A_349 = arith.select %eq3A_332, %broadcast_in_dim3A_348, %select_n3A_327 : vector<256x256xi1>, vector<256x256xf32>
    %reduce_min3A_350 = arith.constant dense<0x7F800000> : vector<256xf32>
    %reduce_min3A_351 = vector.multi_reduction <minimumf>, %select_n3A_349, %reduce_min3A_350 [0] : vector<256x256xf32> to vector<256xf32>
    %broadcast_in_dim3A_352 = vector.shape_cast %reduce_min3A_351 : vector<256xf32> to vector<1x256xf32>
    %eq3A_353 = vector.broadcast %broadcast_in_dim3A_352 : vector<1x256xf32> to vector<256x256xf32>
    %eq3A_354 = arith.cmpf oeq, %select_n3A_349, %eq3A_353 : vector<256x256xf32>
    %convert_element_type3A_355 = arith.extui %eq3A_354 : vector<256x256xi1> to vector<256x256xi32>
    %reduce_sum3A_356 = arith.constant dense<0> : vector<256xi32>
    %reduce_sum3A_357 = vector.multi_reduction <add>, %convert_element_type3A_355, %reduce_sum3A_356 [0] : vector<256x256xi32> to vector<256xi32>
    %broadcast_in_dim3A_358 = vector.shape_cast %reduce_sum3A_357 : vector<256xi32> to vector<1x256xi32>
    %min3A_359 = arith.minsi %broadcast_in_dim3A_358, %sub3A_338 : vector<1x256xi32>
    %sub3A_360 = arith.subi %sub3A_338, %min3A_359 : vector<1x256xi32>
    %sqrt3A_361 = math.sqrt %broadcast_in_dim3A_352 : vector<1x256xf32>
    %div3A_362 = arith.constant 22.6274166 : f32
    %div3A_363 = vector.broadcast %div3A_362 : f32 to vector<1x256xf32>
    %div3A_364 = arith.divf %sqrt3A_361, %div3A_363 : vector<1x256xf32>
    %convert_element_type3A_365 = arith.sitofp %min3A_359 : vector<1x256xi32> to vector<1x256xf32>
    %mul3A_366 = arith.mulf %div3A_364, %div3A_364 : vector<1x256xf32>
    %mul3A_367 = arith.mulf %convert_element_type3A_365, %mul3A_366 : vector<1x256xf32>
    %add3A_368 = arith.addf %add3A_346, %mul3A_367 : vector<1x256xf32>
    %jit3A_369 = arith.constant 0x7F800000 : f32
    %broadcast_in_dim3A_370 = vector.broadcast %jit3A_369 : f32 to vector<256x256xf32>
    %select_n3A_371 = arith.select %eq3A_354, %broadcast_in_dim3A_370, %select_n3A_349 : vector<256x256xi1>, vector<256x256xf32>
    %reduce_min3A_372 = arith.constant dense<0x7F800000> : vector<256xf32>
    %reduce_min3A_373 = vector.multi_reduction <minimumf>, %select_n3A_371, %reduce_min3A_372 [0] : vector<256x256xf32> to vector<256xf32>
    %broadcast_in_dim3A_374 = vector.shape_cast %reduce_min3A_373 : vector<256xf32> to vector<1x256xf32>
    %eq3A_375 = vector.broadcast %broadcast_in_dim3A_374 : vector<1x256xf32> to vector<256x256xf32>
    %eq3A_376 = arith.cmpf oeq, %select_n3A_371, %eq3A_375 : vector<256x256xf32>
    %convert_element_type3A_377 = arith.extui %eq3A_376 : vector<256x256xi1> to vector<256x256xi32>
    %reduce_sum3A_378 = arith.constant dense<0> : vector<256xi32>
    %reduce_sum3A_379 = vector.multi_reduction <add>, %convert_element_type3A_377, %reduce_sum3A_378 [0] : vector<256x256xi32> to vector<256xi32>
    %broadcast_in_dim3A_380 = vector.shape_cast %reduce_sum3A_379 : vector<256xi32> to vector<1x256xi32>
    %min3A_381 = arith.minsi %broadcast_in_dim3A_380, %sub3A_360 : vector<1x256xi32>
    %sub3A_382 = arith.subi %sub3A_360, %min3A_381 : vector<1x256xi32>
    %sqrt3A_383 = math.sqrt %broadcast_in_dim3A_374 : vector<1x256xf32>
    %div3A_384 = arith.constant 22.6274166 : f32
    %div3A_385 = vector.broadcast %div3A_384 : f32 to vector<1x256xf32>
    %div3A_386 = arith.divf %sqrt3A_383, %div3A_385 : vector<1x256xf32>
    %convert_element_type3A_387 = arith.sitofp %min3A_381 : vector<1x256xi32> to vector<1x256xf32>
    %mul3A_388 = arith.mulf %div3A_386, %div3A_386 : vector<1x256xf32>
    %mul3A_389 = arith.mulf %convert_element_type3A_387, %mul3A_388 : vector<1x256xf32>
    %add3A_390 = arith.addf %add3A_368, %mul3A_389 : vector<1x256xf32>
    %jit3A_391 = arith.constant 0x7F800000 : f32
    %broadcast_in_dim3A_392 = vector.broadcast %jit3A_391 : f32 to vector<256x256xf32>
    %select_n3A_393 = arith.select %eq3A_376, %broadcast_in_dim3A_392, %select_n3A_371 : vector<256x256xi1>, vector<256x256xf32>
    %reduce_min3A_394 = arith.constant dense<0x7F800000> : vector<256xf32>
    %reduce_min3A_395 = vector.multi_reduction <minimumf>, %select_n3A_393, %reduce_min3A_394 [0] : vector<256x256xf32> to vector<256xf32>
    %broadcast_in_dim3A_396 = vector.shape_cast %reduce_min3A_395 : vector<256xf32> to vector<1x256xf32>
    %eq3A_397 = vector.broadcast %broadcast_in_dim3A_396 : vector<1x256xf32> to vector<256x256xf32>
    %eq3A_398 = arith.cmpf oeq, %select_n3A_393, %eq3A_397 : vector<256x256xf32>
    %convert_element_type3A_399 = arith.extui %eq3A_398 : vector<256x256xi1> to vector<256x256xi32>
    %reduce_sum3A_400 = arith.constant dense<0> : vector<256xi32>
    %reduce_sum3A_401 = vector.multi_reduction <add>, %convert_element_type3A_399, %reduce_sum3A_400 [0] : vector<256x256xi32> to vector<256xi32>
    %broadcast_in_dim3A_402 = vector.shape_cast %reduce_sum3A_401 : vector<256xi32> to vector<1x256xi32>
    %min3A_403 = arith.minsi %broadcast_in_dim3A_402, %sub3A_382 : vector<1x256xi32>
    %sub3A_404 = arith.subi %sub3A_382, %min3A_403 : vector<1x256xi32>
    %sqrt3A_405 = math.sqrt %broadcast_in_dim3A_396 : vector<1x256xf32>
    %div3A_406 = arith.constant 22.6274166 : f32
    %div3A_407 = vector.broadcast %div3A_406 : f32 to vector<1x256xf32>
    %div3A_408 = arith.divf %sqrt3A_405, %div3A_407 : vector<1x256xf32>
    %convert_element_type3A_409 = arith.sitofp %min3A_403 : vector<1x256xi32> to vector<1x256xf32>
    %mul3A_410 = arith.mulf %div3A_408, %div3A_408 : vector<1x256xf32>
    %mul3A_411 = arith.mulf %convert_element_type3A_409, %mul3A_410 : vector<1x256xf32>
    %add3A_412 = arith.addf %add3A_390, %mul3A_411 : vector<1x256xf32>
    %jit3A_413 = arith.constant 0x7F800000 : f32
    %broadcast_in_dim3A_414 = vector.broadcast %jit3A_413 : f32 to vector<256x256xf32>
    %select_n3A_415 = arith.select %eq3A_398, %broadcast_in_dim3A_414, %select_n3A_393 : vector<256x256xi1>, vector<256x256xf32>
    %reduce_min3A_416 = arith.constant dense<0x7F800000> : vector<256xf32>
    %reduce_min3A_417 = vector.multi_reduction <minimumf>, %select_n3A_415, %reduce_min3A_416 [0] : vector<256x256xf32> to vector<256xf32>
    %broadcast_in_dim3A_418 = vector.shape_cast %reduce_min3A_417 : vector<256xf32> to vector<1x256xf32>
    %eq3A_419 = vector.broadcast %broadcast_in_dim3A_418 : vector<1x256xf32> to vector<256x256xf32>
    %eq3A_420 = arith.cmpf oeq, %select_n3A_415, %eq3A_419 : vector<256x256xf32>
    %convert_element_type3A_421 = arith.extui %eq3A_420 : vector<256x256xi1> to vector<256x256xi32>
    %reduce_sum3A_422 = arith.constant dense<0> : vector<256xi32>
    %reduce_sum3A_423 = vector.multi_reduction <add>, %convert_element_type3A_421, %reduce_sum3A_422 [0] : vector<256x256xi32> to vector<256xi32>
    %broadcast_in_dim3A_424 = vector.shape_cast %reduce_sum3A_423 : vector<256xi32> to vector<1x256xi32>
    %min3A_425 = arith.minsi %broadcast_in_dim3A_424, %sub3A_404 : vector<1x256xi32>
    %sub3A_426 = arith.subi %sub3A_404, %min3A_425 : vector<1x256xi32>
    %sqrt3A_427 = math.sqrt %broadcast_in_dim3A_418 : vector<1x256xf32>
    %div3A_428 = arith.constant 22.6274166 : f32
    %div3A_429 = vector.broadcast %div3A_428 : f32 to vector<1x256xf32>
    %div3A_430 = arith.divf %sqrt3A_427, %div3A_429 : vector<1x256xf32>
    %convert_element_type3A_431 = arith.sitofp %min3A_425 : vector<1x256xi32> to vector<1x256xf32>
    %mul3A_432 = arith.mulf %div3A_430, %div3A_430 : vector<1x256xf32>
    %mul3A_433 = arith.mulf %convert_element_type3A_431, %mul3A_432 : vector<1x256xf32>
    %add3A_434 = arith.addf %add3A_412, %mul3A_433 : vector<1x256xf32>
    %jit3A_435 = arith.constant 0x7F800000 : f32
    %broadcast_in_dim3A_436 = vector.broadcast %jit3A_435 : f32 to vector<256x256xf32>
    %select_n3A_437 = arith.select %eq3A_420, %broadcast_in_dim3A_436, %select_n3A_415 : vector<256x256xi1>, vector<256x256xf32>
    %reduce_min3A_438 = arith.constant dense<0x7F800000> : vector<256xf32>
    %reduce_min3A_439 = vector.multi_reduction <minimumf>, %select_n3A_437, %reduce_min3A_438 [0] : vector<256x256xf32> to vector<256xf32>
    %broadcast_in_dim3A_440 = vector.shape_cast %reduce_min3A_439 : vector<256xf32> to vector<1x256xf32>
    %eq3A_441 = vector.broadcast %broadcast_in_dim3A_440 : vector<1x256xf32> to vector<256x256xf32>
    %eq3A_442 = arith.cmpf oeq, %select_n3A_437, %eq3A_441 : vector<256x256xf32>
    %convert_element_type3A_443 = arith.extui %eq3A_442 : vector<256x256xi1> to vector<256x256xi32>
    %reduce_sum3A_444 = arith.constant dense<0> : vector<256xi32>
    %reduce_sum3A_445 = vector.multi_reduction <add>, %convert_element_type3A_443, %reduce_sum3A_444 [0] : vector<256x256xi32> to vector<256xi32>
    %broadcast_in_dim3A_446 = vector.shape_cast %reduce_sum3A_445 : vector<256xi32> to vector<1x256xi32>
    %min3A_447 = arith.minsi %broadcast_in_dim3A_446, %sub3A_426 : vector<1x256xi32>
    %sqrt3A_448 = math.sqrt %broadcast_in_dim3A_440 : vector<1x256xf32>
    %div3A_449 = arith.constant 22.6274166 : f32
    %div3A_450 = vector.broadcast %div3A_449 : f32 to vector<1x256xf32>
    %div3A_451 = arith.divf %sqrt3A_448, %div3A_450 : vector<1x256xf32>
    %convert_element_type3A_452 = arith.sitofp %min3A_447 : vector<1x256xi32> to vector<1x256xf32>
    %mul3A_453 = arith.mulf %div3A_451, %div3A_451 : vector<1x256xf32>
    %mul3A_454 = arith.mulf %convert_element_type3A_452, %mul3A_453 : vector<1x256xf32>
    %add3A_455 = arith.addf %add3A_434, %mul3A_454 : vector<1x256xf32>
    %div3A_456 = arith.constant 7.000000e+00 : f32
    %div3A_457 = vector.broadcast %div3A_456 : f32 to vector<1x256xf32>
    %div3A_458 = arith.divf %add3A_455, %div3A_457 : vector<1x256xf32>
    %neg3A_459 = arith.constant 0.000000e+00 : f32
    %neg3A_460 = vector.broadcast %neg3A_459 : f32 to vector<1x256xf32>
    %neg3A_461 = arith.subf %neg3A_460, %div3A_458 : vector<1x256xf32>
    %exp3A_462 = math.exp %neg3A_461 : vector<1x256xf32>
    %iota3A_463 = tpu.iota {dimensions = array<i32: 1>} : vector<1x256xi32>
    %convert_element_type3A_464 = arith.sitofp %iota3A_463 : vector<1x256xi32> to vector<1x256xf32>
    %mul3A_465 = arith.constant 9.99999997E-7 : f32
    %mul3A_466 = vector.broadcast %mul3A_465 : f32 to vector<1x256xf32>
    %mul3A_467 = arith.mulf %convert_element_type3A_464, %mul3A_466 : vector<1x256xf32>
    %add3A_468 = arith.addf %exp3A_462, %mul3A_467 : vector<1x256xf32>
    %eq3A_469 = arith.cmpi eq, %iota3A_269, %iota3A_270 : vector<256x256xi32>
    %broadcast_in_dim3A_470 = vector.shape_cast %add3A_468 : vector<1x256xf32> to vector<1x256xf32>
    %broadcast_in_dim3A_471 = vector.broadcast %broadcast_in_dim3A_470 : vector<1x256xf32> to vector<256x256xf32>
    %jit3A_472 = arith.constant 0.000000e+00 : f32
    %broadcast_in_dim3A_473 = vector.broadcast %jit3A_472 : f32 to vector<256x256xf32>
    %select_n3A_474 = arith.select %eq3A_469, %broadcast_in_dim3A_471, %broadcast_in_dim3A_473 : vector<256x256xi1>, vector<256x256xf32>
    %reduce_sum3A_475 = arith.constant dense<0.000000e+00> : vector<256xf32>
    %reduce_sum3A_476 = vector.multi_reduction <add>, %select_n3A_474, %reduce_sum3A_475 [1] : vector<256x256xf32> to vector<256xf32>
    %broadcast_in_dim3A_477 = vector.shape_cast %reduce_sum3A_476 : vector<256xf32> to vector<256x1xf32>
    %lt3A_478 = arith.constant 243 : i32
    %lt3A_479 = vector.broadcast %lt3A_478 : i32 to vector<256x256xi32>
    %lt3A_480 = arith.cmpi slt, %iota3A_270, %lt3A_479 : vector<256x256xi32>
    %and3A_481 = arith.andi %lt3A_273, %lt3A_480 : vector<256x256xi1>
    %neg3A_482 = arith.constant 0.000000e+00 : f32
    %neg3A_483 = arith.constant 0x7F800000 : f32
    %neg3A_484 = arith.subf %neg3A_482, %neg3A_483 : f32
    %broadcast_in_dim3A_485 = vector.broadcast %neg3A_484 : f32 to vector<256x256xf32>
    %select_n3A_486 = arith.select %and3A_481, %max3A_298, %broadcast_in_dim3A_485 : vector<256x256xi1>, vector<256x256xf32>
    %reduce_max3A_487 = vector.shape_cast %select_n3A_486 : vector<256x256xf32> to vector<1x256x256xf32>
    %reduce_max3A_488 = arith.constant dense<0xFF800000> : vector<1xf32>
    %reduce_max3A_489 = vector.multi_reduction <maximumf>, %reduce_max3A_487, %reduce_max3A_488 [1, 2] : vector<1x256x256xf32> to vector<1xf32>
    %reduce_max3A_490 = vector.shape_cast %reduce_max3A_489 : vector<1xf32> to vector<1x1x1xf32>
    %reduce_max3A_491 = vector.extract %reduce_max3A_490[0, 0, 0] : f32 from vector<1x1x1xf32>
    %gt3A_492 = vector.broadcast %broadcast_in_dim3A_477 : vector<256x1xf32> to vector<256x256xf32>
    %gt3A_493 = vector.broadcast %add3A_468 : vector<1x256xf32> to vector<256x256xf32>
    %gt3A_494 = arith.cmpf ogt, %gt3A_492, %gt3A_493 : vector<256x256xf32>
    %and3A_495 = arith.andi %gt3A_494, %lt3A_273 : vector<256x256xi1>
    %broadcast_in_dim3A_496 = vector.broadcast %reduce_max3A_491 : f32 to vector<256x256xf32>
    %select_n3A_497 = arith.select %and3A_495, %max3A_298, %broadcast_in_dim3A_496 : vector<256x256xi1>, vector<256x256xf32>
    %reduce_min3A_498 = arith.constant dense<0x7F800000> : vector<256xf32>
    %reduce_min3A_499 = vector.multi_reduction <minimumf>, %select_n3A_497, %reduce_min3A_498 [0] : vector<256x256xf32> to vector<256xf32>
    %broadcast_in_dim3A_500 = vector.shape_cast %reduce_min3A_499 : vector<256xf32> to vector<1x256xf32>
    %sqrt3A_501 = math.sqrt %broadcast_in_dim3A_500 : vector<1x256xf32>
    %div3A_502 = arith.constant 22.6274166 : f32
    %div3A_503 = vector.broadcast %div3A_502 : f32 to vector<1x256xf32>
    %div3A_504 = arith.divf %sqrt3A_501, %div3A_503 : vector<1x256xf32>
    %mul3A_505 = arith.mulf %div3A_504, %add3A_468 : vector<1x256xf32>
    %iota3A_506 = tpu.iota {dimensions = array<i32: 1>} : vector<1x256xi32>
    %lt3A_507 = arith.constant 243 : i32
    %lt3A_508 = vector.broadcast %lt3A_507 : i32 to vector<1x256xi32>
    %lt3A_509 = arith.cmpi slt, %iota3A_506, %lt3A_508 : vector<1x256xi32>
    %neg3A_510 = arith.constant 0.000000e+00 : f32
    %neg3A_511 = arith.constant 0x7F800000 : f32
    %neg3A_512 = arith.subf %neg3A_510, %neg3A_511 : f32
    %broadcast_in_dim3A_513 = vector.broadcast %neg3A_512 : f32 to vector<1x256xf32>
    %select_n3A_514 = arith.select %lt3A_509, %mul3A_505, %broadcast_in_dim3A_513 : vector<1x256xi1>, vector<1x256xf32>
    %eq3A_515 = arith.cmpi eq, %iota3A_269, %iota3A_270 : vector<256x256xi32>
    %broadcast_in_dim3A_516 = vector.shape_cast %select_n3A_514 : vector<1x256xf32> to vector<1x256xf32>
    %broadcast_in_dim3A_517 = vector.broadcast %broadcast_in_dim3A_516 : vector<1x256xf32> to vector<256x256xf32>
    %jit3A_518 = arith.constant 0.000000e+00 : f32
    %broadcast_in_dim3A_519 = vector.broadcast %jit3A_518 : f32 to vector<256x256xf32>
    %select_n3A_520 = arith.select %eq3A_515, %broadcast_in_dim3A_517, %broadcast_in_dim3A_519 : vector<256x256xi1>, vector<256x256xf32>
    %reduce_sum3A_521 = arith.constant dense<0.000000e+00> : vector<256xf32>
    %reduce_sum3A_522 = vector.multi_reduction <add>, %select_n3A_520, %reduce_sum3A_521 [1] : vector<256x256xf32> to vector<256xf32>
    %broadcast_in_dim3A_523 = vector.shape_cast %reduce_sum3A_522 : vector<256xf32> to vector<256x1xf32>
    %gt3A_524 = vector.broadcast %select_n3A_514 : vector<1x256xf32> to vector<256x256xf32>
    %gt3A_525 = vector.broadcast %broadcast_in_dim3A_523 : vector<256x1xf32> to vector<256x256xf32>
    %gt3A_526 = arith.cmpf ogt, %gt3A_524, %gt3A_525 : vector<256x256xf32>
    %eq3A_527 = vector.broadcast %select_n3A_514 : vector<1x256xf32> to vector<256x256xf32>
    %eq3A_528 = vector.broadcast %broadcast_in_dim3A_523 : vector<256x1xf32> to vector<256x256xf32>
    %eq3A_529 = arith.cmpf oeq, %eq3A_527, %eq3A_528 : vector<256x256xf32>
    %lt3A_530 = arith.cmpi slt, %iota3A_270, %iota3A_269 : vector<256x256xi32>
    %and3A_531 = arith.andi %eq3A_529, %lt3A_530 : vector<256x256xi1>
    %or3A_532 = arith.ori %gt3A_526, %and3A_531 : vector<256x256xi1>
    %convert_element_type3A_533 = arith.extui %or3A_532 : vector<256x256xi1> to vector<256x256xi32>
    %reduce_sum3A_534 = arith.constant dense<0> : vector<256xi32>
    %reduce_sum3A_535 = vector.multi_reduction <add>, %convert_element_type3A_533, %reduce_sum3A_534 [1] : vector<256x256xi32> to vector<256xi32>
    %broadcast_in_dim3A_536 = vector.shape_cast %reduce_sum3A_535 : vector<256xi32> to vector<256x1xi32>
    %iota3A_537 = tpu.iota {dimensions = array<i32: 1>} : vector<256x128xi32>
    %iota3A_538 = tpu.iota {dimensions = array<i32: 0>} : vector<256x128xi32>
    %eq3A_539 = vector.broadcast %broadcast_in_dim3A_536 : vector<256x1xi32> to vector<256x128xi32>
    %eq3A_540 = arith.cmpi eq, %eq3A_539, %iota3A_537 : vector<256x128xi32>
    %jit3A_541 = arith.constant 0 : i32
    %broadcast_in_dim3A_542 = vector.broadcast %jit3A_541 : i32 to vector<256x128xi32>
    %select_n3A_543 = arith.select %eq3A_540, %iota3A_538, %broadcast_in_dim3A_542 : vector<256x128xi1>, vector<256x128xi32>
    %reduce_sum3A_544 = arith.constant dense<0> : vector<128xi32>
    %reduce_sum3A_545 = vector.multi_reduction <add>, %select_n3A_543, %reduce_sum3A_544 [0] : vector<256x128xi32> to vector<128xi32>
    %broadcast_in_dim3A_546 = vector.shape_cast %reduce_sum3A_545 : vector<128xi32> to vector<1x128xi32>
    %swap3A_547 = arith.constant 1 : index
    %swap3A_548 = arith.constant 0 : index
    %swap3A_549 = arith.constant 0 : index
    %swap3A_550 = vector.load %arg2[%swap3A_547, %swap3A_548, %swap3A_549] : memref<4x1x128xi32, #tpu.memory_space<vmem>>, vector<1x1x128xi32>
    %swap3A_551 = vector.shape_cast %swap3A_550 : vector<1x1x128xi32> to vector<1x128xi32>
    %swap3A_552 = vector.shape_cast %broadcast_in_dim3A_546 : vector<1x128xi32> to vector<1x1x128xi32>
    tpu.vector_store %arg2[%swap3A_547, %swap3A_548, %swap3A_549], %swap3A_552 {strides = array<i32>} : memref<4x1x128xi32, #tpu.memory_space<vmem>>, vector<1x1x128xi32>,
    %get3A_553 = arith.constant 2 : index
    %get3A_554 = arith.constant 0 : index
    %get3A_555 = arith.constant 0 : index
    %get3A_556 = vector.load %arg1[%get3A_553, %get3A_554, %get3A_555] : memref<4x256x512xf32, #tpu.memory_space<vmem>>, vector<1x256x512xf32>
    %get3A_557 = vector.shape_cast %get3A_556 : vector<1x256x512xf32> to vector<256x512xf32>
    %iota3A_558 = tpu.iota {dimensions = array<i32: 0>} : vector<256x256xi32>
    %iota3A_559 = tpu.iota {dimensions = array<i32: 1>} : vector<256x256xi32>
    %lt3A_560 = arith.constant 243 : i32
    %lt3A_561 = vector.broadcast %lt3A_560 : i32 to vector<256x256xi32>
    %lt3A_562 = arith.cmpi slt, %iota3A_558, %lt3A_561 : vector<256x256xi32>
    %mul3A_563 = arith.mulf %get3A_557, %get3A_557 : vector<256x512xf32>
    %reduce_sum3A_564 = arith.constant dense<0.000000e+00> : vector<256xf32>
    %reduce_sum3A_565 = vector.multi_reduction <add>, %mul3A_563, %reduce_sum3A_564 [1] : vector<256x512xf32> to vector<256xf32>
    %broadcast_in_dim3A_566 = vector.shape_cast %reduce_sum3A_565 : vector<256xf32> to vector<256x1xf32>
    %eq3A_567 = arith.cmpi eq, %iota3A_558, %iota3A_559 : vector<256x256xi32>
    %broadcast_in_dim3A_568 = vector.shape_cast %broadcast_in_dim3A_566 : vector<256x1xf32> to vector<256x1xf32>
    %broadcast_in_dim3A_569 = vector.broadcast %broadcast_in_dim3A_568 : vector<256x1xf32> to vector<256x256xf32>
    %jit3A_570 = arith.constant 0.000000e+00 : f32
    %broadcast_in_dim3A_571 = vector.broadcast %jit3A_570 : f32 to vector<256x256xf32>
    %select_n3A_572 = arith.select %eq3A_567, %broadcast_in_dim3A_569, %broadcast_in_dim3A_571 : vector<256x256xi1>, vector<256x256xf32>
    %reduce_sum3A_573 = arith.constant dense<0.000000e+00> : vector<256xf32>
    %reduce_sum3A_574 = vector.multi_reduction <add>, %select_n3A_572, %reduce_sum3A_573 [0] : vector<256x256xf32> to vector<256xf32>
    %broadcast_in_dim3A_575 = vector.shape_cast %reduce_sum3A_574 : vector<256xf32> to vector<1x256xf32>
    %dot_general3A_576 = arith.constant dense<0.000000e+00> : vector<256x256xf32>
    %dot_general3A_577 = tpu.matmul %get3A_557, %get3A_557, %dot_general3A_576 {dimension_numbers = #tpu.dot_dimension_numbers<[1], [1], [0], [0], [0, 0, 1, 0], [], []>, transpose_lhs_hint = false} : vector<256x512xf32>, vector<256x512xf32>, vector<256x256xf32> -> vector<256x256xf32>
    %add3A_578 = vector.broadcast %broadcast_in_dim3A_566 : vector<256x1xf32> to vector<256x256xf32>
    %add3A_579 = vector.broadcast %broadcast_in_dim3A_575 : vector<1x256xf32> to vector<256x256xf32>
    %add3A_580 = arith.addf %add3A_578, %add3A_579 : vector<256x256xf32>
    %mul3A_581 = arith.constant 2.000000e+00 : f32
    %mul3A_582 = vector.broadcast %mul3A_581 : f32 to vector<256x256xf32>
    %mul3A_583 = arith.mulf %mul3A_582, %dot_general3A_577 : vector<256x256xf32>
    %sub3A_584 = arith.subf %add3A_580, %mul3A_583 : vector<256x256xf32>
    %max3A_585 = arith.constant 0.000000e+00 : f32
    %max3A_586 = vector.broadcast %max3A_585 : f32 to vector<256x256xf32>
    %max3A_587 = arith.maximumf %sub3A_584, %max3A_586 : vector<256x256xf32>
    %jit3A_588 = arith.constant 0x7F800000 : f32
    %broadcast_in_dim3A_589 = vector.broadcast %jit3A_588 : f32 to vector<256x256xf32>
    %select_n3A_590 = arith.select %lt3A_562, %max3A_587, %broadcast_in_dim3A_589 : vector<256x256xi1>, vector<256x256xf32>
    %broadcast_in_dim3A_591 = arith.constant 0.000000e+00 : f32
    %broadcast_in_dim3A_592 = vector.broadcast %broadcast_in_dim3A_591 : f32 to vector<1x256xf32>
    %broadcast_in_dim3A_593 = arith.constant 7 : i32
    %broadcast_in_dim3A_594 = vector.broadcast %broadcast_in_dim3A_593 : i32 to vector<1x256xi32>
    %reduce_min3A_595 = arith.constant dense<0x7F800000> : vector<256xf32>
    %reduce_min3A_596 = vector.multi_reduction <minimumf>, %select_n3A_590, %reduce_min3A_595 [0] : vector<256x256xf32> to vector<256xf32>
    %broadcast_in_dim3A_597 = vector.shape_cast %reduce_min3A_596 : vector<256xf32> to vector<1x256xf32>
    %eq3A_598 = vector.broadcast %broadcast_in_dim3A_597 : vector<1x256xf32> to vector<256x256xf32>
    %eq3A_599 = arith.cmpf oeq, %select_n3A_590, %eq3A_598 : vector<256x256xf32>
    %convert_element_type3A_600 = arith.extui %eq3A_599 : vector<256x256xi1> to vector<256x256xi32>
    %reduce_sum3A_601 = arith.constant dense<0> : vector<256xi32>
    %reduce_sum3A_602 = vector.multi_reduction <add>, %convert_element_type3A_600, %reduce_sum3A_601 [0] : vector<256x256xi32> to vector<256xi32>
    %broadcast_in_dim3A_603 = vector.shape_cast %reduce_sum3A_602 : vector<256xi32> to vector<1x256xi32>
    %min3A_604 = arith.minsi %broadcast_in_dim3A_603, %broadcast_in_dim3A_594 : vector<1x256xi32>
    %sub3A_605 = arith.subi %broadcast_in_dim3A_594, %min3A_604 : vector<1x256xi32>
    %sqrt3A_606 = math.sqrt %broadcast_in_dim3A_597 : vector<1x256xf32>
    %div3A_607 = arith.constant 22.6274166 : f32
    %div3A_608 = vector.broadcast %div3A_607 : f32 to vector<1x256xf32>
    %div3A_609 = arith.divf %sqrt3A_606, %div3A_608 : vector<1x256xf32>
    %convert_element_type3A_610 = arith.sitofp %min3A_604 : vector<1x256xi32> to vector<1x256xf32>
    %mul3A_611 = arith.mulf %div3A_609, %div3A_609 : vector<1x256xf32>
    %mul3A_612 = arith.mulf %convert_element_type3A_610, %mul3A_611 : vector<1x256xf32>
    %add3A_613 = arith.addf %broadcast_in_dim3A_592, %mul3A_612 : vector<1x256xf32>
    %jit3A_614 = arith.constant 0x7F800000 : f32
    %broadcast_in_dim3A_615 = vector.broadcast %jit3A_614 : f32 to vector<256x256xf32>
    %select_n3A_616 = arith.select %eq3A_599, %broadcast_in_dim3A_615, %select_n3A_590 : vector<256x256xi1>, vector<256x256xf32>
    %reduce_min3A_617 = arith.constant dense<0x7F800000> : vector<256xf32>
    %reduce_min3A_618 = vector.multi_reduction <minimumf>, %select_n3A_616, %reduce_min3A_617 [0] : vector<256x256xf32> to vector<256xf32>
    %broadcast_in_dim3A_619 = vector.shape_cast %reduce_min3A_618 : vector<256xf32> to vector<1x256xf32>
    %eq3A_620 = vector.broadcast %broadcast_in_dim3A_619 : vector<1x256xf32> to vector<256x256xf32>
    %eq3A_621 = arith.cmpf oeq, %select_n3A_616, %eq3A_620 : vector<256x256xf32>
    %convert_element_type3A_622 = arith.extui %eq3A_621 : vector<256x256xi1> to vector<256x256xi32>
    %reduce_sum3A_623 = arith.constant dense<0> : vector<256xi32>
    %reduce_sum3A_624 = vector.multi_reduction <add>, %convert_element_type3A_622, %reduce_sum3A_623 [0] : vector<256x256xi32> to vector<256xi32>
    %broadcast_in_dim3A_625 = vector.shape_cast %reduce_sum3A_624 : vector<256xi32> to vector<1x256xi32>
    %min3A_626 = arith.minsi %broadcast_in_dim3A_625, %sub3A_605 : vector<1x256xi32>
    %sub3A_627 = arith.subi %sub3A_605, %min3A_626 : vector<1x256xi32>
    %sqrt3A_628 = math.sqrt %broadcast_in_dim3A_619 : vector<1x256xf32>
    %div3A_629 = arith.constant 22.6274166 : f32
    %div3A_630 = vector.broadcast %div3A_629 : f32 to vector<1x256xf32>
    %div3A_631 = arith.divf %sqrt3A_628, %div3A_630 : vector<1x256xf32>
    %convert_element_type3A_632 = arith.sitofp %min3A_626 : vector<1x256xi32> to vector<1x256xf32>
    %mul3A_633 = arith.mulf %div3A_631, %div3A_631 : vector<1x256xf32>
    %mul3A_634 = arith.mulf %convert_element_type3A_632, %mul3A_633 : vector<1x256xf32>
    %add3A_635 = arith.addf %add3A_613, %mul3A_634 : vector<1x256xf32>
    %jit3A_636 = arith.constant 0x7F800000 : f32
    %broadcast_in_dim3A_637 = vector.broadcast %jit3A_636 : f32 to vector<256x256xf32>
    %select_n3A_638 = arith.select %eq3A_621, %broadcast_in_dim3A_637, %select_n3A_616 : vector<256x256xi1>, vector<256x256xf32>
    %reduce_min3A_639 = arith.constant dense<0x7F800000> : vector<256xf32>
    %reduce_min3A_640 = vector.multi_reduction <minimumf>, %select_n3A_638, %reduce_min3A_639 [0] : vector<256x256xf32> to vector<256xf32>
    %broadcast_in_dim3A_641 = vector.shape_cast %reduce_min3A_640 : vector<256xf32> to vector<1x256xf32>
    %eq3A_642 = vector.broadcast %broadcast_in_dim3A_641 : vector<1x256xf32> to vector<256x256xf32>
    %eq3A_643 = arith.cmpf oeq, %select_n3A_638, %eq3A_642 : vector<256x256xf32>
    %convert_element_type3A_644 = arith.extui %eq3A_643 : vector<256x256xi1> to vector<256x256xi32>
    %reduce_sum3A_645 = arith.constant dense<0> : vector<256xi32>
    %reduce_sum3A_646 = vector.multi_reduction <add>, %convert_element_type3A_644, %reduce_sum3A_645 [0] : vector<256x256xi32> to vector<256xi32>
    %broadcast_in_dim3A_647 = vector.shape_cast %reduce_sum3A_646 : vector<256xi32> to vector<1x256xi32>
    %min3A_648 = arith.minsi %broadcast_in_dim3A_647, %sub3A_627 : vector<1x256xi32>
    %sub3A_649 = arith.subi %sub3A_627, %min3A_648 : vector<1x256xi32>
    %sqrt3A_650 = math.sqrt %broadcast_in_dim3A_641 : vector<1x256xf32>
    %div3A_651 = arith.constant 22.6274166 : f32
    %div3A_652 = vector.broadcast %div3A_651 : f32 to vector<1x256xf32>
    %div3A_653 = arith.divf %sqrt3A_650, %div3A_652 : vector<1x256xf32>
    %convert_element_type3A_654 = arith.sitofp %min3A_648 : vector<1x256xi32> to vector<1x256xf32>
    %mul3A_655 = arith.mulf %div3A_653, %div3A_653 : vector<1x256xf32>
    %mul3A_656 = arith.mulf %convert_element_type3A_654, %mul3A_655 : vector<1x256xf32>
    %add3A_657 = arith.addf %add3A_635, %mul3A_656 : vector<1x256xf32>
    %jit3A_658 = arith.constant 0x7F800000 : f32
    %broadcast_in_dim3A_659 = vector.broadcast %jit3A_658 : f32 to vector<256x256xf32>
    %select_n3A_660 = arith.select %eq3A_643, %broadcast_in_dim3A_659, %select_n3A_638 : vector<256x256xi1>, vector<256x256xf32>
    %reduce_min3A_661 = arith.constant dense<0x7F800000> : vector<256xf32>
    %reduce_min3A_662 = vector.multi_reduction <minimumf>, %select_n3A_660, %reduce_min3A_661 [0] : vector<256x256xf32> to vector<256xf32>
    %broadcast_in_dim3A_663 = vector.shape_cast %reduce_min3A_662 : vector<256xf32> to vector<1x256xf32>
    %eq3A_664 = vector.broadcast %broadcast_in_dim3A_663 : vector<1x256xf32> to vector<256x256xf32>
    %eq3A_665 = arith.cmpf oeq, %select_n3A_660, %eq3A_664 : vector<256x256xf32>
    %convert_element_type3A_666 = arith.extui %eq3A_665 : vector<256x256xi1> to vector<256x256xi32>
    %reduce_sum3A_667 = arith.constant dense<0> : vector<256xi32>
    %reduce_sum3A_668 = vector.multi_reduction <add>, %convert_element_type3A_666, %reduce_sum3A_667 [0] : vector<256x256xi32> to vector<256xi32>
    %broadcast_in_dim3A_669 = vector.shape_cast %reduce_sum3A_668 : vector<256xi32> to vector<1x256xi32>
    %min3A_670 = arith.minsi %broadcast_in_dim3A_669, %sub3A_649 : vector<1x256xi32>
    %sub3A_671 = arith.subi %sub3A_649, %min3A_670 : vector<1x256xi32>
    %sqrt3A_672 = math.sqrt %broadcast_in_dim3A_663 : vector<1x256xf32>
    %div3A_673 = arith.constant 22.6274166 : f32
    %div3A_674 = vector.broadcast %div3A_673 : f32 to vector<1x256xf32>
    %div3A_675 = arith.divf %sqrt3A_672, %div3A_674 : vector<1x256xf32>
    %convert_element_type3A_676 = arith.sitofp %min3A_670 : vector<1x256xi32> to vector<1x256xf32>
    %mul3A_677 = arith.mulf %div3A_675, %div3A_675 : vector<1x256xf32>
    %mul3A_678 = arith.mulf %convert_element_type3A_676, %mul3A_677 : vector<1x256xf32>
    %add3A_679 = arith.addf %add3A_657, %mul3A_678 : vector<1x256xf32>
    %jit3A_680 = arith.constant 0x7F800000 : f32
    %broadcast_in_dim3A_681 = vector.broadcast %jit3A_680 : f32 to vector<256x256xf32>
    %select_n3A_682 = arith.select %eq3A_665, %broadcast_in_dim3A_681, %select_n3A_660 : vector<256x256xi1>, vector<256x256xf32>
    %reduce_min3A_683 = arith.constant dense<0x7F800000> : vector<256xf32>
    %reduce_min3A_684 = vector.multi_reduction <minimumf>, %select_n3A_682, %reduce_min3A_683 [0] : vector<256x256xf32> to vector<256xf32>
    %broadcast_in_dim3A_685 = vector.shape_cast %reduce_min3A_684 : vector<256xf32> to vector<1x256xf32>
    %eq3A_686 = vector.broadcast %broadcast_in_dim3A_685 : vector<1x256xf32> to vector<256x256xf32>
    %eq3A_687 = arith.cmpf oeq, %select_n3A_682, %eq3A_686 : vector<256x256xf32>
    %convert_element_type3A_688 = arith.extui %eq3A_687 : vector<256x256xi1> to vector<256x256xi32>
    %reduce_sum3A_689 = arith.constant dense<0> : vector<256xi32>
    %reduce_sum3A_690 = vector.multi_reduction <add>, %convert_element_type3A_688, %reduce_sum3A_689 [0] : vector<256x256xi32> to vector<256xi32>
    %broadcast_in_dim3A_691 = vector.shape_cast %reduce_sum3A_690 : vector<256xi32> to vector<1x256xi32>
    %min3A_692 = arith.minsi %broadcast_in_dim3A_691, %sub3A_671 : vector<1x256xi32>
    %sub3A_693 = arith.subi %sub3A_671, %min3A_692 : vector<1x256xi32>
    %sqrt3A_694 = math.sqrt %broadcast_in_dim3A_685 : vector<1x256xf32>
    %div3A_695 = arith.constant 22.6274166 : f32
    %div3A_696 = vector.broadcast %div3A_695 : f32 to vector<1x256xf32>
    %div3A_697 = arith.divf %sqrt3A_694, %div3A_696 : vector<1x256xf32>
    %convert_element_type3A_698 = arith.sitofp %min3A_692 : vector<1x256xi32> to vector<1x256xf32>
    %mul3A_699 = arith.mulf %div3A_697, %div3A_697 : vector<1x256xf32>
    %mul3A_700 = arith.mulf %convert_element_type3A_698, %mul3A_699 : vector<1x256xf32>
    %add3A_701 = arith.addf %add3A_679, %mul3A_700 : vector<1x256xf32>
    %jit3A_702 = arith.constant 0x7F800000 : f32
    %broadcast_in_dim3A_703 = vector.broadcast %jit3A_702 : f32 to vector<256x256xf32>
    %select_n3A_704 = arith.select %eq3A_687, %broadcast_in_dim3A_703, %select_n3A_682 : vector<256x256xi1>, vector<256x256xf32>
    %reduce_min3A_705 = arith.constant dense<0x7F800000> : vector<256xf32>
    %reduce_min3A_706 = vector.multi_reduction <minimumf>, %select_n3A_704, %reduce_min3A_705 [0] : vector<256x256xf32> to vector<256xf32>
    %broadcast_in_dim3A_707 = vector.shape_cast %reduce_min3A_706 : vector<256xf32> to vector<1x256xf32>
    %eq3A_708 = vector.broadcast %broadcast_in_dim3A_707 : vector<1x256xf32> to vector<256x256xf32>
    %eq3A_709 = arith.cmpf oeq, %select_n3A_704, %eq3A_708 : vector<256x256xf32>
    %convert_element_type3A_710 = arith.extui %eq3A_709 : vector<256x256xi1> to vector<256x256xi32>
    %reduce_sum3A_711 = arith.constant dense<0> : vector<256xi32>
    %reduce_sum3A_712 = vector.multi_reduction <add>, %convert_element_type3A_710, %reduce_sum3A_711 [0] : vector<256x256xi32> to vector<256xi32>
    %broadcast_in_dim3A_713 = vector.shape_cast %reduce_sum3A_712 : vector<256xi32> to vector<1x256xi32>
    %min3A_714 = arith.minsi %broadcast_in_dim3A_713, %sub3A_693 : vector<1x256xi32>
    %sub3A_715 = arith.subi %sub3A_693, %min3A_714 : vector<1x256xi32>
    %sqrt3A_716 = math.sqrt %broadcast_in_dim3A_707 : vector<1x256xf32>
    %div3A_717 = arith.constant 22.6274166 : f32
    %div3A_718 = vector.broadcast %div3A_717 : f32 to vector<1x256xf32>
    %div3A_719 = arith.divf %sqrt3A_716, %div3A_718 : vector<1x256xf32>
    %convert_element_type3A_720 = arith.sitofp %min3A_714 : vector<1x256xi32> to vector<1x256xf32>
    %mul3A_721 = arith.mulf %div3A_719, %div3A_719 : vector<1x256xf32>
    %mul3A_722 = arith.mulf %convert_element_type3A_720, %mul3A_721 : vector<1x256xf32>
    %add3A_723 = arith.addf %add3A_701, %mul3A_722 : vector<1x256xf32>
    %jit3A_724 = arith.constant 0x7F800000 : f32
    %broadcast_in_dim3A_725 = vector.broadcast %jit3A_724 : f32 to vector<256x256xf32>
    %select_n3A_726 = arith.select %eq3A_709, %broadcast_in_dim3A_725, %select_n3A_704 : vector<256x256xi1>, vector<256x256xf32>
    %reduce_min3A_727 = arith.constant dense<0x7F800000> : vector<256xf32>
    %reduce_min3A_728 = vector.multi_reduction <minimumf>, %select_n3A_726, %reduce_min3A_727 [0] : vector<256x256xf32> to vector<256xf32>
    %broadcast_in_dim3A_729 = vector.shape_cast %reduce_min3A_728 : vector<256xf32> to vector<1x256xf32>
    %eq3A_730 = vector.broadcast %broadcast_in_dim3A_729 : vector<1x256xf32> to vector<256x256xf32>
    %eq3A_731 = arith.cmpf oeq, %select_n3A_726, %eq3A_730 : vector<256x256xf32>
    %convert_element_type3A_732 = arith.extui %eq3A_731 : vector<256x256xi1> to vector<256x256xi32>
    %reduce_sum3A_733 = arith.constant dense<0> : vector<256xi32>
    %reduce_sum3A_734 = vector.multi_reduction <add>, %convert_element_type3A_732, %reduce_sum3A_733 [0] : vector<256x256xi32> to vector<256xi32>
    %broadcast_in_dim3A_735 = vector.shape_cast %reduce_sum3A_734 : vector<256xi32> to vector<1x256xi32>
    %min3A_736 = arith.minsi %broadcast_in_dim3A_735, %sub3A_715 : vector<1x256xi32>
    %sqrt3A_737 = math.sqrt %broadcast_in_dim3A_729 : vector<1x256xf32>
    %div3A_738 = arith.constant 22.6274166 : f32
    %div3A_739 = vector.broadcast %div3A_738 : f32 to vector<1x256xf32>
    %div3A_740 = arith.divf %sqrt3A_737, %div3A_739 : vector<1x256xf32>
    %convert_element_type3A_741 = arith.sitofp %min3A_736 : vector<1x256xi32> to vector<1x256xf32>
    %mul3A_742 = arith.mulf %div3A_740, %div3A_740 : vector<1x256xf32>
    %mul3A_743 = arith.mulf %convert_element_type3A_741, %mul3A_742 : vector<1x256xf32>
    %add3A_744 = arith.addf %add3A_723, %mul3A_743 : vector<1x256xf32>
    %div3A_745 = arith.constant 7.000000e+00 : f32
    %div3A_746 = vector.broadcast %div3A_745 : f32 to vector<1x256xf32>
    %div3A_747 = arith.divf %add3A_744, %div3A_746 : vector<1x256xf32>
    %neg3A_748 = arith.constant 0.000000e+00 : f32
    %neg3A_749 = vector.broadcast %neg3A_748 : f32 to vector<1x256xf32>
    %neg3A_750 = arith.subf %neg3A_749, %div3A_747 : vector<1x256xf32>
    %exp3A_751 = math.exp %neg3A_750 : vector<1x256xf32>
    %iota3A_752 = tpu.iota {dimensions = array<i32: 1>} : vector<1x256xi32>
    %convert_element_type3A_753 = arith.sitofp %iota3A_752 : vector<1x256xi32> to vector<1x256xf32>
    %mul3A_754 = arith.constant 9.99999997E-7 : f32
    %mul3A_755 = vector.broadcast %mul3A_754 : f32 to vector<1x256xf32>
    %mul3A_756 = arith.mulf %convert_element_type3A_753, %mul3A_755 : vector<1x256xf32>
    %add3A_757 = arith.addf %exp3A_751, %mul3A_756 : vector<1x256xf32>
    %eq3A_758 = arith.cmpi eq, %iota3A_558, %iota3A_559 : vector<256x256xi32>
    %broadcast_in_dim3A_759 = vector.shape_cast %add3A_757 : vector<1x256xf32> to vector<1x256xf32>
    %broadcast_in_dim3A_760 = vector.broadcast %broadcast_in_dim3A_759 : vector<1x256xf32> to vector<256x256xf32>
    %jit3A_761 = arith.constant 0.000000e+00 : f32
    %broadcast_in_dim3A_762 = vector.broadcast %jit3A_761 : f32 to vector<256x256xf32>
    %select_n3A_763 = arith.select %eq3A_758, %broadcast_in_dim3A_760, %broadcast_in_dim3A_762 : vector<256x256xi1>, vector<256x256xf32>
    %reduce_sum3A_764 = arith.constant dense<0.000000e+00> : vector<256xf32>
    %reduce_sum3A_765 = vector.multi_reduction <add>, %select_n3A_763, %reduce_sum3A_764 [1] : vector<256x256xf32> to vector<256xf32>
    %broadcast_in_dim3A_766 = vector.shape_cast %reduce_sum3A_765 : vector<256xf32> to vector<256x1xf32>
    %lt3A_767 = arith.constant 243 : i32
    %lt3A_768 = vector.broadcast %lt3A_767 : i32 to vector<256x256xi32>
    %lt3A_769 = arith.cmpi slt, %iota3A_559, %lt3A_768 : vector<256x256xi32>
    %and3A_770 = arith.andi %lt3A_562, %lt3A_769 : vector<256x256xi1>
    %neg3A_771 = arith.constant 0.000000e+00 : f32
    %neg3A_772 = arith.constant 0x7F800000 : f32
    %neg3A_773 = arith.subf %neg3A_771, %neg3A_772 : f32
    %broadcast_in_dim3A_774 = vector.broadcast %neg3A_773 : f32 to vector<256x256xf32>
    %select_n3A_775 = arith.select %and3A_770, %max3A_587, %broadcast_in_dim3A_774 : vector<256x256xi1>, vector<256x256xf32>
    %reduce_max3A_776 = vector.shape_cast %select_n3A_775 : vector<256x256xf32> to vector<1x256x256xf32>
    %reduce_max3A_777 = arith.constant dense<0xFF800000> : vector<1xf32>
    %reduce_max3A_778 = vector.multi_reduction <maximumf>, %reduce_max3A_776, %reduce_max3A_777 [1, 2] : vector<1x256x256xf32> to vector<1xf32>
    %reduce_max3A_779 = vector.shape_cast %reduce_max3A_778 : vector<1xf32> to vector<1x1x1xf32>
    %reduce_max3A_780 = vector.extract %reduce_max3A_779[0, 0, 0] : f32 from vector<1x1x1xf32>
    %gt3A_781 = vector.broadcast %broadcast_in_dim3A_766 : vector<256x1xf32> to vector<256x256xf32>
    %gt3A_782 = vector.broadcast %add3A_757 : vector<1x256xf32> to vector<256x256xf32>
    %gt3A_783 = arith.cmpf ogt, %gt3A_781, %gt3A_782 : vector<256x256xf32>
    %and3A_784 = arith.andi %gt3A_783, %lt3A_562 : vector<256x256xi1>
    %broadcast_in_dim3A_785 = vector.broadcast %reduce_max3A_780 : f32 to vector<256x256xf32>
    %select_n3A_786 = arith.select %and3A_784, %max3A_587, %broadcast_in_dim3A_785 : vector<256x256xi1>, vector<256x256xf32>
    %reduce_min3A_787 = arith.constant dense<0x7F800000> : vector<256xf32>
    %reduce_min3A_788 = vector.multi_reduction <minimumf>, %select_n3A_786, %reduce_min3A_787 [0] : vector<256x256xf32> to vector<256xf32>
    %broadcast_in_dim3A_789 = vector.shape_cast %reduce_min3A_788 : vector<256xf32> to vector<1x256xf32>
    %sqrt3A_790 = math.sqrt %broadcast_in_dim3A_789 : vector<1x256xf32>
    %div3A_791 = arith.constant 22.6274166 : f32
    %div3A_792 = vector.broadcast %div3A_791 : f32 to vector<1x256xf32>
    %div3A_793 = arith.divf %sqrt3A_790, %div3A_792 : vector<1x256xf32>
    %mul3A_794 = arith.mulf %div3A_793, %add3A_757 : vector<1x256xf32>
    %iota3A_795 = tpu.iota {dimensions = array<i32: 1>} : vector<1x256xi32>
    %lt3A_796 = arith.constant 243 : i32
    %lt3A_797 = vector.broadcast %lt3A_796 : i32 to vector<1x256xi32>
    %lt3A_798 = arith.cmpi slt, %iota3A_795, %lt3A_797 : vector<1x256xi32>
    %neg3A_799 = arith.constant 0.000000e+00 : f32
    %neg3A_800 = arith.constant 0x7F800000 : f32
    %neg3A_801 = arith.subf %neg3A_799, %neg3A_800 : f32
    %broadcast_in_dim3A_802 = vector.broadcast %neg3A_801 : f32 to vector<1x256xf32>
    %select_n3A_803 = arith.select %lt3A_798, %mul3A_794, %broadcast_in_dim3A_802 : vector<1x256xi1>, vector<1x256xf32>
    %eq3A_804 = arith.cmpi eq, %iota3A_558, %iota3A_559 : vector<256x256xi32>
    %broadcast_in_dim3A_805 = vector.shape_cast %select_n3A_803 : vector<1x256xf32> to vector<1x256xf32>
    %broadcast_in_dim3A_806 = vector.broadcast %broadcast_in_dim3A_805 : vector<1x256xf32> to vector<256x256xf32>
    %jit3A_807 = arith.constant 0.000000e+00 : f32
    %broadcast_in_dim3A_808 = vector.broadcast %jit3A_807 : f32 to vector<256x256xf32>
    %select_n3A_809 = arith.select %eq3A_804, %broadcast_in_dim3A_806, %broadcast_in_dim3A_808 : vector<256x256xi1>, vector<256x256xf32>
    %reduce_sum3A_810 = arith.constant dense<0.000000e+00> : vector<256xf32>
    %reduce_sum3A_811 = vector.multi_reduction <add>, %select_n3A_809, %reduce_sum3A_810 [1] : vector<256x256xf32> to vector<256xf32>
    %broadcast_in_dim3A_812 = vector.shape_cast %reduce_sum3A_811 : vector<256xf32> to vector<256x1xf32>
    %gt3A_813 = vector.broadcast %select_n3A_803 : vector<1x256xf32> to vector<256x256xf32>
    %gt3A_814 = vector.broadcast %broadcast_in_dim3A_812 : vector<256x1xf32> to vector<256x256xf32>
    %gt3A_815 = arith.cmpf ogt, %gt3A_813, %gt3A_814 : vector<256x256xf32>
    %eq3A_816 = vector.broadcast %select_n3A_803 : vector<1x256xf32> to vector<256x256xf32>
    %eq3A_817 = vector.broadcast %broadcast_in_dim3A_812 : vector<256x1xf32> to vector<256x256xf32>
    %eq3A_818 = arith.cmpf oeq, %eq3A_816, %eq3A_817 : vector<256x256xf32>
    %lt3A_819 = arith.cmpi slt, %iota3A_559, %iota3A_558 : vector<256x256xi32>
    %and3A_820 = arith.andi %eq3A_818, %lt3A_819 : vector<256x256xi1>
    %or3A_821 = arith.ori %gt3A_815, %and3A_820 : vector<256x256xi1>
    %convert_element_type3A_822 = arith.extui %or3A_821 : vector<256x256xi1> to vector<256x256xi32>
    %reduce_sum3A_823 = arith.constant dense<0> : vector<256xi32>
    %reduce_sum3A_824 = vector.multi_reduction <add>, %convert_element_type3A_822, %reduce_sum3A_823 [1] : vector<256x256xi32> to vector<256xi32>
    %broadcast_in_dim3A_825 = vector.shape_cast %reduce_sum3A_824 : vector<256xi32> to vector<256x1xi32>
    %iota3A_826 = tpu.iota {dimensions = array<i32: 1>} : vector<256x128xi32>
    %iota3A_827 = tpu.iota {dimensions = array<i32: 0>} : vector<256x128xi32>
    %eq3A_828 = vector.broadcast %broadcast_in_dim3A_825 : vector<256x1xi32> to vector<256x128xi32>
    %eq3A_829 = arith.cmpi eq, %eq3A_828, %iota3A_826 : vector<256x128xi32>
    %jit3A_830 = arith.constant 0 : i32
    %broadcast_in_dim3A_831 = vector.broadcast %jit3A_830 : i32 to vector<256x128xi32>
    %select_n3A_832 = arith.select %eq3A_829, %iota3A_827, %broadcast_in_dim3A_831 : vector<256x128xi1>, vector<256x128xi32>
    %reduce_sum3A_833 = arith.constant dense<0> : vector<128xi32>
    %reduce_sum3A_834 = vector.multi_reduction <add>, %select_n3A_832, %reduce_sum3A_833 [0] : vector<256x128xi32> to vector<128xi32>
    %broadcast_in_dim3A_835 = vector.shape_cast %reduce_sum3A_834 : vector<128xi32> to vector<1x128xi32>
    %swap3A_836 = arith.constant 2 : index
    %swap3A_837 = arith.constant 0 : index
    %swap3A_838 = arith.constant 0 : index
    %swap3A_839 = vector.load %arg2[%swap3A_836, %swap3A_837, %swap3A_838] : memref<4x1x128xi32, #tpu.memory_space<vmem>>, vector<1x1x128xi32>
    %swap3A_840 = vector.shape_cast %swap3A_839 : vector<1x1x128xi32> to vector<1x128xi32>
    %swap3A_841 = vector.shape_cast %broadcast_in_dim3A_835 : vector<1x128xi32> to vector<1x1x128xi32>
    tpu.vector_store %arg2[%swap3A_836, %swap3A_837, %swap3A_838], %swap3A_841 {strides = array<i32>} : memref<4x1x128xi32, #tpu.memory_space<vmem>>, vector<1x1x128xi32>,
    %get3A_842 = arith.constant 3 : index
    %get3A_843 = arith.constant 0 : index
    %get3A_844 = arith.constant 0 : index
    %get3A_845 = vector.load %arg1[%get3A_842, %get3A_843, %get3A_844] : memref<4x256x512xf32, #tpu.memory_space<vmem>>, vector<1x256x512xf32>
    %get3A_846 = vector.shape_cast %get3A_845 : vector<1x256x512xf32> to vector<256x512xf32>
    %iota3A_847 = tpu.iota {dimensions = array<i32: 0>} : vector<256x256xi32>
    %iota3A_848 = tpu.iota {dimensions = array<i32: 1>} : vector<256x256xi32>
    %lt3A_849 = arith.constant 243 : i32
    %lt3A_850 = vector.broadcast %lt3A_849 : i32 to vector<256x256xi32>
    %lt3A_851 = arith.cmpi slt, %iota3A_847, %lt3A_850 : vector<256x256xi32>
    %mul3A_852 = arith.mulf %get3A_846, %get3A_846 : vector<256x512xf32>
    %reduce_sum3A_853 = arith.constant dense<0.000000e+00> : vector<256xf32>
    %reduce_sum3A_854 = vector.multi_reduction <add>, %mul3A_852, %reduce_sum3A_853 [1] : vector<256x512xf32> to vector<256xf32>
    %broadcast_in_dim3A_855 = vector.shape_cast %reduce_sum3A_854 : vector<256xf32> to vector<256x1xf32>
    %eq3A_856 = arith.cmpi eq, %iota3A_847, %iota3A_848 : vector<256x256xi32>
    %broadcast_in_dim3A_857 = vector.shape_cast %broadcast_in_dim3A_855 : vector<256x1xf32> to vector<256x1xf32>
    %broadcast_in_dim3A_858 = vector.broadcast %broadcast_in_dim3A_857 : vector<256x1xf32> to vector<256x256xf32>
    %jit3A_859 = arith.constant 0.000000e+00 : f32
    %broadcast_in_dim3A_860 = vector.broadcast %jit3A_859 : f32 to vector<256x256xf32>
    %select_n3A_861 = arith.select %eq3A_856, %broadcast_in_dim3A_858, %broadcast_in_dim3A_860 : vector<256x256xi1>, vector<256x256xf32>
    %reduce_sum3A_862 = arith.constant dense<0.000000e+00> : vector<256xf32>
    %reduce_sum3A_863 = vector.multi_reduction <add>, %select_n3A_861, %reduce_sum3A_862 [0] : vector<256x256xf32> to vector<256xf32>
    %broadcast_in_dim3A_864 = vector.shape_cast %reduce_sum3A_863 : vector<256xf32> to vector<1x256xf32>
    %dot_general3A_865 = arith.constant dense<0.000000e+00> : vector<256x256xf32>
    %dot_general3A_866 = tpu.matmul %get3A_846, %get3A_846, %dot_general3A_865 {dimension_numbers = #tpu.dot_dimension_numbers<[1], [1], [0], [0], [0, 0, 1, 0], [], []>, transpose_lhs_hint = false} : vector<256x512xf32>, vector<256x512xf32>, vector<256x256xf32> -> vector<256x256xf32>
    %add3A_867 = vector.broadcast %broadcast_in_dim3A_855 : vector<256x1xf32> to vector<256x256xf32>
    %add3A_868 = vector.broadcast %broadcast_in_dim3A_864 : vector<1x256xf32> to vector<256x256xf32>
    %add3A_869 = arith.addf %add3A_867, %add3A_868 : vector<256x256xf32>
    %mul3A_870 = arith.constant 2.000000e+00 : f32
    %mul3A_871 = vector.broadcast %mul3A_870 : f32 to vector<256x256xf32>
    %mul3A_872 = arith.mulf %mul3A_871, %dot_general3A_866 : vector<256x256xf32>
    %sub3A_873 = arith.subf %add3A_869, %mul3A_872 : vector<256x256xf32>
    %max3A_874 = arith.constant 0.000000e+00 : f32
    %max3A_875 = vector.broadcast %max3A_874 : f32 to vector<256x256xf32>
    %max3A_876 = arith.maximumf %sub3A_873, %max3A_875 : vector<256x256xf32>
    %jit3A_877 = arith.constant 0x7F800000 : f32
    %broadcast_in_dim3A_878 = vector.broadcast %jit3A_877 : f32 to vector<256x256xf32>
    %select_n3A_879 = arith.select %lt3A_851, %max3A_876, %broadcast_in_dim3A_878 : vector<256x256xi1>, vector<256x256xf32>
    %broadcast_in_dim3A_880 = arith.constant 0.000000e+00 : f32
    %broadcast_in_dim3A_881 = vector.broadcast %broadcast_in_dim3A_880 : f32 to vector<1x256xf32>
    %broadcast_in_dim3A_882 = arith.constant 7 : i32
    %broadcast_in_dim3A_883 = vector.broadcast %broadcast_in_dim3A_882 : i32 to vector<1x256xi32>
    %reduce_min3A_884 = arith.constant dense<0x7F800000> : vector<256xf32>
    %reduce_min3A_885 = vector.multi_reduction <minimumf>, %select_n3A_879, %reduce_min3A_884 [0] : vector<256x256xf32> to vector<256xf32>
    %broadcast_in_dim3A_886 = vector.shape_cast %reduce_min3A_885 : vector<256xf32> to vector<1x256xf32>
    %eq3A_887 = vector.broadcast %broadcast_in_dim3A_886 : vector<1x256xf32> to vector<256x256xf32>
    %eq3A_888 = arith.cmpf oeq, %select_n3A_879, %eq3A_887 : vector<256x256xf32>
    %convert_element_type3A_889 = arith.extui %eq3A_888 : vector<256x256xi1> to vector<256x256xi32>
    %reduce_sum3A_890 = arith.constant dense<0> : vector<256xi32>
    %reduce_sum3A_891 = vector.multi_reduction <add>, %convert_element_type3A_889, %reduce_sum3A_890 [0] : vector<256x256xi32> to vector<256xi32>
    %broadcast_in_dim3A_892 = vector.shape_cast %reduce_sum3A_891 : vector<256xi32> to vector<1x256xi32>
    %min3A_893 = arith.minsi %broadcast_in_dim3A_892, %broadcast_in_dim3A_883 : vector<1x256xi32>
    %sub3A_894 = arith.subi %broadcast_in_dim3A_883, %min3A_893 : vector<1x256xi32>
    %sqrt3A_895 = math.sqrt %broadcast_in_dim3A_886 : vector<1x256xf32>
    %div3A_896 = arith.constant 22.6274166 : f32
    %div3A_897 = vector.broadcast %div3A_896 : f32 to vector<1x256xf32>
    %div3A_898 = arith.divf %sqrt3A_895, %div3A_897 : vector<1x256xf32>
    %convert_element_type3A_899 = arith.sitofp %min3A_893 : vector<1x256xi32> to vector<1x256xf32>
    %mul3A_900 = arith.mulf %div3A_898, %div3A_898 : vector<1x256xf32>
    %mul3A_901 = arith.mulf %convert_element_type3A_899, %mul3A_900 : vector<1x256xf32>
    %add3A_902 = arith.addf %broadcast_in_dim3A_881, %mul3A_901 : vector<1x256xf32>
    %jit3A_903 = arith.constant 0x7F800000 : f32
    %broadcast_in_dim3A_904 = vector.broadcast %jit3A_903 : f32 to vector<256x256xf32>
    %select_n3A_905 = arith.select %eq3A_888, %broadcast_in_dim3A_904, %select_n3A_879 : vector<256x256xi1>, vector<256x256xf32>
    %reduce_min3A_906 = arith.constant dense<0x7F800000> : vector<256xf32>
    %reduce_min3A_907 = vector.multi_reduction <minimumf>, %select_n3A_905, %reduce_min3A_906 [0] : vector<256x256xf32> to vector<256xf32>
    %broadcast_in_dim3A_908 = vector.shape_cast %reduce_min3A_907 : vector<256xf32> to vector<1x256xf32>
    %eq3A_909 = vector.broadcast %broadcast_in_dim3A_908 : vector<1x256xf32> to vector<256x256xf32>
    %eq3A_910 = arith.cmpf oeq, %select_n3A_905, %eq3A_909 : vector<256x256xf32>
    %convert_element_type3A_911 = arith.extui %eq3A_910 : vector<256x256xi1> to vector<256x256xi32>
    %reduce_sum3A_912 = arith.constant dense<0> : vector<256xi32>
    %reduce_sum3A_913 = vector.multi_reduction <add>, %convert_element_type3A_911, %reduce_sum3A_912 [0] : vector<256x256xi32> to vector<256xi32>
    %broadcast_in_dim3A_914 = vector.shape_cast %reduce_sum3A_913 : vector<256xi32> to vector<1x256xi32>
    %min3A_915 = arith.minsi %broadcast_in_dim3A_914, %sub3A_894 : vector<1x256xi32>
    %sub3A_916 = arith.subi %sub3A_894, %min3A_915 : vector<1x256xi32>
    %sqrt3A_917 = math.sqrt %broadcast_in_dim3A_908 : vector<1x256xf32>
    %div3A_918 = arith.constant 22.6274166 : f32
    %div3A_919 = vector.broadcast %div3A_918 : f32 to vector<1x256xf32>
    %div3A_920 = arith.divf %sqrt3A_917, %div3A_919 : vector<1x256xf32>
    %convert_element_type3A_921 = arith.sitofp %min3A_915 : vector<1x256xi32> to vector<1x256xf32>
    %mul3A_922 = arith.mulf %div3A_920, %div3A_920 : vector<1x256xf32>
    %mul3A_923 = arith.mulf %convert_element_type3A_921, %mul3A_922 : vector<1x256xf32>
    %add3A_924 = arith.addf %add3A_902, %mul3A_923 : vector<1x256xf32>
    %jit3A_925 = arith.constant 0x7F800000 : f32
    %broadcast_in_dim3A_926 = vector.broadcast %jit3A_925 : f32 to vector<256x256xf32>
    %select_n3A_927 = arith.select %eq3A_910, %broadcast_in_dim3A_926, %select_n3A_905 : vector<256x256xi1>, vector<256x256xf32>
    %reduce_min3A_928 = arith.constant dense<0x7F800000> : vector<256xf32>
    %reduce_min3A_929 = vector.multi_reduction <minimumf>, %select_n3A_927, %reduce_min3A_928 [0] : vector<256x256xf32> to vector<256xf32>
    %broadcast_in_dim3A_930 = vector.shape_cast %reduce_min3A_929 : vector<256xf32> to vector<1x256xf32>
    %eq3A_931 = vector.broadcast %broadcast_in_dim3A_930 : vector<1x256xf32> to vector<256x256xf32>
    %eq3A_932 = arith.cmpf oeq, %select_n3A_927, %eq3A_931 : vector<256x256xf32>
    %convert_element_type3A_933 = arith.extui %eq3A_932 : vector<256x256xi1> to vector<256x256xi32>
    %reduce_sum3A_934 = arith.constant dense<0> : vector<256xi32>
    %reduce_sum3A_935 = vector.multi_reduction <add>, %convert_element_type3A_933, %reduce_sum3A_934 [0] : vector<256x256xi32> to vector<256xi32>
    %broadcast_in_dim3A_936 = vector.shape_cast %reduce_sum3A_935 : vector<256xi32> to vector<1x256xi32>
    %min3A_937 = arith.minsi %broadcast_in_dim3A_936, %sub3A_916 : vector<1x256xi32>
    %sub3A_938 = arith.subi %sub3A_916, %min3A_937 : vector<1x256xi32>
    %sqrt3A_939 = math.sqrt %broadcast_in_dim3A_930 : vector<1x256xf32>
    %div3A_940 = arith.constant 22.6274166 : f32
    %div3A_941 = vector.broadcast %div3A_940 : f32 to vector<1x256xf32>
    %div3A_942 = arith.divf %sqrt3A_939, %div3A_941 : vector<1x256xf32>
    %convert_element_type3A_943 = arith.sitofp %min3A_937 : vector<1x256xi32> to vector<1x256xf32>
    %mul3A_944 = arith.mulf %div3A_942, %div3A_942 : vector<1x256xf32>
    %mul3A_945 = arith.mulf %convert_element_type3A_943, %mul3A_944 : vector<1x256xf32>
    %add3A_946 = arith.addf %add3A_924, %mul3A_945 : vector<1x256xf32>
    %jit3A_947 = arith.constant 0x7F800000 : f32
    %broadcast_in_dim3A_948 = vector.broadcast %jit3A_947 : f32 to vector<256x256xf32>
    %select_n3A_949 = arith.select %eq3A_932, %broadcast_in_dim3A_948, %select_n3A_927 : vector<256x256xi1>, vector<256x256xf32>
    %reduce_min3A_950 = arith.constant dense<0x7F800000> : vector<256xf32>
    %reduce_min3A_951 = vector.multi_reduction <minimumf>, %select_n3A_949, %reduce_min3A_950 [0] : vector<256x256xf32> to vector<256xf32>
    %broadcast_in_dim3A_952 = vector.shape_cast %reduce_min3A_951 : vector<256xf32> to vector<1x256xf32>
    %eq3A_953 = vector.broadcast %broadcast_in_dim3A_952 : vector<1x256xf32> to vector<256x256xf32>
    %eq3A_954 = arith.cmpf oeq, %select_n3A_949, %eq3A_953 : vector<256x256xf32>
    %convert_element_type3A_955 = arith.extui %eq3A_954 : vector<256x256xi1> to vector<256x256xi32>
    %reduce_sum3A_956 = arith.constant dense<0> : vector<256xi32>
    %reduce_sum3A_957 = vector.multi_reduction <add>, %convert_element_type3A_955, %reduce_sum3A_956 [0] : vector<256x256xi32> to vector<256xi32>
    %broadcast_in_dim3A_958 = vector.shape_cast %reduce_sum3A_957 : vector<256xi32> to vector<1x256xi32>
    %min3A_959 = arith.minsi %broadcast_in_dim3A_958, %sub3A_938 : vector<1x256xi32>
    %sub3A_960 = arith.subi %sub3A_938, %min3A_959 : vector<1x256xi32>
    %sqrt3A_961 = math.sqrt %broadcast_in_dim3A_952 : vector<1x256xf32>
    %div3A_962 = arith.constant 22.6274166 : f32
    %div3A_963 = vector.broadcast %div3A_962 : f32 to vector<1x256xf32>
    %div3A_964 = arith.divf %sqrt3A_961, %div3A_963 : vector<1x256xf32>
    %convert_element_type3A_965 = arith.sitofp %min3A_959 : vector<1x256xi32> to vector<1x256xf32>
    %mul3A_966 = arith.mulf %div3A_964, %div3A_964 : vector<1x256xf32>
    %mul3A_967 = arith.mulf %convert_element_type3A_965, %mul3A_966 : vector<1x256xf32>
    %add3A_968 = arith.addf %add3A_946, %mul3A_967 : vector<1x256xf32>
    %jit3A_969 = arith.constant 0x7F800000 : f32
    %broadcast_in_dim3A_970 = vector.broadcast %jit3A_969 : f32 to vector<256x256xf32>
    %select_n3A_971 = arith.select %eq3A_954, %broadcast_in_dim3A_970, %select_n3A_949 : vector<256x256xi1>, vector<256x256xf32>
    %reduce_min3A_972 = arith.constant dense<0x7F800000> : vector<256xf32>
    %reduce_min3A_973 = vector.multi_reduction <minimumf>, %select_n3A_971, %reduce_min3A_972 [0] : vector<256x256xf32> to vector<256xf32>
    %broadcast_in_dim3A_974 = vector.shape_cast %reduce_min3A_973 : vector<256xf32> to vector<1x256xf32>
    %eq3A_975 = vector.broadcast %broadcast_in_dim3A_974 : vector<1x256xf32> to vector<256x256xf32>
    %eq3A_976 = arith.cmpf oeq, %select_n3A_971, %eq3A_975 : vector<256x256xf32>
    %convert_element_type3A_977 = arith.extui %eq3A_976 : vector<256x256xi1> to vector<256x256xi32>
    %reduce_sum3A_978 = arith.constant dense<0> : vector<256xi32>
    %reduce_sum3A_979 = vector.multi_reduction <add>, %convert_element_type3A_977, %reduce_sum3A_978 [0] : vector<256x256xi32> to vector<256xi32>
    %broadcast_in_dim3A_980 = vector.shape_cast %reduce_sum3A_979 : vector<256xi32> to vector<1x256xi32>
    %min3A_981 = arith.minsi %broadcast_in_dim3A_980, %sub3A_960 : vector<1x256xi32>
    %sub3A_982 = arith.subi %sub3A_960, %min3A_981 : vector<1x256xi32>
    %sqrt3A_983 = math.sqrt %broadcast_in_dim3A_974 : vector<1x256xf32>
    %div3A_984 = arith.constant 22.6274166 : f32
    %div3A_985 = vector.broadcast %div3A_984 : f32 to vector<1x256xf32>
    %div3A_986 = arith.divf %sqrt3A_983, %div3A_985 : vector<1x256xf32>
    %convert_element_type3A_987 = arith.sitofp %min3A_981 : vector<1x256xi32> to vector<1x256xf32>
    %mul3A_988 = arith.mulf %div3A_986, %div3A_986 : vector<1x256xf32>
    %mul3A_989 = arith.mulf %convert_element_type3A_987, %mul3A_988 : vector<1x256xf32>
    %add3A_990 = arith.addf %add3A_968, %mul3A_989 : vector<1x256xf32>
    %jit3A_991 = arith.constant 0x7F800000 : f32
    %broadcast_in_dim3A_992 = vector.broadcast %jit3A_991 : f32 to vector<256x256xf32>
    %select_n3A_993 = arith.select %eq3A_976, %broadcast_in_dim3A_992, %select_n3A_971 : vector<256x256xi1>, vector<256x256xf32>
    %reduce_min3A_994 = arith.constant dense<0x7F800000> : vector<256xf32>
    %reduce_min3A_995 = vector.multi_reduction <minimumf>, %select_n3A_993, %reduce_min3A_994 [0] : vector<256x256xf32> to vector<256xf32>
    %broadcast_in_dim3A_996 = vector.shape_cast %reduce_min3A_995 : vector<256xf32> to vector<1x256xf32>
    %eq3A_997 = vector.broadcast %broadcast_in_dim3A_996 : vector<1x256xf32> to vector<256x256xf32>
    %eq3A_998 = arith.cmpf oeq, %select_n3A_993, %eq3A_997 : vector<256x256xf32>
    %convert_element_type3A_999 = arith.extui %eq3A_998 : vector<256x256xi1> to vector<256x256xi32>
    %reduce_sum3A_1000 = arith.constant dense<0> : vector<256xi32>
    %reduce_sum3A_1001 = vector.multi_reduction <add>, %convert_element_type3A_999, %reduce_sum3A_1000 [0] : vector<256x256xi32> to vector<256xi32>
    %broadcast_in_dim3A_1002 = vector.shape_cast %reduce_sum3A_1001 : vector<256xi32> to vector<1x256xi32>
    %min3A_1003 = arith.minsi %broadcast_in_dim3A_1002, %sub3A_982 : vector<1x256xi32>
    %sub3A_1004 = arith.subi %sub3A_982, %min3A_1003 : vector<1x256xi32>
    %sqrt3A_1005 = math.sqrt %broadcast_in_dim3A_996 : vector<1x256xf32>
    %div3A_1006 = arith.constant 22.6274166 : f32
    %div3A_1007 = vector.broadcast %div3A_1006 : f32 to vector<1x256xf32>
    %div3A_1008 = arith.divf %sqrt3A_1005, %div3A_1007 : vector<1x256xf32>
    %convert_element_type3A_1009 = arith.sitofp %min3A_1003 : vector<1x256xi32> to vector<1x256xf32>
    %mul3A_1010 = arith.mulf %div3A_1008, %div3A_1008 : vector<1x256xf32>
    %mul3A_1011 = arith.mulf %convert_element_type3A_1009, %mul3A_1010 : vector<1x256xf32>
    %add3A_1012 = arith.addf %add3A_990, %mul3A_1011 : vector<1x256xf32>
    %jit3A_1013 = arith.constant 0x7F800000 : f32
    %broadcast_in_dim3A_1014 = vector.broadcast %jit3A_1013 : f32 to vector<256x256xf32>
    %select_n3A_1015 = arith.select %eq3A_998, %broadcast_in_dim3A_1014, %select_n3A_993 : vector<256x256xi1>, vector<256x256xf32>
    %reduce_min3A_1016 = arith.constant dense<0x7F800000> : vector<256xf32>
    %reduce_min3A_1017 = vector.multi_reduction <minimumf>, %select_n3A_1015, %reduce_min3A_1016 [0] : vector<256x256xf32> to vector<256xf32>
    %broadcast_in_dim3A_1018 = vector.shape_cast %reduce_min3A_1017 : vector<256xf32> to vector<1x256xf32>
    %eq3A_1019 = vector.broadcast %broadcast_in_dim3A_1018 : vector<1x256xf32> to vector<256x256xf32>
    %eq3A_1020 = arith.cmpf oeq, %select_n3A_1015, %eq3A_1019 : vector<256x256xf32>
    %convert_element_type3A_1021 = arith.extui %eq3A_1020 : vector<256x256xi1> to vector<256x256xi32>
    %reduce_sum3A_1022 = arith.constant dense<0> : vector<256xi32>
    %reduce_sum3A_1023 = vector.multi_reduction <add>, %convert_element_type3A_1021, %reduce_sum3A_1022 [0] : vector<256x256xi32> to vector<256xi32>
    %broadcast_in_dim3A_1024 = vector.shape_cast %reduce_sum3A_1023 : vector<256xi32> to vector<1x256xi32>
    %min3A_1025 = arith.minsi %broadcast_in_dim3A_1024, %sub3A_1004 : vector<1x256xi32>
    %sqrt3A_1026 = math.sqrt %broadcast_in_dim3A_1018 : vector<1x256xf32>
    %div3A_1027 = arith.constant 22.6274166 : f32
    %div3A_1028 = vector.broadcast %div3A_1027 : f32 to vector<1x256xf32>
    %div3A_1029 = arith.divf %sqrt3A_1026, %div3A_1028 : vector<1x256xf32>
    %convert_element_type3A_1030 = arith.sitofp %min3A_1025 : vector<1x256xi32> to vector<1x256xf32>
    %mul3A_1031 = arith.mulf %div3A_1029, %div3A_1029 : vector<1x256xf32>
    %mul3A_1032 = arith.mulf %convert_element_type3A_1030, %mul3A_1031 : vector<1x256xf32>
    %add3A_1033 = arith.addf %add3A_1012, %mul3A_1032 : vector<1x256xf32>
    %div3A_1034 = arith.constant 7.000000e+00 : f32
    %div3A_1035 = vector.broadcast %div3A_1034 : f32 to vector<1x256xf32>
    %div3A_1036 = arith.divf %add3A_1033, %div3A_1035 : vector<1x256xf32>
    %neg3A_1037 = arith.constant 0.000000e+00 : f32
    %neg3A_1038 = vector.broadcast %neg3A_1037 : f32 to vector<1x256xf32>
    %neg3A_1039 = arith.subf %neg3A_1038, %div3A_1036 : vector<1x256xf32>
    %exp3A_1040 = math.exp %neg3A_1039 : vector<1x256xf32>
    %iota3A_1041 = tpu.iota {dimensions = array<i32: 1>} : vector<1x256xi32>
    %convert_element_type3A_1042 = arith.sitofp %iota3A_1041 : vector<1x256xi32> to vector<1x256xf32>
    %mul3A_1043 = arith.constant 9.99999997E-7 : f32
    %mul3A_1044 = vector.broadcast %mul3A_1043 : f32 to vector<1x256xf32>
    %mul3A_1045 = arith.mulf %convert_element_type3A_1042, %mul3A_1044 : vector<1x256xf32>
    %add3A_1046 = arith.addf %exp3A_1040, %mul3A_1045 : vector<1x256xf32>
    %eq3A_1047 = arith.cmpi eq, %iota3A_847, %iota3A_848 : vector<256x256xi32>
    %broadcast_in_dim3A_1048 = vector.shape_cast %add3A_1046 : vector<1x256xf32> to vector<1x256xf32>
    %broadcast_in_dim3A_1049 = vector.broadcast %broadcast_in_dim3A_1048 : vector<1x256xf32> to vector<256x256xf32>
    %jit3A_1050 = arith.constant 0.000000e+00 : f32
    %broadcast_in_dim3A_1051 = vector.broadcast %jit3A_1050 : f32 to vector<256x256xf32>
    %select_n3A_1052 = arith.select %eq3A_1047, %broadcast_in_dim3A_1049, %broadcast_in_dim3A_1051 : vector<256x256xi1>, vector<256x256xf32>
    %reduce_sum3A_1053 = arith.constant dense<0.000000e+00> : vector<256xf32>
    %reduce_sum3A_1054 = vector.multi_reduction <add>, %select_n3A_1052, %reduce_sum3A_1053 [1] : vector<256x256xf32> to vector<256xf32>
    %broadcast_in_dim3A_1055 = vector.shape_cast %reduce_sum3A_1054 : vector<256xf32> to vector<256x1xf32>
    %lt3A_1056 = arith.constant 243 : i32
    %lt3A_1057 = vector.broadcast %lt3A_1056 : i32 to vector<256x256xi32>
    %lt3A_1058 = arith.cmpi slt, %iota3A_848, %lt3A_1057 : vector<256x256xi32>
    %and3A_1059 = arith.andi %lt3A_851, %lt3A_1058 : vector<256x256xi1>
    %neg3A_1060 = arith.constant 0.000000e+00 : f32
    %neg3A_1061 = arith.constant 0x7F800000 : f32
    %neg3A_1062 = arith.subf %neg3A_1060, %neg3A_1061 : f32
    %broadcast_in_dim3A_1063 = vector.broadcast %neg3A_1062 : f32 to vector<256x256xf32>
    %select_n3A_1064 = arith.select %and3A_1059, %max3A_876, %broadcast_in_dim3A_1063 : vector<256x256xi1>, vector<256x256xf32>
    %reduce_max3A_1065 = vector.shape_cast %select_n3A_1064 : vector<256x256xf32> to vector<1x256x256xf32>
    %reduce_max3A_1066 = arith.constant dense<0xFF800000> : vector<1xf32>
    %reduce_max3A_1067 = vector.multi_reduction <maximumf>, %reduce_max3A_1065, %reduce_max3A_1066 [1, 2] : vector<1x256x256xf32> to vector<1xf32>
    %reduce_max3A_1068 = vector.shape_cast %reduce_max3A_1067 : vector<1xf32> to vector<1x1x1xf32>
    %reduce_max3A_1069 = vector.extract %reduce_max3A_1068[0, 0, 0] : f32 from vector<1x1x1xf32>
    %gt3A_1070 = vector.broadcast %broadcast_in_dim3A_1055 : vector<256x1xf32> to vector<256x256xf32>
    %gt3A_1071 = vector.broadcast %add3A_1046 : vector<1x256xf32> to vector<256x256xf32>
    %gt3A_1072 = arith.cmpf ogt, %gt3A_1070, %gt3A_1071 : vector<256x256xf32>
    %and3A_1073 = arith.andi %gt3A_1072, %lt3A_851 : vector<256x256xi1>
    %broadcast_in_dim3A_1074 = vector.broadcast %reduce_max3A_1069 : f32 to vector<256x256xf32>
    %select_n3A_1075 = arith.select %and3A_1073, %max3A_876, %broadcast_in_dim3A_1074 : vector<256x256xi1>, vector<256x256xf32>
    %reduce_min3A_1076 = arith.constant dense<0x7F800000> : vector<256xf32>
    %reduce_min3A_1077 = vector.multi_reduction <minimumf>, %select_n3A_1075, %reduce_min3A_1076 [0] : vector<256x256xf32> to vector<256xf32>
    %broadcast_in_dim3A_1078 = vector.shape_cast %reduce_min3A_1077 : vector<256xf32> to vector<1x256xf32>
    %sqrt3A_1079 = math.sqrt %broadcast_in_dim3A_1078 : vector<1x256xf32>
    %div3A_1080 = arith.constant 22.6274166 : f32
    %div3A_1081 = vector.broadcast %div3A_1080 : f32 to vector<1x256xf32>
    %div3A_1082 = arith.divf %sqrt3A_1079, %div3A_1081 : vector<1x256xf32>
    %mul3A_1083 = arith.mulf %div3A_1082, %add3A_1046 : vector<1x256xf32>
    %iota3A_1084 = tpu.iota {dimensions = array<i32: 1>} : vector<1x256xi32>
    %lt3A_1085 = arith.constant 243 : i32
    %lt3A_1086 = vector.broadcast %lt3A_1085 : i32 to vector<1x256xi32>
    %lt3A_1087 = arith.cmpi slt, %iota3A_1084, %lt3A_1086 : vector<1x256xi32>
    %neg3A_1088 = arith.constant 0.000000e+00 : f32
    %neg3A_1089 = arith.constant 0x7F800000 : f32
    %neg3A_1090 = arith.subf %neg3A_1088, %neg3A_1089 : f32
    %broadcast_in_dim3A_1091 = vector.broadcast %neg3A_1090 : f32 to vector<1x256xf32>
    %select_n3A_1092 = arith.select %lt3A_1087, %mul3A_1083, %broadcast_in_dim3A_1091 : vector<1x256xi1>, vector<1x256xf32>
    %eq3A_1093 = arith.cmpi eq, %iota3A_847, %iota3A_848 : vector<256x256xi32>
    %broadcast_in_dim3A_1094 = vector.shape_cast %select_n3A_1092 : vector<1x256xf32> to vector<1x256xf32>
    %broadcast_in_dim3A_1095 = vector.broadcast %broadcast_in_dim3A_1094 : vector<1x256xf32> to vector<256x256xf32>
    %jit3A_1096 = arith.constant 0.000000e+00 : f32
    %broadcast_in_dim3A_1097 = vector.broadcast %jit3A_1096 : f32 to vector<256x256xf32>
    %select_n3A_1098 = arith.select %eq3A_1093, %broadcast_in_dim3A_1095, %broadcast_in_dim3A_1097 : vector<256x256xi1>, vector<256x256xf32>
    %reduce_sum3A_1099 = arith.constant dense<0.000000e+00> : vector<256xf32>
    %reduce_sum3A_1100 = vector.multi_reduction <add>, %select_n3A_1098, %reduce_sum3A_1099 [1] : vector<256x256xf32> to vector<256xf32>
    %broadcast_in_dim3A_1101 = vector.shape_cast %reduce_sum3A_1100 : vector<256xf32> to vector<256x1xf32>
    %gt3A_1102 = vector.broadcast %select_n3A_1092 : vector<1x256xf32> to vector<256x256xf32>
    %gt3A_1103 = vector.broadcast %broadcast_in_dim3A_1101 : vector<256x1xf32> to vector<256x256xf32>
    %gt3A_1104 = arith.cmpf ogt, %gt3A_1102, %gt3A_1103 : vector<256x256xf32>
    %eq3A_1105 = vector.broadcast %select_n3A_1092 : vector<1x256xf32> to vector<256x256xf32>
    %eq3A_1106 = vector.broadcast %broadcast_in_dim3A_1101 : vector<256x1xf32> to vector<256x256xf32>
    %eq3A_1107 = arith.cmpf oeq, %eq3A_1105, %eq3A_1106 : vector<256x256xf32>
    %lt3A_1108 = arith.cmpi slt, %iota3A_848, %iota3A_847 : vector<256x256xi32>
    %and3A_1109 = arith.andi %eq3A_1107, %lt3A_1108 : vector<256x256xi1>
    %or3A_1110 = arith.ori %gt3A_1104, %and3A_1109 : vector<256x256xi1>
    %convert_element_type3A_1111 = arith.extui %or3A_1110 : vector<256x256xi1> to vector<256x256xi32>
    %reduce_sum3A_1112 = arith.constant dense<0> : vector<256xi32>
    %reduce_sum3A_1113 = vector.multi_reduction <add>, %convert_element_type3A_1111, %reduce_sum3A_1112 [1] : vector<256x256xi32> to vector<256xi32>
    %broadcast_in_dim3A_1114 = vector.shape_cast %reduce_sum3A_1113 : vector<256xi32> to vector<256x1xi32>
    %iota3A_1115 = tpu.iota {dimensions = array<i32: 1>} : vector<256x128xi32>
    %iota3A_1116 = tpu.iota {dimensions = array<i32: 0>} : vector<256x128xi32>
    %eq3A_1117 = vector.broadcast %broadcast_in_dim3A_1114 : vector<256x1xi32> to vector<256x128xi32>
    %eq3A_1118 = arith.cmpi eq, %eq3A_1117, %iota3A_1115 : vector<256x128xi32>
    %jit3A_1119 = arith.constant 0 : i32
    %broadcast_in_dim3A_1120 = vector.broadcast %jit3A_1119 : i32 to vector<256x128xi32>
    %select_n3A_1121 = arith.select %eq3A_1118, %iota3A_1116, %broadcast_in_dim3A_1120 : vector<256x128xi1>, vector<256x128xi32>
    %reduce_sum3A_1122 = arith.constant dense<0> : vector<128xi32>
    %reduce_sum3A_1123 = vector.multi_reduction <add>, %select_n3A_1121, %reduce_sum3A_1122 [0] : vector<256x128xi32> to vector<128xi32>
    %broadcast_in_dim3A_1124 = vector.shape_cast %reduce_sum3A_1123 : vector<128xi32> to vector<1x128xi32>
    %swap3A_1125 = arith.constant 3 : index
    %swap3A_1126 = arith.constant 0 : index
    %swap3A_1127 = arith.constant 0 : index
    %swap3A_1128 = vector.load %arg2[%swap3A_1125, %swap3A_1126, %swap3A_1127] : memref<4x1x128xi32, #tpu.memory_space<vmem>>, vector<1x1x128xi32>
    %swap3A_1129 = vector.shape_cast %swap3A_1128 : vector<1x1x128xi32> to vector<1x128xi32>
    %swap3A_1130 = vector.shape_cast %broadcast_in_dim3A_1124 : vector<1x128xi32> to vector<1x1x128xi32>
    tpu.vector_store %arg2[%swap3A_1125, %swap3A_1126, %swap3A_1127], %swap3A_1130 {strides = array<i32>} : memref<4x1x128xi32, #tpu.memory_space<vmem>>, vector<1x1x128xi32>,
    return
  }
  func.func @transform_0(%arg0: i32) -> (i32, i32, i32) {
    %c0_i32 = arith.constant 0 : i32
    %c0_i32_0 = arith.constant 0 : i32
    %c0_i32_1 = arith.constant 0 : i32
    return %arg0, %c0_i32, %c0_i32_0 : i32, i32, i32
  }
  func.func @transform_1(%arg0: i32) -> (i32, i32, i32) {
    %c0_i32 = arith.constant 0 : i32
    %c0_i32_0 = arith.constant 0 : i32
    %c0_i32_1 = arith.constant 0 : i32
    return %arg0, %c0_i32, %c0_i32_0 : i32, i32, i32
  }
}

</mosaic_0001>

<sc_bundles>
// kernel: kernel.5.cloned.1.call-start
scs
__scs_entry_jumppad:
0x0: {  	(pc) =	sbr.rel $0x88, $3  }
0x1: {  	(tag) =	ssettag $0x0;
	lr =	simm.s32 $0x1  }
0x2: {  	[smem:$0x3F9A] =	sst lr;
	_ =	strace $0xD0000000  }
0x3: {  	_ = 	snop  }
0x4: {  	_ = 	snop  }
0x5: {  	_ = 	snop  }
0x6: {  	_ = 	snop  }
0x7: {  	_ = 	snop  }
__scs_overlays_trampoline_lowered:
0x8: {  	[smem:$0x3FA9] =	sst s0  }
0x9: {  	[smem:$0x3FAA] =	sst s1  }
0xa: {  	[smem:$0x3FAB] =	sst s2  }
0xb: {  	[smem:$0x3FAC] =	sst s3  }
0xc: {  	[smem:$0x3FAD] =	sst s4  }
0xd: {  	[smem:$0x3FAE] =	sst s5  }
0xe: {  	[smem:$0x3FAF] =	sst s6  }
0xf: {  	[smem:$0x3FB0] =	sst s7  }
0x10: {  	[smem:$0x3FB1] =	sst s8  }
0x11: {  	[smem:$0x3FB2] =	sst s9;
	s0 =	simm.s32 @!p0 $0x0  }
0x12: {  	s1 =	sld [smem:$0x3F98];
	s0 =	simm.s32 @p0 $0x1  }
0x13: {  	[smem:$0x3FB3] =	sst s0;
	s0 =	simm.s32 @!p1 $0x0  }
0x14: {  	s2 =	sld [smem:$0x3F97];
	s0 =	simm.s32 @p1 $0x1  }
0x15: {  	[smem:$0x3FB4] =	sst s0;
	s0 =	simm.s32 @!p2 $0x0  }
0x16: {  	s3 =	sld [smem:$0x3FDB];
	s0 =	simm.s32 @p2 $0x1  }
0x17: {  	s4 =	simm.s32 $0x1BF5;
	[smem:$0x3FB6] =	sst s0  }
0x18: {  	s0 =	sld [smem:$0x3F99];
	_ =	swait.ge [sflag:s4], $0x0  }
0x19: {  	s7 =	sld [smem:$0x3F9A]  }
0x1a: {  	s8 =	sadd.s32 $0xFFFFE003, lr  }
0x1b: {  	s9 =	sadd.s32 $0xFFFFFEF7, lr;
	s5 =	simm.s32 $0xFFFFFFFF;
	p2 =	slt.u32 s8, $0xFFFFF086  }
0x1c: {  	p1 =	slt.u32 s9, $0xF7A;
	s5 =	simm.s32 @!p2 $0x0  }
0x1d: {  	s5 =	simm.s32 @p1 $0x1;
	p0 =	seq.s32 s7, s2  }
0x1e: {  	s7 =	smul.u32 @!p0 $0xF7A, s2;
	p2 =	seq.s32 @!p0 s5, $0x0  }
0x1f: {  	s9 =	smul.u32 $0xF7A, s1;
	s8 =	simm.s32 @!p0 $0x1BF5;
	p2 =	por !p2, p0  }
0x20: {  	[sflag:s8] =	ssyncset.s32 @!p0 $0xFFFFF086;
	s6 =	sadd.s32 @!p0 s3, s7;
	s7 =	simm.s32 @!p0 $0x108  }
0x21: {  	s3 =	sadd.s32 s3, s9;
	s6 =	sadd.s32 @!p0 $0x88, s6;
	s7 =	simm.s32 @p2 $0x1082  }
0x22: {  	[simem:s7], [sflag:s8] =	dma.local @!p0 [hbm:s6], $0xF7A  }
0x23: {  	s9 =	sor.u32 $0xD0000000, s2;
	s6 =	simm.s32 $0x108;
	_ =	swait.ge @!p0 [sflag:s8], $0x0  }
0x24: {  	s3 =	sadd.s32 $0x88, s3;
	s6 =	simm.s32 @!p1 $0x1082;
	[sflag:s4] =	ssyncset.s32 $0xFFFFF086  }
0x25: {  	[simem:s6], [sflag:s4] =	dma.local [hbm:s3], $0xF7A  }
0x26: {  	[smem:$0x3F9A] =	sst s1;
	(tag) =	ssettag s2;
	_ =	strace s9  }
0x27: {  	s1 =	sld [smem:$0x3FAA]  }
0x28: {  	s2 =	sld [smem:$0x3FAB]  }
0x29: {  	s4 =	sld [smem:$0x3FAD]  }
0x2a: {  	p0 =	seq.s32 s5, $0x0;
	s5 =	sld [smem:$0x3FAE]  }
0x2b: {  	s6 =	sld [smem:$0x3FAF]  }
0x2c: {  	s7 =	sld [smem:$0x3FB0]  }
0x2d: {  	s3 =	simm.s32 $0x108;
	s8 =	sld [smem:$0x3FB1]  }
0x2e: {  	s3 =	simm.s32 @!p0 $0x1082;
	s9 =	sld [smem:$0x3FB2]  }
0x2f: {  	lr =	sadd.s32 s0, s3;
	s0 =	sld [smem:$0x3FA9]  }
0x30: {  	s3 =	sld [smem:$0x3FAC]  }
0x31: {  	[smem:$0x3FB5] =	sst s10  }
0x32: {  	s10 =	sld [smem:$0x3FB3];
	_ =	sdelay $0x3  }
0x33: {  	p0 =	seq.s32 s10, $0x1;
	s10 =	sld [smem:$0x3FB5];
	_ =	sdelay $0x3  }
0x34: {  	[smem:$0x3FB5] =	sst s10  }
0x35: {  	s10 =	sld [smem:$0x3FB4];
	_ =	sdelay $0x3  }
0x36: {  	p1 =	seq.s32 s10, $0x1;
	s10 =	sld [smem:$0x3FB5];
	_ =	sdelay $0x3  }
0x37: {  	[smem:$0x3FB5] =	sst s10  }
0x38: {  	s10 =	sld [smem:$0x3FB6]  }
0x39: {  	_ = 	snop;
	(pc) =	sbr.ind lr, $3  }
0x3a: {  	_ = 	snop  }
0x3b: {  	_ = 	snop  }
0x3c: {  	p2 =	seq.s32 s10, $0x1;
	s10 =	sld [smem:$0x3FB5]  }
0x3d: {  	_ =	shalt  }
0x3e: {  	_ =	shalt  }
0x3f: {  	_ =	shalt  }
0x40: {  	_ =	shalt  }
0x41: {  	_ =	shalt  }
0x42: {  	_ =	shalt  }
0x43: {  	_ =	shalt  }
0x44: {  	_ =	shalt  }
0x45: {  	_ =	shalt  }
0x46: {  	_ =	shalt  }
0x47: {  	_ =	shalt  }
0x48: {  	_ =	shalt  }
0x49: {  	_ =	shalt  }
0x4a: {  	_ =	shalt  }
0x4b: {  	_ =	shalt  }
0x4c: {  	_ =	shalt  }
0x4d: {  	_ =	shalt  }
0x4e: {  	_ =	shalt  }
0x4f: {  	_ =	shalt  }
0x50: {  	_ =	shalt  }
0x51: {  	_ =	shalt  }
0x52: {  	_ =	shalt  }
0x53: {  	_ =	shalt  }
0x54: {  	_ =	shalt  }
0x55: {  	_ =	shalt  }
0x56: {  	_ =	shalt  }
0x57: {  	_ =	shalt  }
0x58: {  	_ =	shalt  }
0x59: {  	_ =	shalt  }
0x5a: {  	_ =	shalt  }
0x5b: {  	_ =	shalt  }
0x5c: {  	_ =	shalt  }
0x5d: {  	_ =	shalt  }
0x5e: {  	_ =	shalt  }
0x5f: {  	_ =	shalt  }
0x60: {  	_ =	shalt  }
0x61: {  	_ =	shalt  }
0x62: {  	_ =	shalt  }
0x63: {  	_ =	shalt  }
0x64: {  	_ =	shalt  }
0x65: {  	_ =	shalt  }
0x66: {  	_ =	shalt  }
0x67: {  	_ =	shalt  }
0x68: {  	_ =	shalt  }
0x69: {  	_ =	shalt  }
0x6a: {  	_ =	shalt  }
0x6b: {  	_ =	shalt  }
0x6c: {  	_ =	shalt  }
0x6d: {  	_ =	shalt  }
0x6e: {  	_ =	shalt  }
0x6f: {  	_ =	shalt  }
0x70: {  	_ =	shalt  }
0x71: {  	_ =	shalt  }
0x72: {  	_ =	shalt  }
0x73: {  	_ =	shalt  }
0x74: {  	_ =	shalt  }
0x75: {  	_ =	shalt  }
0x76: {  	_ =	shalt  }
0x77: {  	_ =	shalt  }
0x78: {  	_ =	shalt  }
0x79: {  	_ =	shalt  }
0x7a: {  	_ =	shalt  }
0x7b: {  	_ =	shalt  }
0x7c: {  	_ =	shalt  }
0x7d: {  	_ =	shalt  }
0x7e: {  	_ =	shalt  }
0x7f: {  	_ =	shalt  }
0x80: {  	_ =	shalt  }
0x81: {  	_ =	shalt  }
0x82: {  	_ =	shalt  }
0x83: {  	_ =	shalt  }
0x84: {  	_ =	shalt  }
0x85: {  	_ =	shalt  }
0x86: {  	_ =	shalt  }
0x87: {  	_ =	shalt  }
.Lfunc_end0:
.L_simem_size_0:
called_computation_lowered:
.L_overlay_start_0:
0x88: {  	s2 =	sld [smem:$0x3FD9]  }
0x89: {  	s3 =	sld [smem:$0x3FFE];
	_ =	sdelay $0x1  }
0x8a: {  	s1 =	srdreg.scid  }
0x8b: {  	s0 =	sand.u32 $0x1, s1  }
0x8c: {  	s17 =	sshll.u32 s0, $0xA;
	s2 =	sadd.s32 s3, s2  }
0x8d: {  	s2 =	sadd.s32 s2, s17  }
0x8e: {  	[smem:$0x3FC1] =	sst s2  }
0x8f: {  	_ = 	snop  }
0x90: {  	s2 =	sld [smem:$0x3FD0];
	(tm) =	ssettm $0x1  }
0x91: {  	s18 =	sld [smem:$0x3FFB];
	_ =	sdelay $0x3  }
0x92: {  	_ =	strace s18  }
0x93: {  	s3 =	sld [smem:$0x3FFC];
	_ =	sdelay $0x3  }
0x94: {  	_ =	strace s3  }
0x95: {  	s3 =	sld [smem:$0x3FFD];
	_ =	sdelay $0x3  }
0x96: {  	_ =	strace s3  }
0x97: {  	_ =	strace $0x8FFFFFFF  }
0x98: {  	s19 =	sld [smem:$0x3FDB];
	_ =	sdelay $0x1  }
0x99: {  	s4 =	simm.s32 $_scs_section_size  }
0x9a: {  	s5 =	simm.s32 $_size__tile_overlayer_lowered;
	s6 =	simm.s32 $_tile_overlayer_lowered  }
0x9b: {  	s22 =	simm.s32 $0x1BFF;
	s21 =	sshll.u32 s6, $0x1;
	s3 =	sadd.s32 s4, s19  }
0x9c: {  	s7 =	simm.s32 $0x0;
	s20 =	sshll.u32 s5, $0x1;
	s5 =	sadd.s32 s21, s3  }
0x9d: {  	[timem:s7], [sflag:s22] =	dma.local [hbm:s5], s20  }
0x9e: {  	_ =	swait.ge [sflag:s22], s20  }
0x9f: {  	s4 =	ssub.s32 $0x0, s20;
	[sflag:s22] =	ssyncset.done $0x0  }
0xa0: {  	[sflag:s22] =	ssyncadd.s32 s4;
	_ =	sdelay $0x1  }
0xa1: {  	s23 =	simm.s32 $0x1B8B  }
0xa2: {  	_ =	swait.ge [sflag:s23], $0x1  }
0xa3: {  	[sflag:s23] =	ssyncset.done $0x0  }
0xa4: {  	s25 =	simm.s32 $0x1B8E;
	s24 =	sld [smem:$0x3FFE];
	[sflag:s23] =	ssyncadd.s32 $0xFFFFFFFF  }
0xa5: {  	s26 =	simm.s32 $execute0_lowered;
	[smem:$0x3FD2] =	sst s25  }
0xa6: {  	s5 =	sshll.u32 s26, $0x1;
	_ =	strace $0x80000046;
	[dreg:$0x1] =	wrdreg $0xFFFFFFFF  }
0xa7: {  	s28 =	simm.s32 $_size_execute0_lowered;
	s3 =	sadd.s32 s3, s5;
	[dreg:$0x0] =	wrdreg $0x0  }
0xa8: {  	s5 =	sshll.u32 s28, $0x1;
	[dreg:$0x2] =	wrdreg s3  }
0xa9: {  	[dreg:$0x3] =	wrdreg s5  }
0xaa: {  	[dreg:$0x4] =	wrdreg $0xC0  }
0xab: {  	_ =	task [dreg:s7], $0x5FFFF  }
0xac: {  	[dreg:$0x1] =	wrdreg $0xFFFFFFFF  }
0xad: {  	[dreg:$0x0] =	wrdreg $0x60  }
0xae: {  	[dreg:$0x2] =	wrdreg s24  }
0xaf: {  	[dreg:$0x3] =	wrdreg s2  }
0xb0: {  	[dreg:$0x4] =	wrdreg $0x9  }
0xb1: {  	_ =	task.clear_ibuf [dreg:s7], $0x5FFFF;
	_ =	strace $0x90000046  }
0xb2: {  	s29 =	simm.s32 $0x9;
	_ =	strace $0x80000048  }
0xb3: {  	_ =	swait.ge [sflag:s29], $0x1  }
0xb4: {  	[sflag:s29] =	ssyncadd.s32 $0xFFFFFFFF  }
0xb5: {  	_ =	strace $0x90000048  }
0xb6: {  	_ =	sfence  }
0xb7: {  	s30 =	sld [smem:$0x0];
	_ =	sdelay $0x2  }
0xb8: {  	s31 =	sshll.u32 s1, $0xD;
	s1 =	sshrl.u32 s1, $0x2  }
0xb9: {  	s3 =	sand.u32 $0x4000, s31;
	s1 =	sadd.s32 s1, s30  }
0xba: {  	s0 =	sor.u32 s3, s0;
	s1 =	sshll.u32 s1, $0x11  }
0xbb: {  	s0 =	sor.u32 s1, s0  }
0xbc: {  	s0 =	sadd.s32 $0x8F2B, s0  }
0xbd: {  	[sflag:s0] =	ssyncadd.remote.s32 $0x1  }
0xbe: {  	_ =	sfence.sel $0xFFFF  }
0xbf: {  	[dreg:$0x0] =	wrdreg $0xFFFFFFFF;
	(pc) =	sbr.abs _section_cstart, $3  }
0xc0: {  	[dreg:$0x1] =	wrdreg $0xFFFFFFFF  }
0xc1: {  	_ =	task.clear_ibuf [dreg:s7], $0x2FFFF;
	_ =	strace $0x9FFFFFFF  }
0xc2: {  	(tm) =	ssettm $0x7FFFFFFF  }
0xc3: {  	_ =	shalt  }
tec
execute0_lowered:
.L_overlay_start_1:
0x0: {  	(tag) =	ssettag $0x1  }
0x1: {  	s1 =	srdreg.scid;
	s0 =	stileid.u32  }
0x2: {  	s3 =	rddreg [dreg:$0x0];
	s1 =	sand.u32 $0x1, s1;
	s2 =	sshll.u32 s0, $0x1  }
0x3: {  	s4 =	rddreg [dreg:$0x1];
	s5 =	sor.u32 s1, s2;
	s2 =	simm.s32 $0x0  }
0x4: {  	s20 =	simm.s32 $0x900;
	[smem:$0x7FF] =	sst s2  }
0x5: {  	s21 =	simm.s32 $0x1100;
	_ =	strace $0x80000047;
	[dreg:$0x5] =	wrdreg s20  }
0x6: {  	s22 =	simm.s32 $0x1900;
	[dreg:$0x6] =	wrdreg s21  }
0x7: {  	s23 =	simm.s32 $0x2100;
	[dreg:$0x7] =	wrdreg s22  }
0x8: {  	s24 =	simm.s32 $0x2900;
	s25 =	simm.s32 $0x3100;
	[dreg:$0x8] =	wrdreg s23  }
0x9: {  	s26 =	simm.s32 $0x3900;
	s8 =	simm.s32 $0x5900;
	[dreg:$0x9] =	wrdreg s24  }
0xa: {  	s9 =	simm.s32 $0x6100;
	s10 =	simm.s32 $0x6900;
	[dreg:$0xa] =	wrdreg s25  }
0xb: {  	s12 =	simm.s32 $0x7100;
	s0 =	simm.s32 $0x4100;
	[dreg:$0xb] =	wrdreg s26  }
0xc: {  	s13 =	simm.s32 $0x7900;
	s15 =	simm.s32 $0x8100;
	[dreg:$0xc] =	wrdreg s0  }
0xd: {  	s16 =	simm.s32 $0x8900;
	s18 =	simm.s32 $0x9100;
	[dreg:$0xf] =	wrdreg s8  }
0xe: {  	s19 =	simm.s32 $0x9900;
	s28 =	simm.s32 $0x16900;
	[dreg:$0x10] =	wrdreg s9  }
0xf: {  	s29 =	simm.s32 $0x17100;
	s30 =	simm.s32 $0x17900;
	[dreg:$0x11] =	wrdreg s10  }
0x10: {  	s31 =	simm.s32 $0x1;
	s11 =	sadd.s32 $0x1200, s3;
	[dreg:$0x12] =	wrdreg s12  }
0x11: {  	s1 =	ssub.s32 $0x2, s1;
	s7 =	smul.u32 $0x3000, s5;
	[dreg:$0x13] =	wrdreg s13  }
0x12: {  	s6 =	sshll.u32 s5, $0x5;
	s17 =	smul.u32 $0x7C00, s5;
	[dreg:$0x14] =	wrdreg s15  }
0x13: {  	s14 =	sshrl.u32 s1, $0x1;
	s5 =	smul.u32 $0x3E000, s5;
	[dreg:$0x15] =	wrdreg s16  }
0x14: {  	s6 =	sadd.s32 s6, s3;
	s1 =	ssub.s32 s1, s14;
	[dreg:$0x16] =	wrdreg s18  }
0x15: {  	[dreg:$0x17] =	wrdreg s19;
	s20 =	simm.s32 $0xA100;
	s21 =	simm.s32 $0xA900  }
0x16: {  	s22 =	simm.s32 $0xB100;
	s23 =	simm.s32 $0xB900;
	s24 =	simm.s32 $0xC100  }
0x17: {  	s25 =	simm.s32 $0xC900;
	s26 =	simm.s32 $0xD100;
	s10 =	simm.s32 $0xE100  }
0x18: {  	s12 =	simm.s32 $0xF100;
	s13 =	simm.s32 $0xF900;
	[dreg:$0x18] =	wrdreg s20  }
0x19: {  	s14 =	simm.s32 $0x10100;
	s15 =	simm.s32 $0x10900;
	[dreg:$0x19] =	wrdreg s21  }
0x1a: {  	s16 =	simm.s32 $0x11100;
	s18 =	simm.s32 $0x12100;
	[dreg:$0x1a] =	wrdreg s22  }
0x1b: {  	s19 =	simm.s32 $0x12900;
	s6 =	sadd.s32 $0xF9200, s6;
	[dreg:$0x1b] =	wrdreg s23  }
0x1c: {  	s4 =	sadd.s32 s4, s7;
	s7 =	simm.s32 $0x5100;
	[dreg:$0x1c] =	wrdreg s24  }
0x1d: {  	s3 =	sadd.s32 s11, s17;
	s5 =	sshrl.u32 s5, $0x3;
	[dreg:$0x1d] =	wrdreg s25  }
0x1e: {  	[dreg:$0x1e] =	wrdreg s26;
	s17 =	simm.s32 $0x11900;
	s20 =	simm.s32 $0x13100  }
0x1f: {  	s21 =	simm.s32 $0x13900;
	s22 =	simm.s32 $0x14100;
	s23 =	simm.s32 $0x14900  }
0x20: {  	s24 =	simm.s32 $0x15100;
	s25 =	simm.s32 $0x15900;
	[dreg:$0x3] =	wrdreg s6  }
0x21: {  	s26 =	simm.s32 $0x16100;
	[dreg:$0x4] =	wrdreg s4;
	s6 =	simm.s32 $0x4900  }
0x22: {  	v2 =	vlaneseq.u32;
	[dreg:$0xe] =	wrdreg s7;
	s5 =	sadd.s32 s11, s5;
	s7 =	simm.s32 $0x100  }
0x23: {  	vm0 =	vmmov $0xffff;
	v1 =	vshrl.u32 v2, $0x3;
	s8 =	sadd.s32 $0x100, s3;
	s11 =	simm.s32 $0xE900;
	[dreg:$0xd] =	wrdreg s6  }
0x24: {  	v0 =	vand.u32 $0x7, v2;
	v2 =	vor.u32 $0x8, v2;
	v1 =	vmul.u32 $0x8, v1;
	s4 =	sadd.s32 $0x3E00, s5;
	s5 =	smax.u32 s1, $0x1;
	s6 =	simm.s32 $0x2  }
.LBB2_1:
0x25: {  	s1 =	rddreg [dreg:$0x3]  }
0x26: {  	[tilespmem:s2], [sflag:$0x2] =	stream.linear.gather [hbm4b:s1+s2], $0x100, $0x38;
	[tilespmem:$0x18100] =	vst v63  }
0x27: {  	_ =	swait.ge [sflag:s6], $0x100  }
0x28: {  	[sflag:s6] =	ssyncset.done $0x0  }
0x29: {  	[sflag:s6] =	ssyncadd.s32 $0xFFFFFF00  }
0x2a: {  	v3 =	vld [tilespmem:$0x0];
	_ =	sdelay $0x4  }
0x2b: {  	v4 =	vshll.u32 v3, $0x2  }
0x2c: {  	v3 =	vand.u32 $0x7, v3;
	v4 =	vand.u32 $0xFFFFFFE0, v4  }
0x2d: {  	v3 =	vor.u32 v3, v4  }
0x2e: {  	v4 =	vperm.xlane v3, v0;
	_ =	sdelay $0x1  }
0x2f: {  	v4 =	vadd.s32 v1, v4;
	_ =	sdelay $0x1  }
0x30: {  	v3 =	vperm.xlane v3, v2;
	_ =	sdelay $0x1  }
0x31: {  	v3 =	vadd.s32 v1, v3  }
0x32: {  	[tilespmem:s7], [sflag:$0x1] =	stream.indirect_vreg.gather [hbm4b:s3+s2], $0x80, v4, vm0, $0xb8;
	[tilespmem:$0x18100] =	vst v63  }
0x33: {  	s9 =	rddreg [dreg:$0x5]  }
0x34: {  	[tilespmem:s9], [sflag:$0x1] =	stream.indirect_vreg.gather [hbm4b:s8+s2], $0x80, v4, vm0, $0xb8;
	[tilespmem:$0x18100] =	vst v63  }
0x35: {  	s0 =	rddreg [dreg:$0x6]  }
0x36: {  	[tilespmem:s0], [sflag:$0x1] =	stream.indirect_vreg.gather [hbm4b:s3+s2], $0x80, v3, vm0, $0xb8;
	[tilespmem:$0x18100] =	vst v63  }
0x37: {  	s9 =	rddreg [dreg:$0x7]  }
0x38: {  	[tilespmem:s9], [sflag:$0x1] =	stream.indirect_vreg.gather [hbm4b:s8+s2], $0x80, v3, vm0, $0xb8;
	[tilespmem:$0x18100] =	vst v63  }
0x39: {  	v3 =	vld [tilespmem:$0x10];
	_ =	sdelay $0x4  }
0x3a: {  	v53 =	vshll.u32 v3, $0x2  }
0x3b: {  	v3 =	vand.u32 $0x7, v3;
	v4 =	vand.u32 $0xFFFFFFE0, v53  }
0x3c: {  	v3 =	vor.u32 v3, v4  }
0x3d: {  	v4 =	vperm.xlane v3, v0;
	_ =	sdelay $0x1  }
0x3e: {  	v4 =	vadd.s32 v1, v4;
	_ =	sdelay $0x1  }
0x3f: {  	v3 =	vperm.xlane v3, v2;
	_ =	sdelay $0x1  }
0x40: {  	s1 =	rddreg [dreg:$0x8];
	v3 =	vadd.s32 v1, v3  }
0x41: {  	[tilespmem:s1], [sflag:$0x1] =	stream.indirect_vreg.gather [hbm4b:s3+s2], $0x80, v4, vm0, $0xb8;
	[tilespmem:$0x18100] =	vst v63  }
0x42: {  	s9 =	rddreg [dreg:$0x9]  }
0x43: {  	[tilespmem:s9], [sflag:$0x1] =	stream.indirect_vreg.gather [hbm4b:s8+s2], $0x80, v4, vm0, $0xb8;
	[tilespmem:$0x18100] =	vst v63  }
0x44: {  	s0 =	rddreg [dreg:$0xa]  }
0x45: {  	[tilespmem:s0], [sflag:$0x1] =	stream.indirect_vreg.gather [hbm4b:s3+s2], $0x80, v3, vm0, $0xb8;
	[tilespmem:$0x18100] =	vst v63  }
0x46: {  	s9 =	rddreg [dreg:$0xb]  }
0x47: {  	[tilespmem:s9], [sflag:$0x1] =	stream.indirect_vreg.gather [hbm4b:s8+s2], $0x80, v3, vm0, $0xb8;
	[tilespmem:$0x18100] =	vst v63  }
0x48: {  	v3 =	vld [tilespmem:$0x20];
	_ =	sdelay $0x4  }
0x49: {  	v54 =	vshll.u32 v3, $0x2  }
0x4a: {  	v3 =	vand.u32 $0x7, v3;
	v4 =	vand.u32 $0xFFFFFFE0, v54  }
0x4b: {  	v3 =	vor.u32 v3, v4  }
0x4c: {  	v4 =	vperm.xlane v3, v0;
	_ =	sdelay $0x1  }
0x4d: {  	v4 =	vadd.s32 v1, v4;
	_ =	sdelay $0x1  }
0x4e: {  	v3 =	vperm.xlane v3, v2;
	_ =	sdelay $0x1  }
0x4f: {  	s1 =	rddreg [dreg:$0xc];
	v3 =	vadd.s32 v1, v3  }
0x50: {  	[tilespmem:s1], [sflag:$0x1] =	stream.indirect_vreg.gather [hbm4b:s3+s2], $0x80, v4, vm0, $0xb8;
	[tilespmem:$0x18100] =	vst v63  }
0x51: {  	s9 =	rddreg [dreg:$0xd]  }
0x52: {  	[tilespmem:s9], [sflag:$0x1] =	stream.indirect_vreg.gather [hbm4b:s8+s2], $0x80, v4, vm0, $0xb8;
	[tilespmem:$0x18100] =	vst v63  }
0x53: {  	s0 =	rddreg [dreg:$0xe]  }
0x54: {  	[tilespmem:s0], [sflag:$0x1] =	stream.indirect_vreg.gather [hbm4b:s3+s2], $0x80, v3, vm0, $0xb8;
	[tilespmem:$0x18100] =	vst v63  }
0x55: {  	s9 =	rddreg [dreg:$0xf]  }
0x56: {  	[tilespmem:s9], [sflag:$0x1] =	stream.indirect_vreg.gather [hbm4b:s8+s2], $0x80, v3, vm0, $0xb8;
	[tilespmem:$0x18100] =	vst v63  }
0x57: {  	v3 =	vld [tilespmem:$0x30];
	_ =	sdelay $0x4  }
0x58: {  	v55 =	vshll.u32 v3, $0x2  }
0x59: {  	v3 =	vand.u32 $0x7, v3;
	v4 =	vand.u32 $0xFFFFFFE0, v55  }
0x5a: {  	v3 =	vor.u32 v3, v4  }
0x5b: {  	v4 =	vperm.xlane v3, v0;
	_ =	sdelay $0x1  }
0x5c: {  	v4 =	vadd.s32 v1, v4;
	_ =	sdelay $0x1  }
0x5d: {  	v3 =	vperm.xlane v3, v2;
	_ =	sdelay $0x1  }
0x5e: {  	s1 =	rddreg [dreg:$0x10];
	v3 =	vadd.s32 v1, v3  }
0x5f: {  	[tilespmem:s1], [sflag:$0x1] =	stream.indirect_vreg.gather [hbm4b:s3+s2], $0x80, v4, vm0, $0xb8;
	[tilespmem:$0x18100] =	vst v63  }
0x60: {  	s9 =	rddreg [dreg:$0x11]  }
0x61: {  	[tilespmem:s9], [sflag:$0x1] =	stream.indirect_vreg.gather [hbm4b:s8+s2], $0x80, v4, vm0, $0xb8;
	[tilespmem:$0x18100] =	vst v63  }
0x62: {  	s0 =	rddreg [dreg:$0x12]  }
0x63: {  	[tilespmem:s0], [sflag:$0x1] =	stream.indirect_vreg.gather [hbm4b:s3+s2], $0x80, v3, vm0, $0xb8;
	[tilespmem:$0x18100] =	vst v63  }
0x64: {  	s9 =	rddreg [dreg:$0x13]  }
0x65: {  	[tilespmem:s9], [sflag:$0x1] =	stream.indirect_vreg.gather [hbm4b:s8+s2], $0x80, v3, vm0, $0xb8;
	[tilespmem:$0x18100] =	vst v63  }
0x66: {  	v3 =	vld [tilespmem:$0x40];
	_ =	sdelay $0x4  }
0x67: {  	v56 =	vshll.u32 v3, $0x2  }
0x68: {  	v3 =	vand.u32 $0x7, v3;
	v4 =	vand.u32 $0xFFFFFFE0, v56  }
0x69: {  	v3 =	vor.u32 v3, v4  }
0x6a: {  	v4 =	vperm.xlane v3, v0;
	_ =	sdelay $0x1  }
0x6b: {  	v4 =	vadd.s32 v1, v4;
	_ =	sdelay $0x1  }
0x6c: {  	v3 =	vperm.xlane v3, v2;
	_ =	sdelay $0x1  }
0x6d: {  	s1 =	rddreg [dreg:$0x14];
	v3 =	vadd.s32 v1, v3  }
0x6e: {  	[tilespmem:s1], [sflag:$0x1] =	stream.indirect_vreg.gather [hbm4b:s3+s2], $0x80, v4, vm0, $0xb8;
	[tilespmem:$0x18100] =	vst v63  }
0x6f: {  	s9 =	rddreg [dreg:$0x15]  }
0x70: {  	[tilespmem:s9], [sflag:$0x1] =	stream.indirect_vreg.gather [hbm4b:s8+s2], $0x80, v4, vm0, $0xb8;
	[tilespmem:$0x18100] =	vst v63  }
0x71: {  	s0 =	rddreg [dreg:$0x16]  }
0x72: {  	[tilespmem:s0], [sflag:$0x1] =	stream.indirect_vreg.gather [hbm4b:s3+s2], $0x80, v3, vm0, $0xb8;
	[tilespmem:$0x18100] =	vst v63  }
0x73: {  	s9 =	rddreg [dreg:$0x17]  }
0x74: {  	[tilespmem:s9], [sflag:$0x1] =	stream.indirect_vreg.gather [hbm4b:s8+s2], $0x80, v3, vm0, $0xb8;
	[tilespmem:$0x18100] =	vst v63  }
0x75: {  	v3 =	vld [tilespmem:$0x50];
	_ =	sdelay $0x4  }
0x76: {  	v57 =	vshll.u32 v3, $0x2  }
0x77: {  	v3 =	vand.u32 $0x7, v3;
	v4 =	vand.u32 $0xFFFFFFE0, v57  }
0x78: {  	v3 =	vor.u32 v3, v4  }
0x79: {  	v4 =	vperm.xlane v3, v0;
	_ =	sdelay $0x1  }
0x7a: {  	v4 =	vadd.s32 v1, v4;
	_ =	sdelay $0x1  }
0x7b: {  	v3 =	vperm.xlane v3, v2;
	_ =	sdelay $0x1  }
0x7c: {  	s1 =	rddreg [dreg:$0x18];
	v3 =	vadd.s32 v1, v3  }
0x7d: {  	[tilespmem:s1], [sflag:$0x1] =	stream.indirect_vreg.gather [hbm4b:s3+s2], $0x80, v4, vm0, $0xb8;
	[tilespmem:$0x18100] =	vst v63  }
0x7e: {  	s9 =	rddreg [dreg:$0x19]  }
0x7f: {  	[tilespmem:s9], [sflag:$0x1] =	stream.indirect_vreg.gather [hbm4b:s8+s2], $0x80, v4, vm0, $0xb8;
	[tilespmem:$0x18100] =	vst v63  }
0x80: {  	s0 =	rddreg [dreg:$0x1a]  }
0x81: {  	[tilespmem:s0], [sflag:$0x1] =	stream.indirect_vreg.gather [hbm4b:s3+s2], $0x80, v3, vm0, $0xb8;
	[tilespmem:$0x18100] =	vst v63  }
0x82: {  	s9 =	rddreg [dreg:$0x1b]  }
0x83: {  	[tilespmem:s9], [sflag:$0x1] =	stream.indirect_vreg.gather [hbm4b:s8+s2], $0x80, v3, vm0, $0xb8;
	[tilespmem:$0x18100] =	vst v63  }
0x84: {  	v3 =	vld [tilespmem:$0x80];
	_ =	sdelay $0x4  }
0x85: {  	v58 =	vshll.u32 v3, $0x2  }
0x86: {  	v3 =	vand.u32 $0x7, v3;
	v4 =	vand.u32 $0xFFFFFFE0, v58  }
0x87: {  	v3 =	vor.u32 v3, v4  }
0x88: {  	v4 =	vperm.xlane v3, v0;
	_ =	sdelay $0x1  }
0x89: {  	v4 =	vadd.s32 v1, v4;
	_ =	sdelay $0x1  }
0x8a: {  	v3 =	vperm.xlane v3, v2;
	_ =	sdelay $0x1  }
0x8b: {  	s1 =	rddreg [dreg:$0x1c];
	v3 =	vadd.s32 v1, v3  }
0x8c: {  	[tilespmem:s1], [sflag:$0x1] =	stream.indirect_vreg.gather [hbm4b:s4+s2], $0x80, v4, vm0, $0xb8;
	[tilespmem:$0x18100] =	vst v63  }
0x8d: {  	s9 =	rddreg [dreg:$0x1d];
	s1 =	sadd.s32 $0x100, s4  }
0x8e: {  	[tilespmem:s9], [sflag:$0x1] =	stream.indirect_vreg.gather [hbm4b:s1+s2], $0x80, v4, vm0, $0xb8;
	[tilespmem:$0x18100] =	vst v63  }
0x8f: {  	s0 =	rddreg [dreg:$0x1e]  }
0x90: {  	[tilespmem:s0], [sflag:$0x1] =	stream.indirect_vreg.gather [hbm4b:s4+s2], $0x80, v3, vm0, $0xb8;
	[tilespmem:$0x18100] =	vst v63  }
0x91: {  	s9 =	simm.s32 $0xD900  }
0x92: {  	[tilespmem:s9], [sflag:$0x1] =	stream.indirect_vreg.gather [hbm4b:s1+s2], $0x80, v3, vm0, $0xb8;
	[tilespmem:$0x18100] =	vst v63  }
0x93: {  	v3 =	vld [tilespmem:$0x90];
	_ =	sdelay $0x4  }
0x94: {  	v59 =	vshll.u32 v3, $0x2  }
0x95: {  	v3 =	vand.u32 $0x7, v3;
	v4 =	vand.u32 $0xFFFFFFE0, v59  }
0x96: {  	v3 =	vor.u32 v3, v4  }
0x97: {  	v4 =	vperm.xlane v3, v0;
	_ =	sdelay $0x1  }
0x98: {  	v4 =	vadd.s32 v1, v4;
	_ =	sdelay $0x1  }
0x99: {  	v3 =	vperm.xlane v3, v2;
	_ =	sdelay $0x1  }
0x9a: {  	v3 =	vadd.s32 v1, v3  }
0x9b: {  	[tilespmem:s10], [sflag:$0x1] =	stream.indirect_vreg.gather [hbm4b:s4+s2], $0x80, v4, vm0, $0xb8;
	[tilespmem:$0x18100] =	vst v63  }
0x9c: {  	_ = 	snop  }
0x9d: {  	[tilespmem:s11], [sflag:$0x1] =	stream.indirect_vreg.gather [hbm4b:s1+s2], $0x80, v4, vm0, $0xb8;
	[tilespmem:$0x18100] =	vst v63  }
0x9e: {  	_ = 	snop  }
0x9f: {  	[tilespmem:s12], [sflag:$0x1] =	stream.indirect_vreg.gather [hbm4b:s4+s2], $0x80, v3, vm0, $0xb8;
	[tilespmem:$0x18100] =	vst v63  }
0xa0: {  	_ = 	snop  }
0xa1: {  	[tilespmem:s13], [sflag:$0x1] =	stream.indirect_vreg.gather [hbm4b:s1+s2], $0x80, v3, vm0, $0xb8;
	[tilespmem:$0x18100] =	vst v63  }
0xa2: {  	v3 =	vld [tilespmem:$0xA0];
	_ =	sdelay $0x4  }
0xa3: {  	v60 =	vshll.u32 v3, $0x2  }
0xa4: {  	v3 =	vand.u32 $0x7, v3;
	v4 =	vand.u32 $0xFFFFFFE0, v60  }
0xa5: {  	v3 =	vor.u32 v3, v4  }
0xa6: {  	v4 =	vperm.xlane v3, v0;
	_ =	sdelay $0x1  }
0xa7: {  	v4 =	vadd.s32 v1, v4;
	_ =	sdelay $0x1  }
0xa8: {  	v3 =	vperm.xlane v3, v2;
	_ =	sdelay $0x1  }
0xa9: {  	v3 =	vadd.s32 v1, v3  }
0xaa: {  	[tilespmem:s14], [sflag:$0x1] =	stream.indirect_vreg.gather [hbm4b:s4+s2], $0x80, v4, vm0, $0xb8;
	[tilespmem:$0x18100] =	vst v63  }
0xab: {  	_ = 	snop  }
0xac: {  	[tilespmem:s15], [sflag:$0x1] =	stream.indirect_vreg.gather [hbm4b:s1+s2], $0x80, v4, vm0, $0xb8;
	[tilespmem:$0x18100] =	vst v63  }
0xad: {  	_ = 	snop  }
0xae: {  	[tilespmem:s16], [sflag:$0x1] =	stream.indirect_vreg.gather [hbm4b:s4+s2], $0x80, v3, vm0, $0xb8;
	[tilespmem:$0x18100] =	vst v63  }
0xaf: {  	_ = 	snop  }
0xb0: {  	[tilespmem:s17], [sflag:$0x1] =	stream.indirect_vreg.gather [hbm4b:s1+s2], $0x80, v3, vm0, $0xb8;
	[tilespmem:$0x18100] =	vst v63  }
0xb1: {  	v3 =	vld [tilespmem:$0xB0];
	_ =	sdelay $0x4  }
0xb2: {  	v61 =	vshll.u32 v3, $0x2  }
0xb3: {  	v3 =	vand.u32 $0x7, v3;
	v4 =	vand.u32 $0xFFFFFFE0, v61  }
0xb4: {  	v3 =	vor.u32 v3, v4  }
0xb5: {  	v4 =	vperm.xlane v3, v0;
	_ =	sdelay $0x1  }
0xb6: {  	v4 =	vadd.s32 v1, v4;
	_ =	sdelay $0x1  }
0xb7: {  	v3 =	vperm.xlane v3, v2;
	_ =	sdelay $0x1  }
0xb8: {  	v3 =	vadd.s32 v1, v3  }
0xb9: {  	[tilespmem:s18], [sflag:$0x1] =	stream.indirect_vreg.gather [hbm4b:s4+s2], $0x80, v4, vm0, $0xb8;
	[tilespmem:$0x18100] =	vst v63  }
0xba: {  	_ = 	snop  }
0xbb: {  	[tilespmem:s19], [sflag:$0x1] =	stream.indirect_vreg.gather [hbm4b:s1+s2], $0x80, v4, vm0, $0xb8;
	[tilespmem:$0x18100] =	vst v63  }
0xbc: {  	_ = 	snop  }
0xbd: {  	[tilespmem:s20], [sflag:$0x1] =	stream.indirect_vreg.gather [hbm4b:s4+s2], $0x80, v3, vm0, $0xb8;
	[tilespmem:$0x18100] =	vst v63  }
0xbe: {  	_ = 	snop  }
0xbf: {  	[tilespmem:s21], [sflag:$0x1] =	stream.indirect_vreg.gather [hbm4b:s1+s2], $0x80, v3, vm0, $0xb8;
	[tilespmem:$0x18100] =	vst v63  }
0xc0: {  	v3 =	vld [tilespmem:$0xC0];
	_ =	sdelay $0x4  }
0xc1: {  	v62 =	vshll.u32 v3, $0x2  }
0xc2: {  	v3 =	vand.u32 $0x7, v3;
	v4 =	vand.u32 $0xFFFFFFE0, v62  }
0xc3: {  	v3 =	vor.u32 v3, v4  }
0xc4: {  	v4 =	vperm.xlane v3, v0;
	_ =	sdelay $0x1  }
0xc5: {  	v4 =	vadd.s32 v1, v4;
	_ =	sdelay $0x1  }
0xc6: {  	v3 =	vperm.xlane v3, v2;
	_ =	sdelay $0x1  }
0xc7: {  	v3 =	vadd.s32 v1, v3  }
0xc8: {  	[tilespmem:s22], [sflag:$0x1] =	stream.indirect_vreg.gather [hbm4b:s4+s2], $0x80, v4, vm0, $0xb8;
	[tilespmem:$0x18100] =	vst v63  }
0xc9: {  	_ = 	snop  }
0xca: {  	[tilespmem:s23], [sflag:$0x1] =	stream.indirect_vreg.gather [hbm4b:s1+s2], $0x80, v4, vm0, $0xb8;
	[tilespmem:$0x18100] =	vst v63  }
0xcb: {  	_ = 	snop  }
0xcc: {  	[tilespmem:s24], [sflag:$0x1] =	stream.indirect_vreg.gather [hbm4b:s4+s2], $0x80, v3, vm0, $0xb8;
	[tilespmem:$0x18100] =	vst v63  }
0xcd: {  	_ = 	snop  }
0xce: {  	[tilespmem:s25], [sflag:$0x1] =	stream.indirect_vreg.gather [hbm4b:s1+s2], $0x80, v3, vm0, $0xb8;
	[tilespmem:$0x18100] =	vst v63  }
0xcf: {  	v3 =	vld [tilespmem:$0xD0];
	_ =	sdelay $0x4  }
0xd0: {  	v63 =	vshll.u32 v3, $0x2  }
0xd1: {  	v3 =	vand.u32 $0x7, v3;
	v4 =	vand.u32 $0xFFFFFFE0, v63  }
0xd2: {  	v3 =	vor.u32 v3, v4  }
0xd3: {  	v4 =	vperm.xlane v3, v0;
	_ =	sdelay $0x1  }
0xd4: {  	v4 =	vadd.s32 v1, v4;
	_ =	sdelay $0x1  }
0xd5: {  	v3 =	vperm.xlane v3, v2;
	_ =	sdelay $0x1  }
0xd6: {  	v3 =	vadd.s32 v1, v3  }
0xd7: {  	[tilespmem:s26], [sflag:$0x1] =	stream.indirect_vreg.gather [hbm4b:s4+s2], $0x80, v4, vm0, $0xb8;
	[tilespmem:$0x18100] =	vst v63  }
0xd8: {  	_ = 	snop  }
0xd9: {  	[tilespmem:s28], [sflag:$0x1] =	stream.indirect_vreg.gather [hbm4b:s1+s2], $0x80, v4, vm0, $0xb8;
	[tilespmem:$0x18100] =	vst v63  }
0xda: {  	_ = 	snop  }
0xdb: {  	[tilespmem:s29], [sflag:$0x1] =	stream.indirect_vreg.gather [hbm4b:s4+s2], $0x80, v3, vm0, $0xb8;
	[tilespmem:$0x18100] =	vst v63  }
0xdc: {  	_ = 	snop  }
0xdd: {  	[tilespmem:s30], [sflag:$0x1] =	stream.indirect_vreg.gather [hbm4b:s1+s2], $0x80, v3, vm0, $0xb8;
	[tilespmem:$0x18100] =	vst v63  }
0xde: {  	_ =	swait.ge [sflag:s31], $0xC000  }
0xdf: {  	[sflag:s31] =	ssyncset.done $0x0  }
0xe0: {  	[sflag:s31] =	ssyncadd.s32 $0xFFFF4000  }
0xe1: {  	_ =	swait.ge [sflag:s31], $0xC000  }
0xe2: {  	p0 =	sne.s32 s5, $0x1;
	[sflag:s31] =	ssyncset.done $0x0  }
.Ltmp0:
0xe3: {  	s9 =	rddreg [dreg:$0x4];
	[sflag:s31] =	ssyncadd.s32 $0xFFFF4000;
	(pc) =	sbr.rel @p0 .LBB2_1-.Ltmp0, $4  }
0xe4: {  	[hbm4b:s9+s2] =	stream.linear.scatter [tilespmem:s7], [sflag:$0x2], $0x18000, $0x38;
	[tilespmem:$0x18100] =	vst v63  }
0xe5: {  	_ =	swait.ge [sflag:s6], $0x18000  }
0xe6: {  	[sflag:s6] =	ssyncset.done $0x0  }
0xe7: {  	s5 =	sadd.s32 $0xFFFFFFFF, s5;
	[sflag:s6] =	ssyncadd.s32 $0xFFFE8000  }
0xe8: {  	_ =	sfence.sel $0x180000  }
0xe9: {  	[bflag:$0x0] =	sbarrier.arrive $0xFFFF  }
0xea: {  	_ =	strace $0x90000047  }
0xeb: {  	s0 =	stileid.u32;
	[bflag:$0x2] =	sbarrier.arrive $0xFFFF  }
0xec: {  	p0 =	sne.s32 s0, $0x0;
	s0 =	rddreg [dreg:$0x2]  }
0xed: {  	s0 =	sadd.s32 @!p0 $0x100000, s0  }
0xee: {  	[sflag:s0] =	ssyncadd.tile.s32 @!p0 $0x1;
	_ =	shalt  }
.Lfunc_end2:
_tile_overlayer_lowered:
.L_overlay_start_2:
0xef: {  	(tag) =	ssettag $0x2  }
0xf0: {  	s0 =	rddreg [dreg:$0x0];
	s2 =	stileid.u32  }
0xf1: {  	s1 =	rddreg [dreg:$0x1];
	p0 =	sne.s32 s2, $0x0  }
0xf2: {  	s3 =	rddreg [dreg:$0x2];
	[bflag:$0x3] =	sbarrier.arrive $0xFFFF;
	s2 =	simm.s32 @!p0 $0x1C02  }
0xf3: {  	[timem:s3], [sflag:s2] =	dma.local @!p0 [hbm:s0], s1  }
0xf4: {  	s0 =	simm.s32 @!p0 $0x2  }
0xf5: {  	_ =	swait.ge @!p0 [sflag:s0], s1  }
0xf6: {  	s1 =	ssub.s32 @!p0 $0x0, s1;
	[sflag:s0] =	ssyncset.done @!p0 $0x0  }
0xf7: {  	[sflag:s0] =	ssyncadd.s32 @!p0 s1  }
0xf8: {  	[bflag:$0x3] =	sbarrier.arrive $0xFFFF  }
0xf9: {  	_ =	shalt  }

</sc_bundles>
